<compile_context>
chip_gen: v7x
topology: tpu7x:2x2x1
jax: 0.10.2.dev20260603
libtpu: 0.0.44.dev20260713+nightly
codegen_flags: <defaults>
</compile_context>

<pallas_src>
import functools

import jax
import jax.numpy as jnp
from jax import lax
from jax.experimental import pallas as pl
from jax.experimental.pallas import tpu as pltpu
from jax.experimental.pallas import tpu_sc as plsc

BN = 512
KC = 48
SC_NW = 32
SC_L = 128
SC_G = 8
NPAD_ALIGN = 2048


def _sc_gather(table, idx2d):
    n_idx_rows, _ = idx2d.shape
    d = table.shape[1]
    n_rows = table.shape[0]
    dt = table.dtype
    m = n_idx_rows * SC_L
    idx_flat = idx2d.reshape(m)
    per_w = m // SC_NW
    ch = SC_G * SC_L
    n_super = per_w // ch
    rows_per_tile = n_rows // 16
    mesh = plsc.VectorSubcoreMesh(core_axis_name="c", subcore_axis_name="s")

    @functools.partial(
        pl.kernel,
        mesh=mesh,
        out_type=jax.ShapeDtypeStruct((m, d), dt),
        scratch_types=[
            pltpu.VMEM((ch,), jnp.int32),
            pltpu.VMEM((ch,), jnp.int32),
            pltpu.VMEM((ch, d), dt),
            pltpu.VMEM((ch, d), dt),
            pltpu.VMEM_SHARED((n_rows, d), dt),
            pltpu.SemaphoreType.DMA,
            pltpu.SemaphoreType.DMA,
            pltpu.SemaphoreType.DMA,
        ],
        compiler_params=pltpu.CompilerParams(use_tc_tiling_on_sc=False),
    )
    def gather_kernel(idx_hbm, table_hbm, out_hbm,
                      idx_v0, idx_v1, rows_v0, rows_v1, table_s,
                      gat_sem, out_sem0, out_sem1):
        wid = lax.axis_index("s") * 2 + lax.axis_index("c")
        base = wid * per_w

        sid = lax.axis_index("s")
        pltpu.sync_copy(
            table_hbm.at[pl.ds(sid * rows_per_tile, rows_per_tile)],
            table_s.at[pl.ds(sid * rows_per_tile, rows_per_tile)],
        )
        plsc.subcore_barrier()

        def chunk(s, idx_v, rows_v, out_sem):
            off = base + s * ch

            @pl.when(s >= 2)
            def _():
                pltpu.make_async_copy(
                    rows_v, out_hbm.at[pl.ds(off, ch)], out_sem
                ).wait()

            pltpu.sync_copy(idx_hbm.at[pl.ds(off, ch)], idx_v)
            pltpu.async_copy(table_s.at[idx_v], rows_v, gat_sem).wait()
            pltpu.async_copy(rows_v, out_hbm.at[pl.ds(off, ch)], out_sem)

        def body(s, carry):
            @pl.when(s % 2 == 0)
            def _():
                chunk(s, idx_v0, rows_v0, out_sem0)

            @pl.when(s % 2 == 1)
            def _():
                chunk(s, idx_v1, rows_v1, out_sem1)

            return carry

        lax.fori_loop(0, n_super, body, 0)
        if n_super >= 2:
            pltpu.make_async_copy(
                rows_v0, out_hbm.at[pl.ds(base, ch)], out_sem0).wait()
            pltpu.make_async_copy(
                rows_v1, out_hbm.at[pl.ds(base, ch)], out_sem1).wait()

    return gather_kernel(idx_flat, table)


def _lstm_chunk(gx, h, c, counts2, scal, wcat_t, bias, hd):
    n_pad = h.shape[0]
    dp = gx.shape[2]
    gd = wcat_t.shape[1]

    def body(scal_ref, gx_ref, h_ref, c_ref, cnt_ref, w_ref, b_ref,
             ho_ref, co_ref):
        k0 = scal_ref[0]
        k_tot = scal_ref[1]
        keff = jnp.minimum(k_tot - k0, KC)
        cnt = cnt_ref[...]

        def step(k, carry):
            h_c, c_c = carry
            xt = gx_ref[k].astype(jnp.bfloat16)
            xc = jnp.concatenate([xt, h_c.astype(jnp.bfloat16)], axis=1)
            z = jnp.dot(xc, w_ref[...],
                        preferred_element_type=jnp.float32) + b_ref[...]
            gi = z[:, 0 * hd:1 * hd]
            gf = z[:, 1 * hd:2 * hd]
            gg = z[:, 2 * hd:3 * hd]
            go = z[:, 3 * hd:4 * hd]
            c_n = jax.nn.sigmoid(gf) * c_c + jax.nn.sigmoid(gi) * jnp.tanh(gg)
            h_n = jax.nn.sigmoid(go) * jnp.tanh(c_n)
            mask = (k0 + k) < cnt
            return jnp.where(mask, h_n, h_c), jnp.where(mask, c_n, c_c)

        hf, cf = lax.fori_loop(0, keff, step, (h_ref[...], c_ref[...]))
        ho_ref[...] = hf
        co_ref[...] = cf

    grid = (n_pad // BN,)
    return pl.pallas_call(
        body,
        grid=grid,
        in_specs=[
            pl.BlockSpec(memory_space=pltpu.SMEM),
            pl.BlockSpec((KC, BN, dp), lambda nb: (0, nb, 0)),
            pl.BlockSpec((BN, hd), lambda nb: (nb, 0)),
            pl.BlockSpec((BN, hd), lambda nb: (nb, 0)),
            pl.BlockSpec((BN, 1), lambda nb: (nb, 0)),
            pl.BlockSpec((dp + hd, gd), lambda nb: (0, 0)),
            pl.BlockSpec((1, gd), lambda nb: (0, 0)),
        ],
        out_specs=[
            pl.BlockSpec((BN, hd), lambda nb: (nb, 0)),
            pl.BlockSpec((BN, hd), lambda nb: (nb, 0)),
        ],
        out_shape=[
            jax.ShapeDtypeStruct((n_pad, hd), jnp.float32),
            jax.ShapeDtypeStruct((n_pad, hd), jnp.float32),
        ],
    )(scal, gx, h, c, counts2, wcat_t, bias)


def _dense1(xf, h1, wd1, b1):
    n_pad = xf.shape[0]

    def body(xf_ref, h_ref, w_ref, b_ref, o_ref):
        xc = jnp.concatenate([xf_ref[...], h_ref[...]], axis=1)
        z = jnp.dot(xc, w_ref[...],
                    preferred_element_type=jnp.float32) + b_ref[...]
        o_ref[...] = jnp.maximum(z, 0.0)

    return pl.pallas_call(
        body,
        grid=(n_pad // BN,),
        in_specs=[
            pl.BlockSpec((BN, xf.shape[1]), lambda nb: (nb, 0)),
            pl.BlockSpec((BN, h1.shape[1]), lambda nb: (nb, 0)),
            pl.BlockSpec(wd1.shape, lambda nb: (0, 0)),
            pl.BlockSpec(b1.shape, lambda nb: (0, 0)),
        ],
        out_specs=pl.BlockSpec((BN, 32), lambda nb: (nb, 0)),
        out_shape=jax.ShapeDtypeStruct((n_pad, 32), jnp.float32),
    )(xf, h1, wd1, b1)


def _dense2_head(x1, h2, wd2, b2, fc1_t, fc1_b, fc2_t, fc2_b):
    n_pad = x1.shape[0]

    def body(x_ref, h_ref, w_ref, b_ref, w1_ref, b1_ref, w2_ref, b2_ref,
             o_ref):
        xc = jnp.concatenate([x_ref[...], h_ref[...]], axis=1)
        z = jnp.dot(xc, w_ref[...],
                    preferred_element_type=jnp.float32) + b_ref[...]
        x2 = jnp.maximum(z, 0.0)
        t = jnp.dot(x2, w1_ref[...],
                    preferred_element_type=jnp.float32) + b1_ref[...]
        t = jnp.where(t > 0, t, 0.01 * t)
        y = jnp.dot(t, w2_ref[...],
                    preferred_element_type=jnp.float32) + b2_ref[0, 0]
        o_ref[...] = y

    return pl.pallas_call(
        body,
        grid=(n_pad // BN,),
        in_specs=[
            pl.BlockSpec((BN, 32), lambda nb: (nb, 0)),
            pl.BlockSpec((BN, 32), lambda nb: (nb, 0)),
            pl.BlockSpec(wd2.shape, lambda nb: (0, 0)),
            pl.BlockSpec(b2.shape, lambda nb: (0, 0)),
            pl.BlockSpec(fc1_t.shape, lambda nb: (0, 0)),
            pl.BlockSpec(fc1_b.shape, lambda nb: (0, 0)),
            pl.BlockSpec(fc2_t.shape, lambda nb: (0, 0)),
            pl.BlockSpec((1, 1), lambda nb: (0, 0), memory_space=pltpu.SMEM),
        ],
        out_specs=pl.BlockSpec((BN, 8), lambda nb: (nb, 0)),
        out_shape=jax.ShapeDtypeStruct((n_pad, 8), jnp.float32),
    )(x1, h2, wd2, b2, fc1_t, fc1_b, fc2_t, fc2_b)


def _layer(table_p, counts2, rank, dst_s, src_s, k_max, wcat_t, bias, hd):
    n_pad = table_p.shape[0]
    m = KC * n_pad
    h0 = jnp.zeros((n_pad, hd), jnp.float32)

    def cond(s):
        return s[0] < k_max

    def body(s):
        k0, h, c = s
        rel = rank - k0
        init = jnp.broadcast_to(
            jnp.arange(n_pad, dtype=jnp.int32)[None, :], (KC, n_pad)
        ).reshape(m)
        pos = rel * n_pad + dst_s
        nbr = init.at[pos].add(src_s - dst_s, mode="drop",
                               unique_indices=True)
        gx = _sc_gather(table_p, nbr.reshape(m // SC_L, SC_L))
        gx = gx.reshape(KC, n_pad, table_p.shape[1])
        scal = jnp.stack([k0, k_max]).astype(jnp.int32)
        h, c = _lstm_chunk(gx, h, c, counts2, scal, wcat_t, bias, hd)
        return k0 + KC, h, c

    _, h, _ = lax.while_loop(cond, body, (jnp.int32(0), h0, h0))
    return h


def _regate(wt, hd, hp):
    if hd == hp:
        return wt
    parts = [
        jnp.pad(wt[:, g * hd:(g + 1) * hd], ((0, 0), (0, hp - hd)))
        for g in range(4)
    ]
    return jnp.concatenate(parts, axis=1)


def _pad_rows(a, rows):
    return jnp.pad(a, ((0, rows - a.shape[0]), (0, 0)))


def kernel(node_features, edge_index,
           l1_W_ih, l1_W_hh, l1_b_ih, l1_b_hh, l1_fc_self_w, l1_fc_self_b,
           l1_fc_neigh_w,
           l2_W_ih, l2_W_hh, l2_b_ih, l2_b_hh, l2_fc_self_w, l2_fc_self_b,
           l2_fc_neigh_w,
           fc1_w, fc1_b, fc2_w, fc2_b):
    n = node_features.shape[0]
    n_pad = ((n + NPAD_ALIGN - 1) // NPAD_ALIGN) * NPAD_ALIGN

    src = edge_index[0]
    dst = edge_index[1]
    counts = jnp.zeros((n_pad,), jnp.int32).at[dst].add(1)
    order = jnp.argsort(dst, stable=True)
    dst_s = dst[order]
    src_s = src[order]
    starts = jnp.cumsum(counts) - counts
    rank = jnp.arange(dst.shape[0], dtype=jnp.int32) - starts[dst_s]
    k_max = jnp.max(counts)
    counts2 = counts[:, None]

    xf = _pad_rows(jnp.pad(node_features, ((0, 0), (0, 11))), n_pad)
    w1 = jnp.concatenate([
        _pad_rows(_regate(l1_W_ih.T, 5, 8), 16),
        _pad_rows(_regate(l1_W_hh.T, 5, 8), 8),
    ]).astype(jnp.bfloat16)
    b1 = _regate((l1_b_ih + l1_b_hh)[None, :], 5, 8)
    h1 = _layer(xf, counts2, rank, dst_s, src_s, k_max, w1, b1, 8)

    wd1 = jnp.concatenate([
        _pad_rows(l1_fc_self_w.T, 16),
        _pad_rows(l1_fc_neigh_w.T, 8),
    ])
    x1 = _dense1(xf, h1, wd1, l1_fc_self_b[None, :])

    w2 = jnp.concatenate([l2_W_ih.T, l2_W_hh.T]).astype(jnp.bfloat16)
    b2 = (l2_b_ih + l2_b_hh)[None, :]
    h2 = _layer(x1.astype(jnp.bfloat16), counts2, rank, dst_s, src_s, k_max,
                w2, b2, 32)

    wd2 = jnp.concatenate([l2_fc_self_w.T, l2_fc_neigh_w.T])
    y = _dense2_head(
        x1, h2, wd2, l2_fc_self_b[None, :],
        fc1_w.T, fc1_b[None, :],
        jnp.pad(fc2_w.T, ((0, 0), (0, 7))), fc2_b.reshape(1, 1),
    )
    return y[:n, :1]

# --- scband reference (transcript-rebuilt; emitter-appended) ---
"""Pipeline reference for scband-graph-sage-46686294507955 (READ-ONLY COPY).

The authoritative reference and input builder live on the scoring server;
editing this copy changes nothing except your own understanding.
"""

import jax, jax.numpy as jnp
import numpy as np

N = 50000
E = 800000
D_IN = 5
HID = 32


def _init(key, shape, scale):
    return jax.random.normal(key, shape, dtype=jnp.float32) * scale


def setup_inputs(seed: int = 0):
    key = jax.random.key(seed)
    ks = jax.random.split(key, 24)
    inp = {}
    inp["node_features"] = jax.random.normal(ks[0], (N, D_IN), dtype=jnp.float32)
    inp["edge_index"] = jax.random.randint(ks[1], (2, E), 0, N, dtype=jnp.int32)
    # SAGEConv layer 1 (in=5, out=32, lstm aggregator: LSTM(5 -> 5))
    inp["l1_W_ih"] = _init(ks[2], (4 * D_IN, D_IN), 0.3)
    inp["l1_W_hh"] = _init(ks[3], (4 * D_IN, D_IN), 0.3)
    inp["l1_b_ih"] = _init(ks[4], (4 * D_IN,), 0.1)
    inp["l1_b_hh"] = _init(ks[5], (4 * D_IN,), 0.1)
    inp["l1_fc_self_w"] = _init(ks[6], (HID, D_IN), 0.3)
    inp["l1_fc_self_b"] = _init(ks[7], (HID,), 0.1)
    inp["l1_fc_neigh_w"] = _init(ks[8], (HID, D_IN), 0.3)
    # SAGEConv layer 2 (in=32, out=32, lstm aggregator: LSTM(32 -> 32))
    inp["l2_W_ih"] = _init(ks[9], (4 * HID, HID), 0.15)
    inp["l2_W_hh"] = _init(ks[10], (4 * HID, HID), 0.15)
    inp["l2_b_ih"] = _init(ks[11], (4 * HID,), 0.1)
    inp["l2_b_hh"] = _init(ks[12], (4 * HID,), 0.1)
    inp["l2_fc_self_w"] = _init(ks[13], (HID, HID), 0.15)
    inp["l2_fc_self_b"] = _init(ks[14], (HID,), 0.1)
    inp["l2_fc_neigh_w"] = _init(ks[15], (HID, HID), 0.15)
    # MLP head
    inp["fc1_w"] = _init(ks[16], (16, HID), 0.15)
    inp["fc1_b"] = _init(ks[17], (16,), 0.1)
    inp["fc2_w"] = jax.random.normal(ks[18], (1, 16), dtype=jnp.float32) * 0.01 + 0.1
    inp["fc2_b"] = _init(ks[19], (1,), 0.1)
    return inp


def _build_nbr(edge_index, n_nodes):
    # Represent ragged incoming neighborhoods as dst-sorted segments:
    # node n's k-th neighbor is src_s[starts[n] + k] for k < counts[n].
    src = edge_index[0]
    dst = edge_index[1]
    order = jnp.argsort(dst)  # stable sort preserves edge order within a dst
    dst_s = dst[order]
    src_s = src[order]
    counts = jnp.bincount(dst, length=n_nodes)
    starts = jnp.cumsum(counts) - counts
    return src_s, starts, counts


def _lstm_agg(x, src_s, starts, counts, W_ih, W_hh, b_ih, b_hh):
    # DGL 'lstm' aggregator: run an LSTM over each node's neighbor features,
    # take the final hidden state. PyTorch gate order (i, f, g, o).
    h0 = jnp.zeros((x.shape[0], x.shape[1]), x.dtype)
    K = jnp.max(counts)
    e_max = src_s.shape[0] - 1

    def cond(carry):
        k, _, _ = carry
        return k < K

    def body(carry):
        k, h, c = carry
        idx = jnp.clip(starts + k, 0, e_max)
        xt = x[src_s[idx]]
        mt = k < counts
        z = xt @ W_ih.T + b_ih + h @ W_hh.T + b_hh
        i, f, g, o = jnp.split(z, 4, axis=-1)
        c_new = jax.nn.sigmoid(f) * c + jax.nn.sigmoid(i) * jnp.tanh(g)
        h_new = jax.nn.sigmoid(o) * jnp.tanh(c_new)
        m = mt[:, None]
        return (k + 1, jnp.where(m, h_new, h), jnp.where(m, c_new, c))

    _, hK, _ = jax.lax.while_loop(cond, body, (jnp.zeros((), counts.dtype), h0, h0))
    return hK


def reference(node_features, edge_index,
              l1_W_ih, l1_W_hh, l1_b_ih, l1_b_hh, l1_fc_self_w, l1_fc_self_b, l1_fc_neigh_w,
              l2_W_ih, l2_W_hh, l2_b_ih, l2_b_hh, l2_fc_self_w, l2_fc_self_b, l2_fc_neigh_w,
              fc1_w, fc1_b, fc2_w, fc2_b):
    src_s, starts, counts = _build_nbr(edge_index, node_features.shape[0])
    # SAGEConv 1: rst = fc_self(h) + fc_neigh(lstm_agg(neighbors))
    hn1 = _lstm_agg(node_features, src_s, starts, counts, l1_W_ih, l1_W_hh, l1_b_ih, l1_b_hh)
    x1 = node_features @ l1_fc_self_w.T + l1_fc_self_b + hn1 @ l1_fc_neigh_w.T
    x1 = jax.nn.relu(x1)
    # SAGEConv 2
    hn2 = _lstm_agg(x1, src_s, starts, counts, l2_W_ih, l2_W_hh, l2_b_ih, l2_b_hh)
    x2 = x1 @ l2_fc_self_w.T + l2_fc_self_b + hn2 @ l2_fc_neigh_w.T
    x2 = jax.nn.relu(x2)
    # torch.stack([x2]).mean(0) over a single graph is the identity
    x = x2 @ fc1_w.T + fc1_b
    x = jnp.where(x > 0, x, 0.01 * x)  # LeakyReLU(0.01)
    x = x @ fc2_w.T + fc2_b
    return x

if __name__ == "__main__":
    import jax
    _d = setup_inputs()
    print(jax.jit(kernel)(*tuple(_d.values())))

</pallas_src>

<mosaic_0001>
#map = affine_map<(d0, d1) -> (0)>
#map1 = affine_map<(d0, d1) -> (0, 0)>
module attributes {stable_mosaic.version = 14 : i64} {
  func.func @gather_kernel(%arg0: i32, %arg1: i32, %arg2: memref<2457600xi32, #tpu.memory_space<hbm>>, %arg3: memref<51200x32xbf16, #tpu.memory_space<hbm>>, %arg4: memref<2457600x32xbf16, #tpu.memory_space<hbm>>, %arg5: memref<1024xi32, #tpu.memory_space<vmem>>, %arg6: memref<1024xi32, #tpu.memory_space<vmem>>, %arg7: memref<1024x32xbf16, #tpu.memory_space<vmem>>, %arg8: memref<1024x32xbf16, #tpu.memory_space<vmem>>, %arg9: memref<51200x32xbf16, #tpu.memory_space<vmem_shared>>, %arg10: memref<!tpu.dma_semaphore, #tpu.memory_space<semaphore_mem>>, %arg11: memref<!tpu.dma_semaphore, #tpu.memory_space<semaphore_mem>>, %arg12: memref<!tpu.dma_semaphore, #tpu.memory_space<semaphore_mem>>) attributes {dimension_semantics = [#tpu.dimension_semantics<core_parallel>, #tpu.dimension_semantics<subcore_parallel>], iteration_bounds = array<i64: 2, 16>, scalar_prefetch = 0 : i64, scratch_operands = 8 : i64, tpu.core_type = #tpu.core_type<sc_vector_subcore>, window_params = [{transform_indices = #map}, {transform_indices = #map1}, {transform_indices = #map1}]} {
    %mul3A = arith.constant 2 : i32
    %mul3A_0 = arith.muli %arg1, %mul3A : i32
    %add3A = arith.addi %mul3A_0, %arg0 : i32
    %mul3A_1 = arith.constant 76800 : i32
    %mul3A_2 = arith.muli %add3A, %mul3A_1 : i32
    %mul3A_3 = arith.constant 3200 : i32
    %mul3A_4 = arith.muli %arg1, %mul3A_3 : i32
    %mul3A_5 = arith.constant 3200 : i32
    %mul3A_6 = arith.muli %arg1, %mul3A_5 : i32
    "tpu.region"() ({
      %run_scoped3A = tpu.sem_alloc : memref<!tpu.dma_semaphore, #tpu.memory_space<semaphore_mem>>
      %dma_start3A = arith.constant 0 : i32
      %dma_start3A_19 = tpu.memref_slice %arg9[%mul3A_6, %dma_start3A] : memref<51200x32xbf16, #tpu.memory_space<vmem_shared>> -> memref<3200x32xbf16, #tpu.memory_space<vmem_shared>>
      %dma_start3A_20 = arith.constant 0 : i32
      %dma_start3A_21 = tpu.memref_slice %arg3[%mul3A_4, %dma_start3A_20] : memref<51200x32xbf16, #tpu.memory_space<hbm>> -> memref<3200x32xbf16, #tpu.memory_space<hbm>>
      tpu.enqueue_dma source(%dma_start3A_21 : memref<3200x32xbf16, #tpu.memory_space<hbm>>) target(%dma_start3A_19 : memref<3200x32xbf16, #tpu.memory_space<vmem_shared>>) target_semaphore(%run_scoped3A : memref<!tpu.dma_semaphore, #tpu.memory_space<semaphore_mem>>)
      %dma_wait3A_22 = arith.constant 0 : i32
      %dma_wait3A_23 = tpu.memref_slice %arg9[%mul3A_6, %dma_wait3A_22] : memref<51200x32xbf16, #tpu.memory_space<vmem_shared>> -> memref<3200x32xbf16, #tpu.memory_space<vmem_shared>>
      %dma_wait3A_24 = arith.constant 0 : i32
      %dma_wait3A_25 = tpu.memref_slice %arg3[%mul3A_4, %dma_wait3A_24] : memref<51200x32xbf16, #tpu.memory_space<hbm>> -> memref<3200x32xbf16, #tpu.memory_space<hbm>>
      tpu.wait_dma2 semaphore(%run_scoped3A : memref<!tpu.dma_semaphore, #tpu.memory_space<semaphore_mem>>) src(%dma_wait3A_25 : memref<3200x32xbf16, #tpu.memory_space<hbm>>) dst(%dma_wait3A_23 : memref<3200x32xbf16, #tpu.memory_space<vmem_shared>>)
      tpu.yield
    }) : () -> ()
    %barrier3A = arith.constant 0 : index
    tpu.barrier barrier_id(%barrier3A)
    %scan3A = arith.constant 0 : i32
    %scan3A_7 = arith.constant 0 : i32
    %scan3A_8 = arith.constant 75 : i32
    %scan3A_9 = arith.addi %scan3A_7, %scan3A_8 : i32
    %scan3A_10 = arith.constant 1 : i32
    scf.for %scan3A_19 = %scan3A_7 to %scan3A_9 step %scan3A_10  : i32 {
      %jit3A = arith.constant 2 : i32
      %eq3A = arith.constant 0 : i32
      %eq3A_20 = arith.cmpi eq, %jit3A, %eq3A : i32
      %jit3A_21 = arith.constant 1 : i32
      %select_n3A = arith.select %eq3A_20, %jit3A_21, %jit3A : i32
      %rem3A = arith.remsi %scan3A_19, %select_n3A : i32
      %ne3A = arith.constant 0 : i32
      %ne3A_22 = arith.cmpi ne, %rem3A, %ne3A : i32
      %lt3A = arith.constant 0 : i32
      %lt3A_23 = arith.cmpi slt, %rem3A, %lt3A : i32
      %lt3A_24 = arith.constant 0 : i32
      %lt3A_25 = arith.cmpi slt, %select_n3A, %lt3A_24 : i32
      %ne3A_26 = arith.xori %lt3A_23, %lt3A_25 : i1
      %and3A = arith.andi %ne3A_26, %ne3A_22 : i1
      %add3A_27 = arith.addi %rem3A, %select_n3A : i32
      %select_n3A_28 = arith.select %and3A, %add3A_27, %rem3A : i32
      %eq3A_29 = arith.constant 0 : i32
      %eq3A_30 = arith.cmpi eq, %select_n3A_28, %eq3A_29 : i32
      %convert_element_type3A = arith.extui %eq3A_30 : i1 to i32
      %cond3A = arith.constant 0 : i32
      %cond3A_31 = arith.cmpi ne, %convert_element_type3A, %cond3A : i32
      scf.if %cond3A_31 {
        %mul3A_53 = arith.constant 1024 : i32
        %mul3A_54 = arith.muli %scan3A_19, %mul3A_53 : i32
        %add3A_55 = arith.addi %mul3A_2, %mul3A_54 : i32
        %ge3A = arith.constant 2 : i32
        %ge3A_56 = arith.cmpi sge, %scan3A_19, %ge3A : i32
        %convert_element_type3A_57 = arith.extui %ge3A_56 : i1 to i32
        %cond3A_58 = arith.constant 0 : i32
        %cond3A_59 = arith.cmpi ne, %convert_element_type3A_57, %cond3A_58 : i32
        scf.if %cond3A_59 {
          %dma_wait3A_69 = arith.constant 0 : i32
          %dma_wait3A_70 = tpu.memref_slice %arg4[%add3A_55, %dma_wait3A_69] : memref<2457600x32xbf16, #tpu.memory_space<hbm>> -> memref<1024x32xbf16, #tpu.memory_space<hbm>>
          %dma_wait3A_71 = arith.constant 0 : i32
          %dma_wait3A_72 = tpu.memref_slice %arg4[%add3A_55, %dma_wait3A_71] : memref<2457600x32xbf16, #tpu.memory_space<hbm>> -> memref<1024x32xbf16, #tpu.memory_space<hbm>>
          tpu.wait_dma2 semaphore(%arg11 : memref<!tpu.dma_semaphore, #tpu.memory_space<semaphore_mem>>) src(%arg7 : memref<1024x32xbf16, #tpu.memory_space<vmem>>) dst(%dma_wait3A_72 : memref<1024x32xbf16, #tpu.memory_space<hbm>>)
        } else {
        }
        "tpu.region"() ({
          %run_scoped3A = tpu.sem_alloc : memref<!tpu.dma_semaphore, #tpu.memory_space<semaphore_mem>>
          %dma_start3A_69 = tpu.memref_slice %arg2[%add3A_55] : memref<2457600xi32, #tpu.memory_space<hbm>> -> memref<1024xi32, #tpu.memory_space<hbm>>
          %dma_start3A_70 = tpu.memref_slice %arg2[%add3A_55] : memref<2457600xi32, #tpu.memory_space<hbm>> -> memref<1024xi32, #tpu.memory_space<hbm>>
          tpu.enqueue_dma source(%dma_start3A_70 : memref<1024xi32, #tpu.memory_space<hbm>>) target(%arg5 : memref<1024xi32, #tpu.memory_space<vmem>>) target_semaphore(%run_scoped3A : memref<!tpu.dma_semaphore, #tpu.memory_space<semaphore_mem>>)
          %dma_wait3A_71 = tpu.memref_slice %arg2[%add3A_55] : memref<2457600xi32, #tpu.memory_space<hbm>> -> memref<1024xi32, #tpu.memory_space<hbm>>
          %dma_wait3A_72 = tpu.memref_slice %arg2[%add3A_55] : memref<2457600xi32, #tpu.memory_space<hbm>> -> memref<1024xi32, #tpu.memory_space<hbm>>
          tpu.wait_dma2 semaphore(%run_scoped3A : memref<!tpu.dma_semaphore, #tpu.memory_space<semaphore_mem>>) src(%dma_wait3A_72 : memref<1024xi32, #tpu.memory_space<hbm>>) dst(%arg5 : memref<1024xi32, #tpu.memory_space<vmem>>)
          tpu.yield
        }) : () -> ()
        %dma_start3A = arith.constant 0 : i32
        %dma_start3A_60 = arith.constant 0 : i32
        %dma_start3A_61 = tpu.memref_slice %arg9[%dma_start3A, %dma_start3A_60] : memref<51200x32xbf16, #tpu.memory_space<vmem_shared>> -> memref<51200x32xbf16, #tpu.memory_space<vmem_shared>>
        tpu.enqueue_indirect_dma source(%dma_start3A_61 : memref<51200x32xbf16, #tpu.memory_space<vmem_shared>>) target(%arg7 : memref<1024x32xbf16, #tpu.memory_space<vmem>>) offsets(%arg5 : memref<1024xi32, #tpu.memory_space<vmem>>) semaphore(%arg10 : memref<!tpu.dma_semaphore, #tpu.memory_space<semaphore_mem>>)
        %dma_wait3A_62 = arith.constant 0 : i32
        %dma_wait3A_63 = arith.constant 0 : i32
        %dma_wait3A_64 = tpu.memref_slice %arg9[%dma_wait3A_62, %dma_wait3A_63] : memref<51200x32xbf16, #tpu.memory_space<vmem_shared>> -> memref<51200x32xbf16, #tpu.memory_space<vmem_shared>>
        tpu.wait_indirect_dma semaphore(%arg10 : memref<!tpu.dma_semaphore, #tpu.memory_space<semaphore_mem>>) src(%dma_wait3A_64 : memref<51200x32xbf16, #tpu.memory_space<vmem_shared>>) dst(%arg7 : memref<1024x32xbf16, #tpu.memory_space<vmem>>)
        %dma_start3A_65 = arith.constant 0 : i32
        %dma_start3A_66 = tpu.memref_slice %arg4[%add3A_55, %dma_start3A_65] : memref<2457600x32xbf16, #tpu.memory_space<hbm>> -> memref<1024x32xbf16, #tpu.memory_space<hbm>>
        %dma_start3A_67 = arith.constant 0 : i32
        %dma_start3A_68 = tpu.memref_slice %arg4[%add3A_55, %dma_start3A_67] : memref<2457600x32xbf16, #tpu.memory_space<hbm>> -> memref<1024x32xbf16, #tpu.memory_space<hbm>>
        tpu.enqueue_dma source(%arg7 : memref<1024x32xbf16, #tpu.memory_space<vmem>>) target(%dma_start3A_68 : memref<1024x32xbf16, #tpu.memory_space<hbm>>) target_semaphore(%arg11 : memref<!tpu.dma_semaphore, #tpu.memory_space<semaphore_mem>>)
      } else {
      }
      %jit3A_32 = arith.constant 2 : i32
      %eq3A_33 = arith.constant 0 : i32
      %eq3A_34 = arith.cmpi eq, %jit3A_32, %eq3A_33 : i32
      %jit3A_35 = arith.constant 1 : i32
      %select_n3A_36 = arith.select %eq3A_34, %jit3A_35, %jit3A_32 : i32
      %rem3A_37 = arith.remsi %scan3A_19, %select_n3A_36 : i32
      %ne3A_38 = arith.constant 0 : i32
      %ne3A_39 = arith.cmpi ne, %rem3A_37, %ne3A_38 : i32
      %lt3A_40 = arith.constant 0 : i32
      %lt3A_41 = arith.cmpi slt, %rem3A_37, %lt3A_40 : i32
      %lt3A_42 = arith.constant 0 : i32
      %lt3A_43 = arith.cmpi slt, %select_n3A_36, %lt3A_42 : i32
      %ne3A_44 = arith.xori %lt3A_41, %lt3A_43 : i1
      %and3A_45 = arith.andi %ne3A_44, %ne3A_39 : i1
      %add3A_46 = arith.addi %rem3A_37, %select_n3A_36 : i32
      %select_n3A_47 = arith.select %and3A_45, %add3A_46, %rem3A_37 : i32
      %eq3A_48 = arith.constant 1 : i32
      %eq3A_49 = arith.cmpi eq, %select_n3A_47, %eq3A_48 : i32
      %convert_element_type3A_50 = arith.extui %eq3A_49 : i1 to i32
      %cond3A_51 = arith.constant 0 : i32
      %cond3A_52 = arith.cmpi ne, %convert_element_type3A_50, %cond3A_51 : i32
      scf.if %cond3A_52 {
        %mul3A_53 = arith.constant 1024 : i32
        %mul3A_54 = arith.muli %scan3A_19, %mul3A_53 : i32
        %add3A_55 = arith.addi %mul3A_2, %mul3A_54 : i32
        %ge3A = arith.constant 2 : i32
        %ge3A_56 = arith.cmpi sge, %scan3A_19, %ge3A : i32
        %convert_element_type3A_57 = arith.extui %ge3A_56 : i1 to i32
        %cond3A_58 = arith.constant 0 : i32
        %cond3A_59 = arith.cmpi ne, %convert_element_type3A_57, %cond3A_58 : i32
        scf.if %cond3A_59 {
          %dma_wait3A_69 = arith.constant 0 : i32
          %dma_wait3A_70 = tpu.memref_slice %arg4[%add3A_55, %dma_wait3A_69] : memref<2457600x32xbf16, #tpu.memory_space<hbm>> -> memref<1024x32xbf16, #tpu.memory_space<hbm>>
          %dma_wait3A_71 = arith.constant 0 : i32
          %dma_wait3A_72 = tpu.memref_slice %arg4[%add3A_55, %dma_wait3A_71] : memref<2457600x32xbf16, #tpu.memory_space<hbm>> -> memref<1024x32xbf16, #tpu.memory_space<hbm>>
          tpu.wait_dma2 semaphore(%arg12 : memref<!tpu.dma_semaphore, #tpu.memory_space<semaphore_mem>>) src(%arg8 : memref<1024x32xbf16, #tpu.memory_space<vmem>>) dst(%dma_wait3A_72 : memref<1024x32xbf16, #tpu.memory_space<hbm>>)
        } else {
        }
        "tpu.region"() ({
          %run_scoped3A = tpu.sem_alloc : memref<!tpu.dma_semaphore, #tpu.memory_space<semaphore_mem>>
          %dma_start3A_69 = tpu.memref_slice %arg2[%add3A_55] : memref<2457600xi32, #tpu.memory_space<hbm>> -> memref<1024xi32, #tpu.memory_space<hbm>>
          %dma_start3A_70 = tpu.memref_slice %arg2[%add3A_55] : memref<2457600xi32, #tpu.memory_space<hbm>> -> memref<1024xi32, #tpu.memory_space<hbm>>
          tpu.enqueue_dma source(%dma_start3A_70 : memref<1024xi32, #tpu.memory_space<hbm>>) target(%arg6 : memref<1024xi32, #tpu.memory_space<vmem>>) target_semaphore(%run_scoped3A : memref<!tpu.dma_semaphore, #tpu.memory_space<semaphore_mem>>)
          %dma_wait3A_71 = tpu.memref_slice %arg2[%add3A_55] : memref<2457600xi32, #tpu.memory_space<hbm>> -> memref<1024xi32, #tpu.memory_space<hbm>>
          %dma_wait3A_72 = tpu.memref_slice %arg2[%add3A_55] : memref<2457600xi32, #tpu.memory_space<hbm>> -> memref<1024xi32, #tpu.memory_space<hbm>>
          tpu.wait_dma2 semaphore(%run_scoped3A : memref<!tpu.dma_semaphore, #tpu.memory_space<semaphore_mem>>) src(%dma_wait3A_72 : memref<1024xi32, #tpu.memory_space<hbm>>) dst(%arg6 : memref<1024xi32, #tpu.memory_space<vmem>>)
          tpu.yield
        }) : () -> ()
        %dma_start3A = arith.constant 0 : i32
        %dma_start3A_60 = arith.constant 0 : i32
        %dma_start3A_61 = tpu.memref_slice %arg9[%dma_start3A, %dma_start3A_60] : memref<51200x32xbf16, #tpu.memory_space<vmem_shared>> -> memref<51200x32xbf16, #tpu.memory_space<vmem_shared>>
        tpu.enqueue_indirect_dma source(%dma_start3A_61 : memref<51200x32xbf16, #tpu.memory_space<vmem_shared>>) target(%arg8 : memref<1024x32xbf16, #tpu.memory_space<vmem>>) offsets(%arg6 : memref<1024xi32, #tpu.memory_space<vmem>>) semaphore(%arg10 : memref<!tpu.dma_semaphore, #tpu.memory_space<semaphore_mem>>)
        %dma_wait3A_62 = arith.constant 0 : i32
        %dma_wait3A_63 = arith.constant 0 : i32
        %dma_wait3A_64 = tpu.memref_slice %arg9[%dma_wait3A_62, %dma_wait3A_63] : memref<51200x32xbf16, #tpu.memory_space<vmem_shared>> -> memref<51200x32xbf16, #tpu.memory_space<vmem_shared>>
        tpu.wait_indirect_dma semaphore(%arg10 : memref<!tpu.dma_semaphore, #tpu.memory_space<semaphore_mem>>) src(%dma_wait3A_64 : memref<51200x32xbf16, #tpu.memory_space<vmem_shared>>) dst(%arg8 : memref<1024x32xbf16, #tpu.memory_space<vmem>>)
        %dma_start3A_65 = arith.constant 0 : i32
        %dma_start3A_66 = tpu.memref_slice %arg4[%add3A_55, %dma_start3A_65] : memref<2457600x32xbf16, #tpu.memory_space<hbm>> -> memref<1024x32xbf16, #tpu.memory_space<hbm>>
        %dma_start3A_67 = arith.constant 0 : i32
        %dma_start3A_68 = tpu.memref_slice %arg4[%add3A_55, %dma_start3A_67] : memref<2457600x32xbf16, #tpu.memory_space<hbm>> -> memref<1024x32xbf16, #tpu.memory_space<hbm>>
        tpu.enqueue_dma source(%arg8 : memref<1024x32xbf16, #tpu.memory_space<vmem>>) target(%dma_start3A_68 : memref<1024x32xbf16, #tpu.memory_space<hbm>>) target_semaphore(%arg12 : memref<!tpu.dma_semaphore, #tpu.memory_space<semaphore_mem>>)
      } else {
      }
    }
    %scan3A_11 = arith.constant 75 : i32
    %dma_wait3A = arith.constant 0 : i32
    %dma_wait3A_12 = tpu.memref_slice %arg4[%mul3A_2, %dma_wait3A] : memref<2457600x32xbf16, #tpu.memory_space<hbm>> -> memref<1024x32xbf16, #tpu.memory_space<hbm>>
    %dma_wait3A_13 = arith.constant 0 : i32
    %dma_wait3A_14 = tpu.memref_slice %arg4[%mul3A_2, %dma_wait3A_13] : memref<2457600x32xbf16, #tpu.memory_space<hbm>> -> memref<1024x32xbf16, #tpu.memory_space<hbm>>
    tpu.wait_dma2 semaphore(%arg11 : memref<!tpu.dma_semaphore, #tpu.memory_space<semaphore_mem>>) src(%arg7 : memref<1024x32xbf16, #tpu.memory_space<vmem>>) dst(%dma_wait3A_14 : memref<1024x32xbf16, #tpu.memory_space<hbm>>)
    %dma_wait3A_15 = arith.constant 0 : i32
    %dma_wait3A_16 = tpu.memref_slice %arg4[%mul3A_2, %dma_wait3A_15] : memref<2457600x32xbf16, #tpu.memory_space<hbm>> -> memref<1024x32xbf16, #tpu.memory_space<hbm>>
    %dma_wait3A_17 = arith.constant 0 : i32
    %dma_wait3A_18 = tpu.memref_slice %arg4[%mul3A_2, %dma_wait3A_17] : memref<2457600x32xbf16, #tpu.memory_space<hbm>> -> memref<1024x32xbf16, #tpu.memory_space<hbm>>
    tpu.wait_dma2 semaphore(%arg12 : memref<!tpu.dma_semaphore, #tpu.memory_space<semaphore_mem>>) src(%arg8 : memref<1024x32xbf16, #tpu.memory_space<vmem>>) dst(%dma_wait3A_18 : memref<1024x32xbf16, #tpu.memory_space<hbm>>)
    return
  }
}

#map = affine_map<(d0, d1) -> (0)>
#map1 = affine_map<(d0, d1) -> (0, 0)>
module attributes {stable_mosaic.version = 14 : i64} {
  func.func @gather_kernel(%arg0: i32, %arg1: i32, %arg2: memref<2457600xi32, #tpu.memory_space<hbm>>, %arg3: memref<51200x16xf32, #tpu.memory_space<hbm>>, %arg4: memref<2457600x16xf32, #tpu.memory_space<hbm>>, %arg5: memref<1024xi32, #tpu.memory_space<vmem>>, %arg6: memref<1024xi32, #tpu.memory_space<vmem>>, %arg7: memref<1024x16xf32, #tpu.memory_space<vmem>>, %arg8: memref<1024x16xf32, #tpu.memory_space<vmem>>, %arg9: memref<51200x16xf32, #tpu.memory_space<vmem_shared>>, %arg10: memref<!tpu.dma_semaphore, #tpu.memory_space<semaphore_mem>>, %arg11: memref<!tpu.dma_semaphore, #tpu.memory_space<semaphore_mem>>, %arg12: memref<!tpu.dma_semaphore, #tpu.memory_space<semaphore_mem>>) attributes {dimension_semantics = [#tpu.dimension_semantics<core_parallel>, #tpu.dimension_semantics<subcore_parallel>], iteration_bounds = array<i64: 2, 16>, scalar_prefetch = 0 : i64, scratch_operands = 8 : i64, tpu.core_type = #tpu.core_type<sc_vector_subcore>, window_params = [{transform_indices = #map}, {transform_indices = #map1}, {transform_indices = #map1}]} {
    %mul3A = arith.constant 2 : i32
    %mul3A_0 = arith.muli %arg1, %mul3A : i32
    %add3A = arith.addi %mul3A_0, %arg0 : i32
    %mul3A_1 = arith.constant 76800 : i32
    %mul3A_2 = arith.muli %add3A, %mul3A_1 : i32
    %mul3A_3 = arith.constant 3200 : i32
    %mul3A_4 = arith.muli %arg1, %mul3A_3 : i32
    %mul3A_5 = arith.constant 3200 : i32
    %mul3A_6 = arith.muli %arg1, %mul3A_5 : i32
    "tpu.region"() ({
      %run_scoped3A = tpu.sem_alloc : memref<!tpu.dma_semaphore, #tpu.memory_space<semaphore_mem>>
      %dma_start3A = arith.constant 0 : i32
      %dma_start3A_19 = tpu.memref_slice %arg9[%mul3A_6, %dma_start3A] : memref<51200x16xf32, #tpu.memory_space<vmem_shared>> -> memref<3200x16xf32, #tpu.memory_space<vmem_shared>>
      %dma_start3A_20 = arith.constant 0 : i32
      %dma_start3A_21 = tpu.memref_slice %arg3[%mul3A_4, %dma_start3A_20] : memref<51200x16xf32, #tpu.memory_space<hbm>> -> memref<3200x16xf32, #tpu.memory_space<hbm>>
      tpu.enqueue_dma source(%dma_start3A_21 : memref<3200x16xf32, #tpu.memory_space<hbm>>) target(%dma_start3A_19 : memref<3200x16xf32, #tpu.memory_space<vmem_shared>>) target_semaphore(%run_scoped3A : memref<!tpu.dma_semaphore, #tpu.memory_space<semaphore_mem>>)
      %dma_wait3A_22 = arith.constant 0 : i32
      %dma_wait3A_23 = tpu.memref_slice %arg9[%mul3A_6, %dma_wait3A_22] : memref<51200x16xf32, #tpu.memory_space<vmem_shared>> -> memref<3200x16xf32, #tpu.memory_space<vmem_shared>>
      %dma_wait3A_24 = arith.constant 0 : i32
      %dma_wait3A_25 = tpu.memref_slice %arg3[%mul3A_4, %dma_wait3A_24] : memref<51200x16xf32, #tpu.memory_space<hbm>> -> memref<3200x16xf32, #tpu.memory_space<hbm>>
      tpu.wait_dma2 semaphore(%run_scoped3A : memref<!tpu.dma_semaphore, #tpu.memory_space<semaphore_mem>>) src(%dma_wait3A_25 : memref<3200x16xf32, #tpu.memory_space<hbm>>) dst(%dma_wait3A_23 : memref<3200x16xf32, #tpu.memory_space<vmem_shared>>)
      tpu.yield
    }) : () -> ()
    %barrier3A = arith.constant 0 : index
    tpu.barrier barrier_id(%barrier3A)
    %scan3A = arith.constant 0 : i32
    %scan3A_7 = arith.constant 0 : i32
    %scan3A_8 = arith.constant 75 : i32
    %scan3A_9 = arith.addi %scan3A_7, %scan3A_8 : i32
    %scan3A_10 = arith.constant 1 : i32
    scf.for %scan3A_19 = %scan3A_7 to %scan3A_9 step %scan3A_10  : i32 {
      %jit3A = arith.constant 2 : i32
      %eq3A = arith.constant 0 : i32
      %eq3A_20 = arith.cmpi eq, %jit3A, %eq3A : i32
      %jit3A_21 = arith.constant 1 : i32
      %select_n3A = arith.select %eq3A_20, %jit3A_21, %jit3A : i32
      %rem3A = arith.remsi %scan3A_19, %select_n3A : i32
      %ne3A = arith.constant 0 : i32
      %ne3A_22 = arith.cmpi ne, %rem3A, %ne3A : i32
      %lt3A = arith.constant 0 : i32
      %lt3A_23 = arith.cmpi slt, %rem3A, %lt3A : i32
      %lt3A_24 = arith.constant 0 : i32
      %lt3A_25 = arith.cmpi slt, %select_n3A, %lt3A_24 : i32
      %ne3A_26 = arith.xori %lt3A_23, %lt3A_25 : i1
      %and3A = arith.andi %ne3A_26, %ne3A_22 : i1
      %add3A_27 = arith.addi %rem3A, %select_n3A : i32
      %select_n3A_28 = arith.select %and3A, %add3A_27, %rem3A : i32
      %eq3A_29 = arith.constant 0 : i32
      %eq3A_30 = arith.cmpi eq, %select_n3A_28, %eq3A_29 : i32
      %convert_element_type3A = arith.extui %eq3A_30 : i1 to i32
      %cond3A = arith.constant 0 : i32
      %cond3A_31 = arith.cmpi ne, %convert_element_type3A, %cond3A : i32
      scf.if %cond3A_31 {
        %mul3A_53 = arith.constant 1024 : i32
        %mul3A_54 = arith.muli %scan3A_19, %mul3A_53 : i32
        %add3A_55 = arith.addi %mul3A_2, %mul3A_54 : i32
        %ge3A = arith.constant 2 : i32
        %ge3A_56 = arith.cmpi sge, %scan3A_19, %ge3A : i32
        %convert_element_type3A_57 = arith.extui %ge3A_56 : i1 to i32
        %cond3A_58 = arith.constant 0 : i32
        %cond3A_59 = arith.cmpi ne, %convert_element_type3A_57, %cond3A_58 : i32
        scf.if %cond3A_59 {
          %dma_wait3A_69 = arith.constant 0 : i32
          %dma_wait3A_70 = tpu.memref_slice %arg4[%add3A_55, %dma_wait3A_69] : memref<2457600x16xf32, #tpu.memory_space<hbm>> -> memref<1024x16xf32, #tpu.memory_space<hbm>>
          %dma_wait3A_71 = arith.constant 0 : i32
          %dma_wait3A_72 = tpu.memref_slice %arg4[%add3A_55, %dma_wait3A_71] : memref<2457600x16xf32, #tpu.memory_space<hbm>> -> memref<1024x16xf32, #tpu.memory_space<hbm>>
          tpu.wait_dma2 semaphore(%arg11 : memref<!tpu.dma_semaphore, #tpu.memory_space<semaphore_mem>>) src(%arg7 : memref<1024x16xf32, #tpu.memory_space<vmem>>) dst(%dma_wait3A_72 : memref<1024x16xf32, #tpu.memory_space<hbm>>)
        } else {
        }
        "tpu.region"() ({
          %run_scoped3A = tpu.sem_alloc : memref<!tpu.dma_semaphore, #tpu.memory_space<semaphore_mem>>
          %dma_start3A_69 = tpu.memref_slice %arg2[%add3A_55] : memref<2457600xi32, #tpu.memory_space<hbm>> -> memref<1024xi32, #tpu.memory_space<hbm>>
          %dma_start3A_70 = tpu.memref_slice %arg2[%add3A_55] : memref<2457600xi32, #tpu.memory_space<hbm>> -> memref<1024xi32, #tpu.memory_space<hbm>>
          tpu.enqueue_dma source(%dma_start3A_70 : memref<1024xi32, #tpu.memory_space<hbm>>) target(%arg5 : memref<1024xi32, #tpu.memory_space<vmem>>) target_semaphore(%run_scoped3A : memref<!tpu.dma_semaphore, #tpu.memory_space<semaphore_mem>>)
          %dma_wait3A_71 = tpu.memref_slice %arg2[%add3A_55] : memref<2457600xi32, #tpu.memory_space<hbm>> -> memref<1024xi32, #tpu.memory_space<hbm>>
          %dma_wait3A_72 = tpu.memref_slice %arg2[%add3A_55] : memref<2457600xi32, #tpu.memory_space<hbm>> -> memref<1024xi32, #tpu.memory_space<hbm>>
          tpu.wait_dma2 semaphore(%run_scoped3A : memref<!tpu.dma_semaphore, #tpu.memory_space<semaphore_mem>>) src(%dma_wait3A_72 : memref<1024xi32, #tpu.memory_space<hbm>>) dst(%arg5 : memref<1024xi32, #tpu.memory_space<vmem>>)
          tpu.yield
        }) : () -> ()
        %dma_start3A = arith.constant 0 : i32
        %dma_start3A_60 = arith.constant 0 : i32
        %dma_start3A_61 = tpu.memref_slice %arg9[%dma_start3A, %dma_start3A_60] : memref<51200x16xf32, #tpu.memory_space<vmem_shared>> -> memref<51200x16xf32, #tpu.memory_space<vmem_shared>>
        tpu.enqueue_indirect_dma source(%dma_start3A_61 : memref<51200x16xf32, #tpu.memory_space<vmem_shared>>) target(%arg7 : memref<1024x16xf32, #tpu.memory_space<vmem>>) offsets(%arg5 : memref<1024xi32, #tpu.memory_space<vmem>>) semaphore(%arg10 : memref<!tpu.dma_semaphore, #tpu.memory_space<semaphore_mem>>)
        %dma_wait3A_62 = arith.constant 0 : i32
        %dma_wait3A_63 = arith.constant 0 : i32
        %dma_wait3A_64 = tpu.memref_slice %arg9[%dma_wait3A_62, %dma_wait3A_63] : memref<51200x16xf32, #tpu.memory_space<vmem_shared>> -> memref<51200x16xf32, #tpu.memory_space<vmem_shared>>
        tpu.wait_indirect_dma semaphore(%arg10 : memref<!tpu.dma_semaphore, #tpu.memory_space<semaphore_mem>>) src(%dma_wait3A_64 : memref<51200x16xf32, #tpu.memory_space<vmem_shared>>) dst(%arg7 : memref<1024x16xf32, #tpu.memory_space<vmem>>)
        %dma_start3A_65 = arith.constant 0 : i32
        %dma_start3A_66 = tpu.memref_slice %arg4[%add3A_55, %dma_start3A_65] : memref<2457600x16xf32, #tpu.memory_space<hbm>> -> memref<1024x16xf32, #tpu.memory_space<hbm>>
        %dma_start3A_67 = arith.constant 0 : i32
        %dma_start3A_68 = tpu.memref_slice %arg4[%add3A_55, %dma_start3A_67] : memref<2457600x16xf32, #tpu.memory_space<hbm>> -> memref<1024x16xf32, #tpu.memory_space<hbm>>
        tpu.enqueue_dma source(%arg7 : memref<1024x16xf32, #tpu.memory_space<vmem>>) target(%dma_start3A_68 : memref<1024x16xf32, #tpu.memory_space<hbm>>) target_semaphore(%arg11 : memref<!tpu.dma_semaphore, #tpu.memory_space<semaphore_mem>>)
      } else {
      }
      %jit3A_32 = arith.constant 2 : i32
      %eq3A_33 = arith.constant 0 : i32
      %eq3A_34 = arith.cmpi eq, %jit3A_32, %eq3A_33 : i32
      %jit3A_35 = arith.constant 1 : i32
      %select_n3A_36 = arith.select %eq3A_34, %jit3A_35, %jit3A_32 : i32
      %rem3A_37 = arith.remsi %scan3A_19, %select_n3A_36 : i32
      %ne3A_38 = arith.constant 0 : i32
      %ne3A_39 = arith.cmpi ne, %rem3A_37, %ne3A_38 : i32
      %lt3A_40 = arith.constant 0 : i32
      %lt3A_41 = arith.cmpi slt, %rem3A_37, %lt3A_40 : i32
      %lt3A_42 = arith.constant 0 : i32
      %lt3A_43 = arith.cmpi slt, %select_n3A_36, %lt3A_42 : i32
      %ne3A_44 = arith.xori %lt3A_41, %lt3A_43 : i1
      %and3A_45 = arith.andi %ne3A_44, %ne3A_39 : i1
      %add3A_46 = arith.addi %rem3A_37, %select_n3A_36 : i32
      %select_n3A_47 = arith.select %and3A_45, %add3A_46, %rem3A_37 : i32
      %eq3A_48 = arith.constant 1 : i32
      %eq3A_49 = arith.cmpi eq, %select_n3A_47, %eq3A_48 : i32
      %convert_element_type3A_50 = arith.extui %eq3A_49 : i1 to i32
      %cond3A_51 = arith.constant 0 : i32
      %cond3A_52 = arith.cmpi ne, %convert_element_type3A_50, %cond3A_51 : i32
      scf.if %cond3A_52 {
        %mul3A_53 = arith.constant 1024 : i32
        %mul3A_54 = arith.muli %scan3A_19, %mul3A_53 : i32
        %add3A_55 = arith.addi %mul3A_2, %mul3A_54 : i32
        %ge3A = arith.constant 2 : i32
        %ge3A_56 = arith.cmpi sge, %scan3A_19, %ge3A : i32
        %convert_element_type3A_57 = arith.extui %ge3A_56 : i1 to i32
        %cond3A_58 = arith.constant 0 : i32
        %cond3A_59 = arith.cmpi ne, %convert_element_type3A_57, %cond3A_58 : i32
        scf.if %cond3A_59 {
          %dma_wait3A_69 = arith.constant 0 : i32
          %dma_wait3A_70 = tpu.memref_slice %arg4[%add3A_55, %dma_wait3A_69] : memref<2457600x16xf32, #tpu.memory_space<hbm>> -> memref<1024x16xf32, #tpu.memory_space<hbm>>
          %dma_wait3A_71 = arith.constant 0 : i32
          %dma_wait3A_72 = tpu.memref_slice %arg4[%add3A_55, %dma_wait3A_71] : memref<2457600x16xf32, #tpu.memory_space<hbm>> -> memref<1024x16xf32, #tpu.memory_space<hbm>>
          tpu.wait_dma2 semaphore(%arg12 : memref<!tpu.dma_semaphore, #tpu.memory_space<semaphore_mem>>) src(%arg8 : memref<1024x16xf32, #tpu.memory_space<vmem>>) dst(%dma_wait3A_72 : memref<1024x16xf32, #tpu.memory_space<hbm>>)
        } else {
        }
        "tpu.region"() ({
          %run_scoped3A = tpu.sem_alloc : memref<!tpu.dma_semaphore, #tpu.memory_space<semaphore_mem>>
          %dma_start3A_69 = tpu.memref_slice %arg2[%add3A_55] : memref<2457600xi32, #tpu.memory_space<hbm>> -> memref<1024xi32, #tpu.memory_space<hbm>>
          %dma_start3A_70 = tpu.memref_slice %arg2[%add3A_55] : memref<2457600xi32, #tpu.memory_space<hbm>> -> memref<1024xi32, #tpu.memory_space<hbm>>
          tpu.enqueue_dma source(%dma_start3A_70 : memref<1024xi32, #tpu.memory_space<hbm>>) target(%arg6 : memref<1024xi32, #tpu.memory_space<vmem>>) target_semaphore(%run_scoped3A : memref<!tpu.dma_semaphore, #tpu.memory_space<semaphore_mem>>)
          %dma_wait3A_71 = tpu.memref_slice %arg2[%add3A_55] : memref<2457600xi32, #tpu.memory_space<hbm>> -> memref<1024xi32, #tpu.memory_space<hbm>>
          %dma_wait3A_72 = tpu.memref_slice %arg2[%add3A_55] : memref<2457600xi32, #tpu.memory_space<hbm>> -> memref<1024xi32, #tpu.memory_space<hbm>>
          tpu.wait_dma2 semaphore(%run_scoped3A : memref<!tpu.dma_semaphore, #tpu.memory_space<semaphore_mem>>) src(%dma_wait3A_72 : memref<1024xi32, #tpu.memory_space<hbm>>) dst(%arg6 : memref<1024xi32, #tpu.memory_space<vmem>>)
          tpu.yield
        }) : () -> ()
        %dma_start3A = arith.constant 0 : i32
        %dma_start3A_60 = arith.constant 0 : i32
        %dma_start3A_61 = tpu.memref_slice %arg9[%dma_start3A, %dma_start3A_60] : memref<51200x16xf32, #tpu.memory_space<vmem_shared>> -> memref<51200x16xf32, #tpu.memory_space<vmem_shared>>
        tpu.enqueue_indirect_dma source(%dma_start3A_61 : memref<51200x16xf32, #tpu.memory_space<vmem_shared>>) target(%arg8 : memref<1024x16xf32, #tpu.memory_space<vmem>>) offsets(%arg6 : memref<1024xi32, #tpu.memory_space<vmem>>) semaphore(%arg10 : memref<!tpu.dma_semaphore, #tpu.memory_space<semaphore_mem>>)
        %dma_wait3A_62 = arith.constant 0 : i32
        %dma_wait3A_63 = arith.constant 0 : i32
        %dma_wait3A_64 = tpu.memref_slice %arg9[%dma_wait3A_62, %dma_wait3A_63] : memref<51200x16xf32, #tpu.memory_space<vmem_shared>> -> memref<51200x16xf32, #tpu.memory_space<vmem_shared>>
        tpu.wait_indirect_dma semaphore(%arg10 : memref<!tpu.dma_semaphore, #tpu.memory_space<semaphore_mem>>) src(%dma_wait3A_64 : memref<51200x16xf32, #tpu.memory_space<vmem_shared>>) dst(%arg8 : memref<1024x16xf32, #tpu.memory_space<vmem>>)
        %dma_start3A_65 = arith.constant 0 : i32
        %dma_start3A_66 = tpu.memref_slice %arg4[%add3A_55, %dma_start3A_65] : memref<2457600x16xf32, #tpu.memory_space<hbm>> -> memref<1024x16xf32, #tpu.memory_space<hbm>>
        %dma_start3A_67 = arith.constant 0 : i32
        %dma_start3A_68 = tpu.memref_slice %arg4[%add3A_55, %dma_start3A_67] : memref<2457600x16xf32, #tpu.memory_space<hbm>> -> memref<1024x16xf32, #tpu.memory_space<hbm>>
        tpu.enqueue_dma source(%arg8 : memref<1024x16xf32, #tpu.memory_space<vmem>>) target(%dma_start3A_68 : memref<1024x16xf32, #tpu.memory_space<hbm>>) target_semaphore(%arg12 : memref<!tpu.dma_semaphore, #tpu.memory_space<semaphore_mem>>)
      } else {
      }
    }
    %scan3A_11 = arith.constant 75 : i32
    %dma_wait3A = arith.constant 0 : i32
    %dma_wait3A_12 = tpu.memref_slice %arg4[%mul3A_2, %dma_wait3A] : memref<2457600x16xf32, #tpu.memory_space<hbm>> -> memref<1024x16xf32, #tpu.memory_space<hbm>>
    %dma_wait3A_13 = arith.constant 0 : i32
    %dma_wait3A_14 = tpu.memref_slice %arg4[%mul3A_2, %dma_wait3A_13] : memref<2457600x16xf32, #tpu.memory_space<hbm>> -> memref<1024x16xf32, #tpu.memory_space<hbm>>
    tpu.wait_dma2 semaphore(%arg11 : memref<!tpu.dma_semaphore, #tpu.memory_space<semaphore_mem>>) src(%arg7 : memref<1024x16xf32, #tpu.memory_space<vmem>>) dst(%dma_wait3A_14 : memref<1024x16xf32, #tpu.memory_space<hbm>>)
    %dma_wait3A_15 = arith.constant 0 : i32
    %dma_wait3A_16 = tpu.memref_slice %arg4[%mul3A_2, %dma_wait3A_15] : memref<2457600x16xf32, #tpu.memory_space<hbm>> -> memref<1024x16xf32, #tpu.memory_space<hbm>>
    %dma_wait3A_17 = arith.constant 0 : i32
    %dma_wait3A_18 = tpu.memref_slice %arg4[%mul3A_2, %dma_wait3A_17] : memref<2457600x16xf32, #tpu.memory_space<hbm>> -> memref<1024x16xf32, #tpu.memory_space<hbm>>
    tpu.wait_dma2 semaphore(%arg12 : memref<!tpu.dma_semaphore, #tpu.memory_space<semaphore_mem>>) src(%arg8 : memref<1024x16xf32, #tpu.memory_space<vmem>>) dst(%dma_wait3A_18 : memref<1024x16xf32, #tpu.memory_space<hbm>>)
    return
  }
}

module attributes {stable_mosaic.version = 14 : i64} {
  func.func @body(%arg0: i32, %arg1: memref<2xi32, #tpu.memory_space<smem>>, %arg2: memref<48x512x16xf32, #tpu.memory_space<vmem>>, %arg3: memref<512x8xf32, #tpu.memory_space<vmem>>, %arg4: memref<512x8xf32, #tpu.memory_space<vmem>>, %arg5: memref<512x1xi32, #tpu.memory_space<vmem>>, %arg6: memref<24x32xbf16, #tpu.memory_space<vmem>>, %arg7: memref<1x32xf32, #tpu.memory_space<vmem>>, %arg8: memref<512x8xf32, #tpu.memory_space<vmem>>, %arg9: memref<512x8xf32, #tpu.memory_space<vmem>>) attributes {dimension_semantics = [#tpu.dimension_semantics<arbitrary>], iteration_bounds = array<i64: 100>, scalar_prefetch = 0 : i64, scratch_operands = 0 : i64, tpu.core_type = #tpu.core_type<tc>, window_params = [{transform_indices = @transform_0, window_bounds = array<i64: 2>}, {transform_indices = @transform_1, window_bounds = array<i64: 48, 512, 16>}, {transform_indices = @transform_2, window_bounds = array<i64: 512, 8>}, {transform_indices = @transform_3, window_bounds = array<i64: 512, 8>}, {transform_indices = @transform_4, window_bounds = array<i64: 512, 1>}, {pipeline_mode = #tpu.pipeline_mode<synchronous>, transform_indices = @transform_5, window_bounds = array<i64: 24, 32>}, {pipeline_mode = #tpu.pipeline_mode<synchronous>, transform_indices = @transform_6, window_bounds = array<i64: 1, 32>}, {transform_indices = @transform_7, window_bounds = array<i64: 512, 8>}, {transform_indices = @transform_8, window_bounds = array<i64: 512, 8>}]} {
    %get3A = arith.constant 0 : index
    %get3A_0 = memref.load %arg1[%get3A] : memref<2xi32, #tpu.memory_space<smem>>
    %get3A_1 = arith.constant 1 : index
    %get3A_2 = memref.load %arg1[%get3A_1] : memref<2xi32, #tpu.memory_space<smem>>
    %sub3A = arith.subi %get3A_2, %get3A_0 : i32
    %min3A = arith.constant 48 : i32
    %min3A_3 = arith.minsi %sub3A, %min3A : i32
    %get3A_4 = arith.constant 0 : index
    %get3A_5 = arith.constant 0 : index
    %get3A_6 = vector.load %arg5[%get3A_4, %get3A_5] : memref<512x1xi32, #tpu.memory_space<vmem>>, vector<512x1xi32>
    %get3A_7 = arith.constant 0 : index
    %get3A_8 = arith.constant 0 : index
    %get3A_9 = vector.load %arg3[%get3A_7, %get3A_8] : memref<512x8xf32, #tpu.memory_space<vmem>>, vector<512x8xf32>
    %get3A_10 = arith.constant 0 : index
    %get3A_11 = arith.constant 0 : index
    %get3A_12 = vector.load %arg4[%get3A_10, %get3A_11] : memref<512x8xf32, #tpu.memory_space<vmem>>, vector<512x8xf32>
    %while3A = arith.constant 0 : i32
    %while3A_13 = arith.subi %min3A_3, %while3A : i32
    %while3A_14 = arith.addi %while3A, %while3A_13 : i32
    %while3A_15 = arith.constant 1 : i32
    %while3A_16 = arith.divsi %while3A_13, %while3A_15 : i32
    %while3A_17 = arith.muli %while3A_16, %while3A_15 : i32
    %while3A_18 = arith.addi %while3A, %while3A_17 : i32
    %while3A_19 = arith.constant 1 : i32
    %while3A_20:2 = scf.for %while3A_28 = %while3A to %while3A_18 step %while3A_19 iter_args(%while3A_29 = %get3A_9, %while3A_30 = %get3A_12) -> (vector<512x8xf32>, vector<512x8xf32>)  : i32 {
      %get3A_31 = arith.index_cast %while3A_28 : i32 to index
      %get3A_32 = arith.constant 0 : index
      %get3A_33 = arith.constant 0 : index
      %get3A_34 = vector.load %arg2[%get3A_31, %get3A_32, %get3A_33] : memref<48x512x16xf32, #tpu.memory_space<vmem>>, vector<1x512x16xf32>
      %get3A_35 = vector.shape_cast %get3A_34 : vector<1x512x16xf32> to vector<512x16xf32>
      %convert_element_type3A = arith.truncf %get3A_35 : vector<512x16xf32> to vector<512x16xbf16>
      %convert_element_type3A_36 = arith.truncf %while3A_29 : vector<512x8xf32> to vector<512x8xbf16>
      %concatenate3A = tpu.concatenate %convert_element_type3A, %convert_element_type3A_36 in 1 : vector<512x16xbf16>, vector<512x8xbf16> -> vector<512x24xbf16>
      %get3A_37 = arith.constant 0 : index
      %get3A_38 = arith.constant 0 : index
      %get3A_39 = vector.load %arg6[%get3A_37, %get3A_38] : memref<24x32xbf16, #tpu.memory_space<vmem>>, vector<24x32xbf16>
      %dot_general3A = arith.constant dense<0.000000e+00> : vector<512x32xf32>
      %dot_general3A_40 = tpu.matmul %concatenate3A, %get3A_39, %dot_general3A {dimension_numbers = #tpu.dot_dimension_numbers<[1], [0], [0], [1], [0, 0, 1, 1], [], []>, transpose_lhs_hint = false} : vector<512x24xbf16>, vector<24x32xbf16>, vector<512x32xf32> -> vector<512x32xf32>
      %get3A_41 = arith.constant 0 : index
      %get3A_42 = arith.constant 0 : index
      %get3A_43 = vector.load %arg7[%get3A_41, %get3A_42] : memref<1x32xf32, #tpu.memory_space<vmem>>, vector<1x32xf32>
      %add3A = vector.broadcast %get3A_43 : vector<1x32xf32> to vector<512x32xf32>
      %add3A_44 = arith.addf %dot_general3A_40, %add3A : vector<512x32xf32>
      %slice3A = vector.extract_strided_slice %add3A_44 {offsets = [0, 0], sizes = [512, 8], strides = [1, 1]} : vector<512x32xf32> to vector<512x8xf32>
      %slice3A_45 = vector.extract_strided_slice %add3A_44 {offsets = [0, 8], sizes = [512, 8], strides = [1, 1]} : vector<512x32xf32> to vector<512x8xf32>
      %slice3A_46 = vector.extract_strided_slice %add3A_44 {offsets = [0, 16], sizes = [512, 8], strides = [1, 1]} : vector<512x32xf32> to vector<512x8xf32>
      %slice3A_47 = vector.extract_strided_slice %add3A_44 {offsets = [0, 24], sizes = [512, 8], strides = [1, 1]} : vector<512x32xf32> to vector<512x8xf32>
      %logistic3A = arith.negf %slice3A_45 : vector<512x8xf32>
      %logistic3A_48 = math.exp %logistic3A : vector<512x8xf32>
      %logistic3A_49 = arith.constant 1.000000e+00 : f32
      %logistic3A_50 = vector.broadcast %logistic3A_49 : f32 to vector<512x8xf32>
      %logistic3A_51 = arith.addf %logistic3A_50, %logistic3A_48 : vector<512x8xf32>
      %logistic3A_52 = arith.divf %logistic3A_50, %logistic3A_51 : vector<512x8xf32>
      %mul3A = arith.mulf %logistic3A_52, %while3A_30 : vector<512x8xf32>
      %logistic3A_53 = arith.negf %slice3A : vector<512x8xf32>
      %logistic3A_54 = math.exp %logistic3A_53 : vector<512x8xf32>
      %logistic3A_55 = arith.constant 1.000000e+00 : f32
      %logistic3A_56 = vector.broadcast %logistic3A_55 : f32 to vector<512x8xf32>
      %logistic3A_57 = arith.addf %logistic3A_56, %logistic3A_54 : vector<512x8xf32>
      %logistic3A_58 = arith.divf %logistic3A_56, %logistic3A_57 : vector<512x8xf32>
      %tanh3A = math.tanh %slice3A_46 : vector<512x8xf32>
      %mul3A_59 = arith.mulf %logistic3A_58, %tanh3A : vector<512x8xf32>
      %add3A_60 = arith.addf %mul3A, %mul3A_59 : vector<512x8xf32>
      %logistic3A_61 = arith.negf %slice3A_47 : vector<512x8xf32>
      %logistic3A_62 = math.exp %logistic3A_61 : vector<512x8xf32>
      %logistic3A_63 = arith.constant 1.000000e+00 : f32
      %logistic3A_64 = vector.broadcast %logistic3A_63 : f32 to vector<512x8xf32>
      %logistic3A_65 = arith.addf %logistic3A_64, %logistic3A_62 : vector<512x8xf32>
      %logistic3A_66 = arith.divf %logistic3A_64, %logistic3A_65 : vector<512x8xf32>
      %tanh3A_67 = math.tanh %add3A_60 : vector<512x8xf32>
      %mul3A_68 = arith.mulf %logistic3A_66, %tanh3A_67 : vector<512x8xf32>
      %add3A_69 = arith.addi %get3A_0, %while3A_28 : i32
      %lt3A = vector.broadcast %add3A_69 : i32 to vector<512x1xi32>
      %lt3A_70 = arith.cmpi slt, %lt3A, %get3A_6 : vector<512x1xi32>
      %broadcast_in_dim3A = vector.shape_cast %lt3A_70 : vector<512x1xi1> to vector<512x1xi1>
      %broadcast_in_dim3A_71 = vector.broadcast %broadcast_in_dim3A : vector<512x1xi1> to vector<512x8xi1>
      %select_n3A = arith.select %broadcast_in_dim3A_71, %mul3A_68, %while3A_29 : vector<512x8xi1>, vector<512x8xf32>
      %broadcast_in_dim3A_72 = vector.shape_cast %lt3A_70 : vector<512x1xi1> to vector<512x1xi1>
      %broadcast_in_dim3A_73 = vector.broadcast %broadcast_in_dim3A_72 : vector<512x1xi1> to vector<512x8xi1>
      %select_n3A_74 = arith.select %broadcast_in_dim3A_73, %add3A_60, %while3A_30 : vector<512x8xi1>, vector<512x8xf32>
      scf.yield %select_n3A, %select_n3A_74 : vector<512x8xf32>, vector<512x8xf32>
    }
    %while3A_21 = arith.constant 1 : i32
    %while3A_22:2 = scf.for %while3A_28 = %while3A_18 to %while3A_14 step %while3A_21 iter_args(%while3A_29 = %while3A_20#0, %while3A_30 = %while3A_20#1) -> (vector<512x8xf32>, vector<512x8xf32>)  : i32 {
      %get3A_31 = arith.index_cast %while3A_28 : i32 to index
      %get3A_32 = arith.constant 0 : index
      %get3A_33 = arith.constant 0 : index
      %get3A_34 = vector.load %arg2[%get3A_31, %get3A_32, %get3A_33] : memref<48x512x16xf32, #tpu.memory_space<vmem>>, vector<1x512x16xf32>
      %get3A_35 = vector.shape_cast %get3A_34 : vector<1x512x16xf32> to vector<512x16xf32>
      %convert_element_type3A = arith.truncf %get3A_35 : vector<512x16xf32> to vector<512x16xbf16>
      %convert_element_type3A_36 = arith.truncf %while3A_29 : vector<512x8xf32> to vector<512x8xbf16>
      %concatenate3A = tpu.concatenate %convert_element_type3A, %convert_element_type3A_36 in 1 : vector<512x16xbf16>, vector<512x8xbf16> -> vector<512x24xbf16>
      %get3A_37 = arith.constant 0 : index
      %get3A_38 = arith.constant 0 : index
      %get3A_39 = vector.load %arg6[%get3A_37, %get3A_38] : memref<24x32xbf16, #tpu.memory_space<vmem>>, vector<24x32xbf16>
      %dot_general3A = arith.constant dense<0.000000e+00> : vector<512x32xf32>
      %dot_general3A_40 = tpu.matmul %concatenate3A, %get3A_39, %dot_general3A {dimension_numbers = #tpu.dot_dimension_numbers<[1], [0], [0], [1], [0, 0, 1, 1], [], []>, transpose_lhs_hint = false} : vector<512x24xbf16>, vector<24x32xbf16>, vector<512x32xf32> -> vector<512x32xf32>
      %get3A_41 = arith.constant 0 : index
      %get3A_42 = arith.constant 0 : index
      %get3A_43 = vector.load %arg7[%get3A_41, %get3A_42] : memref<1x32xf32, #tpu.memory_space<vmem>>, vector<1x32xf32>
      %add3A = vector.broadcast %get3A_43 : vector<1x32xf32> to vector<512x32xf32>
      %add3A_44 = arith.addf %dot_general3A_40, %add3A : vector<512x32xf32>
      %slice3A = vector.extract_strided_slice %add3A_44 {offsets = [0, 0], sizes = [512, 8], strides = [1, 1]} : vector<512x32xf32> to vector<512x8xf32>
      %slice3A_45 = vector.extract_strided_slice %add3A_44 {offsets = [0, 8], sizes = [512, 8], strides = [1, 1]} : vector<512x32xf32> to vector<512x8xf32>
      %slice3A_46 = vector.extract_strided_slice %add3A_44 {offsets = [0, 16], sizes = [512, 8], strides = [1, 1]} : vector<512x32xf32> to vector<512x8xf32>
      %slice3A_47 = vector.extract_strided_slice %add3A_44 {offsets = [0, 24], sizes = [512, 8], strides = [1, 1]} : vector<512x32xf32> to vector<512x8xf32>
      %logistic3A = arith.negf %slice3A_45 : vector<512x8xf32>
      %logistic3A_48 = math.exp %logistic3A : vector<512x8xf32>
      %logistic3A_49 = arith.constant 1.000000e+00 : f32
      %logistic3A_50 = vector.broadcast %logistic3A_49 : f32 to vector<512x8xf32>
      %logistic3A_51 = arith.addf %logistic3A_50, %logistic3A_48 : vector<512x8xf32>
      %logistic3A_52 = arith.divf %logistic3A_50, %logistic3A_51 : vector<512x8xf32>
      %mul3A = arith.mulf %logistic3A_52, %while3A_30 : vector<512x8xf32>
      %logistic3A_53 = arith.negf %slice3A : vector<512x8xf32>
      %logistic3A_54 = math.exp %logistic3A_53 : vector<512x8xf32>
      %logistic3A_55 = arith.constant 1.000000e+00 : f32
      %logistic3A_56 = vector.broadcast %logistic3A_55 : f32 to vector<512x8xf32>
      %logistic3A_57 = arith.addf %logistic3A_56, %logistic3A_54 : vector<512x8xf32>
      %logistic3A_58 = arith.divf %logistic3A_56, %logistic3A_57 : vector<512x8xf32>
      %tanh3A = math.tanh %slice3A_46 : vector<512x8xf32>
      %mul3A_59 = arith.mulf %logistic3A_58, %tanh3A : vector<512x8xf32>
      %add3A_60 = arith.addf %mul3A, %mul3A_59 : vector<512x8xf32>
      %logistic3A_61 = arith.negf %slice3A_47 : vector<512x8xf32>
      %logistic3A_62 = math.exp %logistic3A_61 : vector<512x8xf32>
      %logistic3A_63 = arith.constant 1.000000e+00 : f32
      %logistic3A_64 = vector.broadcast %logistic3A_63 : f32 to vector<512x8xf32>
      %logistic3A_65 = arith.addf %logistic3A_64, %logistic3A_62 : vector<512x8xf32>
      %logistic3A_66 = arith.divf %logistic3A_64, %logistic3A_65 : vector<512x8xf32>
      %tanh3A_67 = math.tanh %add3A_60 : vector<512x8xf32>
      %mul3A_68 = arith.mulf %logistic3A_66, %tanh3A_67 : vector<512x8xf32>
      %add3A_69 = arith.addi %get3A_0, %while3A_28 : i32
      %lt3A = vector.broadcast %add3A_69 : i32 to vector<512x1xi32>
      %lt3A_70 = arith.cmpi slt, %lt3A, %get3A_6 : vector<512x1xi32>
      %broadcast_in_dim3A = vector.shape_cast %lt3A_70 : vector<512x1xi1> to vector<512x1xi1>
      %broadcast_in_dim3A_71 = vector.broadcast %broadcast_in_dim3A : vector<512x1xi1> to vector<512x8xi1>
      %select_n3A = arith.select %broadcast_in_dim3A_71, %mul3A_68, %while3A_29 : vector<512x8xi1>, vector<512x8xf32>
      %broadcast_in_dim3A_72 = vector.shape_cast %lt3A_70 : vector<512x1xi1> to vector<512x1xi1>
      %broadcast_in_dim3A_73 = vector.broadcast %broadcast_in_dim3A_72 : vector<512x1xi1> to vector<512x8xi1>
      %select_n3A_74 = arith.select %broadcast_in_dim3A_73, %add3A_60, %while3A_30 : vector<512x8xi1>, vector<512x8xf32>
      scf.yield %select_n3A, %select_n3A_74 : vector<512x8xf32>, vector<512x8xf32>
    }
    %swap3A = arith.constant 0 : index
    %swap3A_23 = arith.constant 0 : index
    %swap3A_24 = vector.load %arg8[%swap3A, %swap3A_23] : memref<512x8xf32, #tpu.memory_space<vmem>>, vector<512x8xf32>
    tpu.vector_store %arg8[%swap3A, %swap3A_23], %while3A_22#0 {strides = array<i32>} : memref<512x8xf32, #tpu.memory_space<vmem>>, vector<512x8xf32>,
    %swap3A_25 = arith.constant 0 : index
    %swap3A_26 = arith.constant 0 : index
    %swap3A_27 = vector.load %arg9[%swap3A_25, %swap3A_26] : memref<512x8xf32, #tpu.memory_space<vmem>>, vector<512x8xf32>
    tpu.vector_store %arg9[%swap3A_25, %swap3A_26], %while3A_22#1 {strides = array<i32>} : memref<512x8xf32, #tpu.memory_space<vmem>>, vector<512x8xf32>,
    return
  }
  func.func @transform_0(%arg0: i32) -> i32 {
    %c0_i32 = arith.constant 0 : i32
    %c0_i32_0 = arith.constant 0 : i32
    return %c0_i32 : i32
  }
  func.func @transform_1(%arg0: i32) -> (i32, i32, i32) {
    %c0_i32 = arith.constant 0 : i32
    %c0_i32_0 = arith.constant 0 : i32
    %c0_i32_1 = arith.constant 0 : i32
    return %c0_i32, %arg0, %c0_i32_0 : i32, i32, i32
  }
  func.func @transform_2(%arg0: i32) -> (i32, i32) {
    %c0_i32 = arith.constant 0 : i32
    %c0_i32_0 = arith.constant 0 : i32
    return %arg0, %c0_i32 : i32, i32
  }
  func.func @transform_3(%arg0: i32) -> (i32, i32) {
    %c0_i32 = arith.constant 0 : i32
    %c0_i32_0 = arith.constant 0 : i32
    return %arg0, %c0_i32 : i32, i32
  }
  func.func @transform_4(%arg0: i32) -> (i32, i32) {
    %c0_i32 = arith.constant 0 : i32
    %c0_i32_0 = arith.constant 0 : i32
    return %arg0, %c0_i32 : i32, i32
  }
  func.func @transform_5(%arg0: i32) -> (i32, i32) {
    %c0_i32 = arith.constant 0 : i32
    %c0_i32_0 = arith.constant 0 : i32
    %c0_i32_1 = arith.constant 0 : i32
    return %c0_i32, %c0_i32_0 : i32, i32
  }
  func.func @transform_6(%arg0: i32) -> (i32, i32) {
    %c0_i32 = arith.constant 0 : i32
    %c0_i32_0 = arith.constant 0 : i32
    %c0_i32_1 = arith.constant 0 : i32
    return %c0_i32, %c0_i32_0 : i32, i32
  }
  func.func @transform_7(%arg0: i32) -> (i32, i32) {
    %c0_i32 = arith.constant 0 : i32
    %c0_i32_0 = arith.constant 0 : i32
    return %arg0, %c0_i32 : i32, i32
  }
  func.func @transform_8(%arg0: i32) -> (i32, i32) {
    %c0_i32 = arith.constant 0 : i32
    %c0_i32_0 = arith.constant 0 : i32
    return %arg0, %c0_i32 : i32, i32
  }
}

module attributes {stable_mosaic.version = 14 : i64} {
  func.func @body(%arg0: i32, %arg1: memref<512x16xf32, #tpu.memory_space<vmem>>, %arg2: memref<512x8xf32, #tpu.memory_space<vmem>>, %arg3: memref<24x32xf32, #tpu.memory_space<vmem>>, %arg4: memref<1x32xf32, #tpu.memory_space<vmem>>, %arg5: memref<512x32xf32, #tpu.memory_space<vmem>>) attributes {dimension_semantics = [#tpu.dimension_semantics<arbitrary>], iteration_bounds = array<i64: 100>, scalar_prefetch = 0 : i64, scratch_operands = 0 : i64, tpu.core_type = #tpu.core_type<tc>, window_params = [{transform_indices = @transform_0, window_bounds = array<i64: 512, 16>}, {transform_indices = @transform_1, window_bounds = array<i64: 512, 8>}, {pipeline_mode = #tpu.pipeline_mode<synchronous>, transform_indices = @transform_2, window_bounds = array<i64: 24, 32>}, {pipeline_mode = #tpu.pipeline_mode<synchronous>, transform_indices = @transform_3, window_bounds = array<i64: 1, 32>}, {transform_indices = @transform_4, window_bounds = array<i64: 512, 32>}]} {
    %get3A = arith.constant 0 : index
    %get3A_0 = arith.constant 0 : index
    %get3A_1 = vector.load %arg1[%get3A, %get3A_0] : memref<512x16xf32, #tpu.memory_space<vmem>>, vector<512x16xf32>
    %get3A_2 = arith.constant 0 : index
    %get3A_3 = arith.constant 0 : index
    %get3A_4 = vector.load %arg2[%get3A_2, %get3A_3] : memref<512x8xf32, #tpu.memory_space<vmem>>, vector<512x8xf32>
    %concatenate3A = tpu.concatenate %get3A_1, %get3A_4 in 1 : vector<512x16xf32>, vector<512x8xf32> -> vector<512x24xf32>
    %get3A_5 = arith.constant 0 : index
    %get3A_6 = arith.constant 0 : index
    %get3A_7 = vector.load %arg3[%get3A_5, %get3A_6] : memref<24x32xf32, #tpu.memory_space<vmem>>, vector<24x32xf32>
    %dot_general3A = arith.constant dense<0.000000e+00> : vector<512x32xf32>
    %dot_general3A_8 = tpu.matmul %concatenate3A, %get3A_7, %dot_general3A {dimension_numbers = #tpu.dot_dimension_numbers<[1], [0], [0], [1], [0, 0, 1, 1], [], []>, transpose_lhs_hint = false} : vector<512x24xf32>, vector<24x32xf32>, vector<512x32xf32> -> vector<512x32xf32>
    %get3A_9 = arith.constant 0 : index
    %get3A_10 = arith.constant 0 : index
    %get3A_11 = vector.load %arg4[%get3A_9, %get3A_10] : memref<1x32xf32, #tpu.memory_space<vmem>>, vector<1x32xf32>
    %add3A = vector.broadcast %get3A_11 : vector<1x32xf32> to vector<512x32xf32>
    %add3A_12 = arith.addf %dot_general3A_8, %add3A : vector<512x32xf32>
    %max3A = arith.constant 0.000000e+00 : f32
    %max3A_13 = vector.broadcast %max3A : f32 to vector<512x32xf32>
    %max3A_14 = arith.maximumf %add3A_12, %max3A_13 : vector<512x32xf32>
    %swap3A = arith.constant 0 : index
    %swap3A_15 = arith.constant 0 : index
    %swap3A_16 = vector.load %arg5[%swap3A, %swap3A_15] : memref<512x32xf32, #tpu.memory_space<vmem>>, vector<512x32xf32>
    tpu.vector_store %arg5[%swap3A, %swap3A_15], %max3A_14 {strides = array<i32>} : memref<512x32xf32, #tpu.memory_space<vmem>>, vector<512x32xf32>,
    return
  }
  func.func @transform_0(%arg0: i32) -> (i32, i32) {
    %c0_i32 = arith.constant 0 : i32
    %c0_i32_0 = arith.constant 0 : i32
    return %arg0, %c0_i32 : i32, i32
  }
  func.func @transform_1(%arg0: i32) -> (i32, i32) {
    %c0_i32 = arith.constant 0 : i32
    %c0_i32_0 = arith.constant 0 : i32
    return %arg0, %c0_i32 : i32, i32
  }
  func.func @transform_2(%arg0: i32) -> (i32, i32) {
    %c0_i32 = arith.constant 0 : i32
    %c0_i32_0 = arith.constant 0 : i32
    %c0_i32_1 = arith.constant 0 : i32
    return %c0_i32, %c0_i32_0 : i32, i32
  }
  func.func @transform_3(%arg0: i32) -> (i32, i32) {
    %c0_i32 = arith.constant 0 : i32
    %c0_i32_0 = arith.constant 0 : i32
    %c0_i32_1 = arith.constant 0 : i32
    return %c0_i32, %c0_i32_0 : i32, i32
  }
  func.func @transform_4(%arg0: i32) -> (i32, i32) {
    %c0_i32 = arith.constant 0 : i32
    %c0_i32_0 = arith.constant 0 : i32
    return %arg0, %c0_i32 : i32, i32
  }
}

module attributes {stable_mosaic.version = 14 : i64} {
  func.func @body(%arg0: i32, %arg1: memref<2xi32, #tpu.memory_space<smem>>, %arg2: memref<48x512x32xbf16, #tpu.memory_space<vmem>>, %arg3: memref<512x32xf32, #tpu.memory_space<vmem>>, %arg4: memref<512x32xf32, #tpu.memory_space<vmem>>, %arg5: memref<512x1xi32, #tpu.memory_space<vmem>>, %arg6: memref<64x128xbf16, #tpu.memory_space<vmem>>, %arg7: memref<1x128xf32, #tpu.memory_space<vmem>>, %arg8: memref<512x32xf32, #tpu.memory_space<vmem>>, %arg9: memref<512x32xf32, #tpu.memory_space<vmem>>) attributes {dimension_semantics = [#tpu.dimension_semantics<arbitrary>], iteration_bounds = array<i64: 100>, scalar_prefetch = 0 : i64, scratch_operands = 0 : i64, tpu.core_type = #tpu.core_type<tc>, window_params = [{transform_indices = @transform_0, window_bounds = array<i64: 2>}, {transform_indices = @transform_1, window_bounds = array<i64: 48, 512, 32>}, {transform_indices = @transform_2, window_bounds = array<i64: 512, 32>}, {transform_indices = @transform_3, window_bounds = array<i64: 512, 32>}, {transform_indices = @transform_4, window_bounds = array<i64: 512, 1>}, {pipeline_mode = #tpu.pipeline_mode<synchronous>, transform_indices = @transform_5, window_bounds = array<i64: 64, 128>}, {pipeline_mode = #tpu.pipeline_mode<synchronous>, transform_indices = @transform_6, window_bounds = array<i64: 1, 128>}, {transform_indices = @transform_7, window_bounds = array<i64: 512, 32>}, {transform_indices = @transform_8, window_bounds = array<i64: 512, 32>}]} {
    %get3A = arith.constant 0 : index
    %get3A_0 = memref.load %arg1[%get3A] : memref<2xi32, #tpu.memory_space<smem>>
    %get3A_1 = arith.constant 1 : index
    %get3A_2 = memref.load %arg1[%get3A_1] : memref<2xi32, #tpu.memory_space<smem>>
    %sub3A = arith.subi %get3A_2, %get3A_0 : i32
    %min3A = arith.constant 48 : i32
    %min3A_3 = arith.minsi %sub3A, %min3A : i32
    %get3A_4 = arith.constant 0 : index
    %get3A_5 = arith.constant 0 : index
    %get3A_6 = vector.load %arg5[%get3A_4, %get3A_5] : memref<512x1xi32, #tpu.memory_space<vmem>>, vector<512x1xi32>
    %get3A_7 = arith.constant 0 : index
    %get3A_8 = arith.constant 0 : index
    %get3A_9 = vector.load %arg3[%get3A_7, %get3A_8] : memref<512x32xf32, #tpu.memory_space<vmem>>, vector<512x32xf32>
    %get3A_10 = arith.constant 0 : index
    %get3A_11 = arith.constant 0 : index
    %get3A_12 = vector.load %arg4[%get3A_10, %get3A_11] : memref<512x32xf32, #tpu.memory_space<vmem>>, vector<512x32xf32>
    %while3A = arith.constant 0 : i32
    %while3A_13 = arith.subi %min3A_3, %while3A : i32
    %while3A_14 = arith.addi %while3A, %while3A_13 : i32
    %while3A_15 = arith.constant 1 : i32
    %while3A_16 = arith.divsi %while3A_13, %while3A_15 : i32
    %while3A_17 = arith.muli %while3A_16, %while3A_15 : i32
    %while3A_18 = arith.addi %while3A, %while3A_17 : i32
    %while3A_19 = arith.constant 1 : i32
    %while3A_20:2 = scf.for %while3A_28 = %while3A to %while3A_18 step %while3A_19 iter_args(%while3A_29 = %get3A_9, %while3A_30 = %get3A_12) -> (vector<512x32xf32>, vector<512x32xf32>)  : i32 {
      %get3A_31 = arith.index_cast %while3A_28 : i32 to index
      %get3A_32 = arith.constant 0 : index
      %get3A_33 = arith.constant 0 : index
      %get3A_34 = vector.load %arg2[%get3A_31, %get3A_32, %get3A_33] : memref<48x512x32xbf16, #tpu.memory_space<vmem>>, vector<1x512x32xbf16>
      %get3A_35 = vector.shape_cast %get3A_34 : vector<1x512x32xbf16> to vector<512x32xbf16>
      %convert_element_type3A = arith.truncf %while3A_29 : vector<512x32xf32> to vector<512x32xbf16>
      %concatenate3A = tpu.concatenate %get3A_35, %convert_element_type3A in 1 : vector<512x32xbf16>, vector<512x32xbf16> -> vector<512x64xbf16>
      %get3A_36 = arith.constant 0 : index
      %get3A_37 = arith.constant 0 : index
      %get3A_38 = vector.load %arg6[%get3A_36, %get3A_37] : memref<64x128xbf16, #tpu.memory_space<vmem>>, vector<64x128xbf16>
      %dot_general3A = arith.constant dense<0.000000e+00> : vector<512x128xf32>
      %dot_general3A_39 = tpu.matmul %concatenate3A, %get3A_38, %dot_general3A {dimension_numbers = #tpu.dot_dimension_numbers<[1], [0], [0], [1], [0, 0, 1, 1], [], []>, transpose_lhs_hint = false} : vector<512x64xbf16>, vector<64x128xbf16>, vector<512x128xf32> -> vector<512x128xf32>
      %get3A_40 = arith.constant 0 : index
      %get3A_41 = arith.constant 0 : index
      %get3A_42 = vector.load %arg7[%get3A_40, %get3A_41] : memref<1x128xf32, #tpu.memory_space<vmem>>, vector<1x128xf32>
      %add3A = vector.broadcast %get3A_42 : vector<1x128xf32> to vector<512x128xf32>
      %add3A_43 = arith.addf %dot_general3A_39, %add3A : vector<512x128xf32>
      %slice3A = vector.extract_strided_slice %add3A_43 {offsets = [0, 0], sizes = [512, 32], strides = [1, 1]} : vector<512x128xf32> to vector<512x32xf32>
      %slice3A_44 = vector.extract_strided_slice %add3A_43 {offsets = [0, 32], sizes = [512, 32], strides = [1, 1]} : vector<512x128xf32> to vector<512x32xf32>
      %slice3A_45 = vector.extract_strided_slice %add3A_43 {offsets = [0, 64], sizes = [512, 32], strides = [1, 1]} : vector<512x128xf32> to vector<512x32xf32>
      %slice3A_46 = vector.extract_strided_slice %add3A_43 {offsets = [0, 96], sizes = [512, 32], strides = [1, 1]} : vector<512x128xf32> to vector<512x32xf32>
      %logistic3A = arith.negf %slice3A_44 : vector<512x32xf32>
      %logistic3A_47 = math.exp %logistic3A : vector<512x32xf32>
      %logistic3A_48 = arith.constant 1.000000e+00 : f32
      %logistic3A_49 = vector.broadcast %logistic3A_48 : f32 to vector<512x32xf32>
      %logistic3A_50 = arith.addf %logistic3A_49, %logistic3A_47 : vector<512x32xf32>
      %logistic3A_51 = arith.divf %logistic3A_49, %logistic3A_50 : vector<512x32xf32>
      %mul3A = arith.mulf %logistic3A_51, %while3A_30 : vector<512x32xf32>
      %logistic3A_52 = arith.negf %slice3A : vector<512x32xf32>
      %logistic3A_53 = math.exp %logistic3A_52 : vector<512x32xf32>
      %logistic3A_54 = arith.constant 1.000000e+00 : f32
      %logistic3A_55 = vector.broadcast %logistic3A_54 : f32 to vector<512x32xf32>
      %logistic3A_56 = arith.addf %logistic3A_55, %logistic3A_53 : vector<512x32xf32>
      %logistic3A_57 = arith.divf %logistic3A_55, %logistic3A_56 : vector<512x32xf32>
      %tanh3A = math.tanh %slice3A_45 : vector<512x32xf32>
      %mul3A_58 = arith.mulf %logistic3A_57, %tanh3A : vector<512x32xf32>
      %add3A_59 = arith.addf %mul3A, %mul3A_58 : vector<512x32xf32>
      %logistic3A_60 = arith.negf %slice3A_46 : vector<512x32xf32>
      %logistic3A_61 = math.exp %logistic3A_60 : vector<512x32xf32>
      %logistic3A_62 = arith.constant 1.000000e+00 : f32
      %logistic3A_63 = vector.broadcast %logistic3A_62 : f32 to vector<512x32xf32>
      %logistic3A_64 = arith.addf %logistic3A_63, %logistic3A_61 : vector<512x32xf32>
      %logistic3A_65 = arith.divf %logistic3A_63, %logistic3A_64 : vector<512x32xf32>
      %tanh3A_66 = math.tanh %add3A_59 : vector<512x32xf32>
      %mul3A_67 = arith.mulf %logistic3A_65, %tanh3A_66 : vector<512x32xf32>
      %add3A_68 = arith.addi %get3A_0, %while3A_28 : i32
      %lt3A = vector.broadcast %add3A_68 : i32 to vector<512x1xi32>
      %lt3A_69 = arith.cmpi slt, %lt3A, %get3A_6 : vector<512x1xi32>
      %broadcast_in_dim3A = vector.shape_cast %lt3A_69 : vector<512x1xi1> to vector<512x1xi1>
      %broadcast_in_dim3A_70 = vector.broadcast %broadcast_in_dim3A : vector<512x1xi1> to vector<512x32xi1>
      %select_n3A = arith.select %broadcast_in_dim3A_70, %mul3A_67, %while3A_29 : vector<512x32xi1>, vector<512x32xf32>
      %broadcast_in_dim3A_71 = vector.shape_cast %lt3A_69 : vector<512x1xi1> to vector<512x1xi1>
      %broadcast_in_dim3A_72 = vector.broadcast %broadcast_in_dim3A_71 : vector<512x1xi1> to vector<512x32xi1>
      %select_n3A_73 = arith.select %broadcast_in_dim3A_72, %add3A_59, %while3A_30 : vector<512x32xi1>, vector<512x32xf32>
      scf.yield %select_n3A, %select_n3A_73 : vector<512x32xf32>, vector<512x32xf32>
    }
    %while3A_21 = arith.constant 1 : i32
    %while3A_22:2 = scf.for %while3A_28 = %while3A_18 to %while3A_14 step %while3A_21 iter_args(%while3A_29 = %while3A_20#0, %while3A_30 = %while3A_20#1) -> (vector<512x32xf32>, vector<512x32xf32>)  : i32 {
      %get3A_31 = arith.index_cast %while3A_28 : i32 to index
      %get3A_32 = arith.constant 0 : index
      %get3A_33 = arith.constant 0 : index
      %get3A_34 = vector.load %arg2[%get3A_31, %get3A_32, %get3A_33] : memref<48x512x32xbf16, #tpu.memory_space<vmem>>, vector<1x512x32xbf16>
      %get3A_35 = vector.shape_cast %get3A_34 : vector<1x512x32xbf16> to vector<512x32xbf16>
      %convert_element_type3A = arith.truncf %while3A_29 : vector<512x32xf32> to vector<512x32xbf16>
      %concatenate3A = tpu.concatenate %get3A_35, %convert_element_type3A in 1 : vector<512x32xbf16>, vector<512x32xbf16> -> vector<512x64xbf16>
      %get3A_36 = arith.constant 0 : index
      %get3A_37 = arith.constant 0 : index
      %get3A_38 = vector.load %arg6[%get3A_36, %get3A_37] : memref<64x128xbf16, #tpu.memory_space<vmem>>, vector<64x128xbf16>
      %dot_general3A = arith.constant dense<0.000000e+00> : vector<512x128xf32>
      %dot_general3A_39 = tpu.matmul %concatenate3A, %get3A_38, %dot_general3A {dimension_numbers = #tpu.dot_dimension_numbers<[1], [0], [0], [1], [0, 0, 1, 1], [], []>, transpose_lhs_hint = false} : vector<512x64xbf16>, vector<64x128xbf16>, vector<512x128xf32> -> vector<512x128xf32>
      %get3A_40 = arith.constant 0 : index
      %get3A_41 = arith.constant 0 : index
      %get3A_42 = vector.load %arg7[%get3A_40, %get3A_41] : memref<1x128xf32, #tpu.memory_space<vmem>>, vector<1x128xf32>
      %add3A = vector.broadcast %get3A_42 : vector<1x128xf32> to vector<512x128xf32>
      %add3A_43 = arith.addf %dot_general3A_39, %add3A : vector<512x128xf32>
      %slice3A = vector.extract_strided_slice %add3A_43 {offsets = [0, 0], sizes = [512, 32], strides = [1, 1]} : vector<512x128xf32> to vector<512x32xf32>
      %slice3A_44 = vector.extract_strided_slice %add3A_43 {offsets = [0, 32], sizes = [512, 32], strides = [1, 1]} : vector<512x128xf32> to vector<512x32xf32>
      %slice3A_45 = vector.extract_strided_slice %add3A_43 {offsets = [0, 64], sizes = [512, 32], strides = [1, 1]} : vector<512x128xf32> to vector<512x32xf32>
      %slice3A_46 = vector.extract_strided_slice %add3A_43 {offsets = [0, 96], sizes = [512, 32], strides = [1, 1]} : vector<512x128xf32> to vector<512x32xf32>
      %logistic3A = arith.negf %slice3A_44 : vector<512x32xf32>
      %logistic3A_47 = math.exp %logistic3A : vector<512x32xf32>
      %logistic3A_48 = arith.constant 1.000000e+00 : f32
      %logistic3A_49 = vector.broadcast %logistic3A_48 : f32 to vector<512x32xf32>
      %logistic3A_50 = arith.addf %logistic3A_49, %logistic3A_47 : vector<512x32xf32>
      %logistic3A_51 = arith.divf %logistic3A_49, %logistic3A_50 : vector<512x32xf32>
      %mul3A = arith.mulf %logistic3A_51, %while3A_30 : vector<512x32xf32>
      %logistic3A_52 = arith.negf %slice3A : vector<512x32xf32>
      %logistic3A_53 = math.exp %logistic3A_52 : vector<512x32xf32>
      %logistic3A_54 = arith.constant 1.000000e+00 : f32
      %logistic3A_55 = vector.broadcast %logistic3A_54 : f32 to vector<512x32xf32>
      %logistic3A_56 = arith.addf %logistic3A_55, %logistic3A_53 : vector<512x32xf32>
      %logistic3A_57 = arith.divf %logistic3A_55, %logistic3A_56 : vector<512x32xf32>
      %tanh3A = math.tanh %slice3A_45 : vector<512x32xf32>
      %mul3A_58 = arith.mulf %logistic3A_57, %tanh3A : vector<512x32xf32>
      %add3A_59 = arith.addf %mul3A, %mul3A_58 : vector<512x32xf32>
      %logistic3A_60 = arith.negf %slice3A_46 : vector<512x32xf32>
      %logistic3A_61 = math.exp %logistic3A_60 : vector<512x32xf32>
      %logistic3A_62 = arith.constant 1.000000e+00 : f32
      %logistic3A_63 = vector.broadcast %logistic3A_62 : f32 to vector<512x32xf32>
      %logistic3A_64 = arith.addf %logistic3A_63, %logistic3A_61 : vector<512x32xf32>
      %logistic3A_65 = arith.divf %logistic3A_63, %logistic3A_64 : vector<512x32xf32>
      %tanh3A_66 = math.tanh %add3A_59 : vector<512x32xf32>
      %mul3A_67 = arith.mulf %logistic3A_65, %tanh3A_66 : vector<512x32xf32>
      %add3A_68 = arith.addi %get3A_0, %while3A_28 : i32
      %lt3A = vector.broadcast %add3A_68 : i32 to vector<512x1xi32>
      %lt3A_69 = arith.cmpi slt, %lt3A, %get3A_6 : vector<512x1xi32>
      %broadcast_in_dim3A = vector.shape_cast %lt3A_69 : vector<512x1xi1> to vector<512x1xi1>
      %broadcast_in_dim3A_70 = vector.broadcast %broadcast_in_dim3A : vector<512x1xi1> to vector<512x32xi1>
      %select_n3A = arith.select %broadcast_in_dim3A_70, %mul3A_67, %while3A_29 : vector<512x32xi1>, vector<512x32xf32>
      %broadcast_in_dim3A_71 = vector.shape_cast %lt3A_69 : vector<512x1xi1> to vector<512x1xi1>
      %broadcast_in_dim3A_72 = vector.broadcast %broadcast_in_dim3A_71 : vector<512x1xi1> to vector<512x32xi1>
      %select_n3A_73 = arith.select %broadcast_in_dim3A_72, %add3A_59, %while3A_30 : vector<512x32xi1>, vector<512x32xf32>
      scf.yield %select_n3A, %select_n3A_73 : vector<512x32xf32>, vector<512x32xf32>
    }
    %swap3A = arith.constant 0 : index
    %swap3A_23 = arith.constant 0 : index
    %swap3A_24 = vector.load %arg8[%swap3A, %swap3A_23] : memref<512x32xf32, #tpu.memory_space<vmem>>, vector<512x32xf32>
    tpu.vector_store %arg8[%swap3A, %swap3A_23], %while3A_22#0 {strides = array<i32>} : memref<512x32xf32, #tpu.memory_space<vmem>>, vector<512x32xf32>,
    %swap3A_25 = arith.constant 0 : index
    %swap3A_26 = arith.constant 0 : index
    %swap3A_27 = vector.load %arg9[%swap3A_25, %swap3A_26] : memref<512x32xf32, #tpu.memory_space<vmem>>, vector<512x32xf32>
    tpu.vector_store %arg9[%swap3A_25, %swap3A_26], %while3A_22#1 {strides = array<i32>} : memref<512x32xf32, #tpu.memory_space<vmem>>, vector<512x32xf32>,
    return
  }
  func.func @transform_0(%arg0: i32) -> i32 {
    %c0_i32 = arith.constant 0 : i32
    %c0_i32_0 = arith.constant 0 : i32
    return %c0_i32 : i32
  }
  func.func @transform_1(%arg0: i32) -> (i32, i32, i32) {
    %c0_i32 = arith.constant 0 : i32
    %c0_i32_0 = arith.constant 0 : i32
    %c0_i32_1 = arith.constant 0 : i32
    return %c0_i32, %arg0, %c0_i32_0 : i32, i32, i32
  }
  func.func @transform_2(%arg0: i32) -> (i32, i32) {
    %c0_i32 = arith.constant 0 : i32
    %c0_i32_0 = arith.constant 0 : i32
    return %arg0, %c0_i32 : i32, i32
  }
  func.func @transform_3(%arg0: i32) -> (i32, i32) {
    %c0_i32 = arith.constant 0 : i32
    %c0_i32_0 = arith.constant 0 : i32
    return %arg0, %c0_i32 : i32, i32
  }
  func.func @transform_4(%arg0: i32) -> (i32, i32) {
    %c0_i32 = arith.constant 0 : i32
    %c0_i32_0 = arith.constant 0 : i32
    return %arg0, %c0_i32 : i32, i32
  }
  func.func @transform_5(%arg0: i32) -> (i32, i32) {
    %c0_i32 = arith.constant 0 : i32
    %c0_i32_0 = arith.constant 0 : i32
    %c0_i32_1 = arith.constant 0 : i32
    return %c0_i32, %c0_i32_0 : i32, i32
  }
  func.func @transform_6(%arg0: i32) -> (i32, i32) {
    %c0_i32 = arith.constant 0 : i32
    %c0_i32_0 = arith.constant 0 : i32
    %c0_i32_1 = arith.constant 0 : i32
    return %c0_i32, %c0_i32_0 : i32, i32
  }
  func.func @transform_7(%arg0: i32) -> (i32, i32) {
    %c0_i32 = arith.constant 0 : i32
    %c0_i32_0 = arith.constant 0 : i32
    return %arg0, %c0_i32 : i32, i32
  }
  func.func @transform_8(%arg0: i32) -> (i32, i32) {
    %c0_i32 = arith.constant 0 : i32
    %c0_i32_0 = arith.constant 0 : i32
    return %arg0, %c0_i32 : i32, i32
  }
}

module attributes {stable_mosaic.version = 14 : i64} {
  func.func @body(%arg0: i32, %arg1: memref<512x32xf32, #tpu.memory_space<vmem>>, %arg2: memref<512x32xf32, #tpu.memory_space<vmem>>, %arg3: memref<64x32xf32, #tpu.memory_space<vmem>>, %arg4: memref<1x32xf32, #tpu.memory_space<vmem>>, %arg5: memref<32x16xf32, #tpu.memory_space<vmem>>, %arg6: memref<1x16xf32, #tpu.memory_space<vmem>>, %arg7: memref<16x8xf32, #tpu.memory_space<vmem>>, %arg8: memref<1x1xf32, #tpu.memory_space<smem>>, %arg9: memref<512x8xf32, #tpu.memory_space<vmem>>) attributes {dimension_semantics = [#tpu.dimension_semantics<arbitrary>], iteration_bounds = array<i64: 100>, scalar_prefetch = 0 : i64, scratch_operands = 0 : i64, tpu.core_type = #tpu.core_type<tc>, window_params = [{transform_indices = @transform_0, window_bounds = array<i64: 512, 32>}, {transform_indices = @transform_1, window_bounds = array<i64: 512, 32>}, {pipeline_mode = #tpu.pipeline_mode<synchronous>, transform_indices = @transform_2, window_bounds = array<i64: 64, 32>}, {pipeline_mode = #tpu.pipeline_mode<synchronous>, transform_indices = @transform_3, window_bounds = array<i64: 1, 32>}, {pipeline_mode = #tpu.pipeline_mode<synchronous>, transform_indices = @transform_4, window_bounds = array<i64: 32, 16>}, {pipeline_mode = #tpu.pipeline_mode<synchronous>, transform_indices = @transform_5, window_bounds = array<i64: 1, 16>}, {pipeline_mode = #tpu.pipeline_mode<synchronous>, transform_indices = @transform_6, window_bounds = array<i64: 16, 8>}, {transform_indices = @transform_7, window_bounds = array<i64: 1, 1>}, {transform_indices = @transform_8, window_bounds = array<i64: 512, 8>}]} {
    %get3A = arith.constant 0 : index
    %get3A_0 = arith.constant 0 : index
    %get3A_1 = vector.load %arg1[%get3A, %get3A_0] : memref<512x32xf32, #tpu.memory_space<vmem>>, vector<512x32xf32>
    %get3A_2 = arith.constant 0 : index
    %get3A_3 = arith.constant 0 : index
    %get3A_4 = vector.load %arg2[%get3A_2, %get3A_3] : memref<512x32xf32, #tpu.memory_space<vmem>>, vector<512x32xf32>
    %concatenate3A = tpu.concatenate %get3A_1, %get3A_4 in 1 : vector<512x32xf32>, vector<512x32xf32> -> vector<512x64xf32>
    %get3A_5 = arith.constant 0 : index
    %get3A_6 = arith.constant 0 : index
    %get3A_7 = vector.load %arg3[%get3A_5, %get3A_6] : memref<64x32xf32, #tpu.memory_space<vmem>>, vector<64x32xf32>
    %dot_general3A = arith.constant dense<0.000000e+00> : vector<512x32xf32>
    %dot_general3A_8 = tpu.matmul %concatenate3A, %get3A_7, %dot_general3A {dimension_numbers = #tpu.dot_dimension_numbers<[1], [0], [0], [1], [0, 0, 1, 1], [], []>, transpose_lhs_hint = false} : vector<512x64xf32>, vector<64x32xf32>, vector<512x32xf32> -> vector<512x32xf32>
    %get3A_9 = arith.constant 0 : index
    %get3A_10 = arith.constant 0 : index
    %get3A_11 = vector.load %arg4[%get3A_9, %get3A_10] : memref<1x32xf32, #tpu.memory_space<vmem>>, vector<1x32xf32>
    %add3A = vector.broadcast %get3A_11 : vector<1x32xf32> to vector<512x32xf32>
    %add3A_12 = arith.addf %dot_general3A_8, %add3A : vector<512x32xf32>
    %max3A = arith.constant 0.000000e+00 : f32
    %max3A_13 = vector.broadcast %max3A : f32 to vector<512x32xf32>
    %max3A_14 = arith.maximumf %add3A_12, %max3A_13 : vector<512x32xf32>
    %get3A_15 = arith.constant 0 : index
    %get3A_16 = arith.constant 0 : index
    %get3A_17 = vector.load %arg5[%get3A_15, %get3A_16] : memref<32x16xf32, #tpu.memory_space<vmem>>, vector<32x16xf32>
    %dot_general3A_18 = arith.constant dense<0.000000e+00> : vector<512x16xf32>
    %dot_general3A_19 = tpu.matmul %max3A_14, %get3A_17, %dot_general3A_18 {dimension_numbers = #tpu.dot_dimension_numbers<[1], [0], [0], [1], [0, 0, 1, 1], [], []>, transpose_lhs_hint = false} : vector<512x32xf32>, vector<32x16xf32>, vector<512x16xf32> -> vector<512x16xf32>
    %get3A_20 = arith.constant 0 : index
    %get3A_21 = arith.constant 0 : index
    %get3A_22 = vector.load %arg6[%get3A_20, %get3A_21] : memref<1x16xf32, #tpu.memory_space<vmem>>, vector<1x16xf32>
    %add3A_23 = vector.broadcast %get3A_22 : vector<1x16xf32> to vector<512x16xf32>
    %add3A_24 = arith.addf %dot_general3A_19, %add3A_23 : vector<512x16xf32>
    %gt3A = arith.constant 0.000000e+00 : f32
    %gt3A_25 = vector.broadcast %gt3A : f32 to vector<512x16xf32>
    %gt3A_26 = arith.cmpf ogt, %add3A_24, %gt3A_25 : vector<512x16xf32>
    %mul3A = arith.constant 0.00999999977 : f32
    %mul3A_27 = vector.broadcast %mul3A : f32 to vector<512x16xf32>
    %mul3A_28 = arith.mulf %mul3A_27, %add3A_24 : vector<512x16xf32>
    %select_n3A = arith.select %gt3A_26, %add3A_24, %mul3A_28 : vector<512x16xi1>, vector<512x16xf32>
    %get3A_29 = arith.constant 0 : index
    %get3A_30 = arith.constant 0 : index
    %get3A_31 = vector.load %arg7[%get3A_29, %get3A_30] : memref<16x8xf32, #tpu.memory_space<vmem>>, vector<16x8xf32>
    %dot_general3A_32 = arith.constant dense<0.000000e+00> : vector<512x8xf32>
    %dot_general3A_33 = tpu.matmul %select_n3A, %get3A_31, %dot_general3A_32 {dimension_numbers = #tpu.dot_dimension_numbers<[1], [0], [0], [1], [0, 0, 1, 1], [], []>, transpose_lhs_hint = false} : vector<512x16xf32>, vector<16x8xf32>, vector<512x8xf32> -> vector<512x8xf32>
    %get3A_34 = arith.constant 0 : index
    %get3A_35 = arith.constant 0 : index
    %get3A_36 = memref.load %arg8[%get3A_34, %get3A_35] : memref<1x1xf32, #tpu.memory_space<smem>>
    %add3A_37 = vector.broadcast %get3A_36 : f32 to vector<512x8xf32>
    %add3A_38 = arith.addf %dot_general3A_33, %add3A_37 : vector<512x8xf32>
    %swap3A = arith.constant 0 : index
    %swap3A_39 = arith.constant 0 : index
    %swap3A_40 = vector.load %arg9[%swap3A, %swap3A_39] : memref<512x8xf32, #tpu.memory_space<vmem>>, vector<512x8xf32>
    tpu.vector_store %arg9[%swap3A, %swap3A_39], %add3A_38 {strides = array<i32>} : memref<512x8xf32, #tpu.memory_space<vmem>>, vector<512x8xf32>,
    return
  }
  func.func @transform_0(%arg0: i32) -> (i32, i32) {
    %c0_i32 = arith.constant 0 : i32
    %c0_i32_0 = arith.constant 0 : i32
    return %arg0, %c0_i32 : i32, i32
  }
  func.func @transform_1(%arg0: i32) -> (i32, i32) {
    %c0_i32 = arith.constant 0 : i32
    %c0_i32_0 = arith.constant 0 : i32
    return %arg0, %c0_i32 : i32, i32
  }
  func.func @transform_2(%arg0: i32) -> (i32, i32) {
    %c0_i32 = arith.constant 0 : i32
    %c0_i32_0 = arith.constant 0 : i32
    %c0_i32_1 = arith.constant 0 : i32
    return %c0_i32, %c0_i32_0 : i32, i32
  }
  func.func @transform_3(%arg0: i32) -> (i32, i32) {
    %c0_i32 = arith.constant 0 : i32
    %c0_i32_0 = arith.constant 0 : i32
    %c0_i32_1 = arith.constant 0 : i32
    return %c0_i32, %c0_i32_0 : i32, i32
  }
  func.func @transform_4(%arg0: i32) -> (i32, i32) {
    %c0_i32 = arith.constant 0 : i32
    %c0_i32_0 = arith.constant 0 : i32
    %c0_i32_1 = arith.constant 0 : i32
    return %c0_i32, %c0_i32_0 : i32, i32
  }
  func.func @transform_5(%arg0: i32) -> (i32, i32) {
    %c0_i32 = arith.constant 0 : i32
    %c0_i32_0 = arith.constant 0 : i32
    %c0_i32_1 = arith.constant 0 : i32
    return %c0_i32, %c0_i32_0 : i32, i32
  }
  func.func @transform_6(%arg0: i32) -> (i32, i32) {
    %c0_i32 = arith.constant 0 : i32
    %c0_i32_0 = arith.constant 0 : i32
    %c0_i32_1 = arith.constant 0 : i32
    return %c0_i32, %c0_i32_0 : i32, i32
  }
  func.func @transform_7(%arg0: i32) -> (i32, i32) {
    %c0_i32 = arith.constant 0 : i32
    %c0_i32_0 = arith.constant 0 : i32
    %c0_i32_1 = arith.constant 0 : i32
    return %c0_i32, %c0_i32_0 : i32, i32
  }
  func.func @transform_8(%arg0: i32) -> (i32, i32) {
    %c0_i32 = arith.constant 0 : i32
    %c0_i32_0 = arith.constant 0 : i32
    return %arg0, %c0_i32 : i32, i32
  }
}

</mosaic_0001>

<sc_bundles>
// kernel: body.26.cloned.1.call-start
scs
__scs_entry_jumppad:
0x0: {  	(pc) =	sbr.rel $0x88, $3  }
0x1: {  	(tag) =	ssettag $0x0;
	lr =	simm.s32 $0x1  }
0x2: {  	[smem:$0x3F8D] =	sst lr;
	_ =	strace $0xD0000000  }
0x3: {  	_ = 	snop  }
0x4: {  	_ = 	snop  }
0x5: {  	_ = 	snop  }
0x6: {  	_ = 	snop  }
0x7: {  	_ = 	snop  }
__scs_overlays_trampoline_lowered:
0x8: {  	[smem:$0x3F9C] =	sst s0  }
0x9: {  	[smem:$0x3F9D] =	sst s1  }
0xa: {  	[smem:$0x3F9E] =	sst s2  }
0xb: {  	[smem:$0x3F9F] =	sst s3  }
0xc: {  	[smem:$0x3FA0] =	sst s4  }
0xd: {  	[smem:$0x3FA1] =	sst s5  }
0xe: {  	[smem:$0x3FA2] =	sst s6  }
0xf: {  	[smem:$0x3FA3] =	sst s7  }
0x10: {  	[smem:$0x3FA4] =	sst s8  }
0x11: {  	[smem:$0x3FA5] =	sst s9;
	s0 =	simm.s32 @!p0 $0x0  }
0x12: {  	s1 =	sld [smem:$0x3F8B];
	s0 =	simm.s32 @p0 $0x1  }
0x13: {  	[smem:$0x3FA6] =	sst s0;
	s0 =	simm.s32 @!p1 $0x0  }
0x14: {  	s2 =	sld [smem:$0x3F8A];
	s0 =	simm.s32 @p1 $0x1  }
0x15: {  	[smem:$0x3FA7] =	sst s0;
	s0 =	simm.s32 @!p2 $0x0  }
0x16: {  	s3 =	sld [smem:$0x3FDB];
	s0 =	simm.s32 @p2 $0x1  }
0x17: {  	s4 =	simm.s32 $0x1BF5;
	[smem:$0x3FA9] =	sst s0  }
0x18: {  	s0 =	sld [smem:$0x3F8C];
	_ =	swait.ge [sflag:s4], $0x0  }
0x19: {  	s7 =	sld [smem:$0x3F8D]  }
0x1a: {  	s8 =	sadd.s32 $0xFFFFE003, lr  }
0x1b: {  	s9 =	sadd.s32 $0xFFFFFEF7, lr;
	s5 =	simm.s32 $0xFFFFFFFF;
	p2 =	slt.u32 s8, $0xFFFFF086  }
0x1c: {  	p1 =	slt.u32 s9, $0xF7A;
	s5 =	simm.s32 @!p2 $0x0  }
0x1d: {  	s5 =	simm.s32 @p1 $0x1;
	p0 =	seq.s32 s7, s2  }
0x1e: {  	s7 =	smul.u32 @!p0 $0xF7A, s2;
	p2 =	seq.s32 @!p0 s5, $0x0  }
0x1f: {  	s9 =	smul.u32 $0xF7A, s1;
	s8 =	simm.s32 @!p0 $0x1BF5;
	p2 =	por !p2, p0  }
0x20: {  	[sflag:s8] =	ssyncset.s32 @!p0 $0xFFFFF086;
	s6 =	sadd.s32 @!p0 s3, s7;
	s7 =	simm.s32 @!p0 $0x108  }
0x21: {  	s3 =	sadd.s32 s3, s9;
	s6 =	sadd.s32 @!p0 $0x88, s6;
	s7 =	simm.s32 @p2 $0x1082  }
0x22: {  	[simem:s7], [sflag:s8] =	dma.local @!p0 [hbm:s6], $0xF7A  }
0x23: {  	s9 =	sor.u32 $0xD0000000, s2;
	s6 =	simm.s32 $0x108;
	_ =	swait.ge @!p0 [sflag:s8], $0x0  }
0x24: {  	s3 =	sadd.s32 $0x88, s3;
	s6 =	simm.s32 @!p1 $0x1082;
	[sflag:s4] =	ssyncset.s32 $0xFFFFF086  }
0x25: {  	[simem:s6], [sflag:s4] =	dma.local [hbm:s3], $0xF7A  }
0x26: {  	[smem:$0x3F8D] =	sst s1;
	(tag) =	ssettag s2;
	_ =	strace s9  }
0x27: {  	s1 =	sld [smem:$0x3F9D]  }
0x28: {  	s2 =	sld [smem:$0x3F9E]  }
0x29: {  	s4 =	sld [smem:$0x3FA0]  }
0x2a: {  	p0 =	seq.s32 s5, $0x0;
	s5 =	sld [smem:$0x3FA1]  }
0x2b: {  	s6 =	sld [smem:$0x3FA2]  }
0x2c: {  	s7 =	sld [smem:$0x3FA3]  }
0x2d: {  	s3 =	simm.s32 $0x108;
	s8 =	sld [smem:$0x3FA4]  }
0x2e: {  	s3 =	simm.s32 @!p0 $0x1082;
	s9 =	sld [smem:$0x3FA5]  }
0x2f: {  	lr =	sadd.s32 s0, s3;
	s0 =	sld [smem:$0x3F9C]  }
0x30: {  	s3 =	sld [smem:$0x3F9F]  }
0x31: {  	[smem:$0x3FA8] =	sst s10  }
0x32: {  	s10 =	sld [smem:$0x3FA6];
	_ =	sdelay $0x3  }
0x33: {  	p0 =	seq.s32 s10, $0x1;
	s10 =	sld [smem:$0x3FA8];
	_ =	sdelay $0x3  }
0x34: {  	[smem:$0x3FA8] =	sst s10  }
0x35: {  	s10 =	sld [smem:$0x3FA7];
	_ =	sdelay $0x3  }
0x36: {  	p1 =	seq.s32 s10, $0x1;
	s10 =	sld [smem:$0x3FA8];
	_ =	sdelay $0x3  }
0x37: {  	[smem:$0x3FA8] =	sst s10  }
0x38: {  	s10 =	sld [smem:$0x3FA9]  }
0x39: {  	_ = 	snop;
	(pc) =	sbr.ind lr, $3  }
0x3a: {  	_ = 	snop  }
0x3b: {  	_ = 	snop  }
0x3c: {  	p2 =	seq.s32 s10, $0x1;
	s10 =	sld [smem:$0x3FA8]  }
0x3d: {  	_ =	shalt  }
0x3e: {  	_ =	shalt  }
0x3f: {  	_ =	shalt  }
0x40: {  	_ =	shalt  }
0x41: {  	_ =	shalt  }
0x42: {  	_ =	shalt  }
0x43: {  	_ =	shalt  }
0x44: {  	_ =	shalt  }
0x45: {  	_ =	shalt  }
0x46: {  	_ =	shalt  }
0x47: {  	_ =	shalt  }
0x48: {  	_ =	shalt  }
0x49: {  	_ =	shalt  }
0x4a: {  	_ =	shalt  }
0x4b: {  	_ =	shalt  }
0x4c: {  	_ =	shalt  }
0x4d: {  	_ =	shalt  }
0x4e: {  	_ =	shalt  }
0x4f: {  	_ =	shalt  }
0x50: {  	_ =	shalt  }
0x51: {  	_ =	shalt  }
0x52: {  	_ =	shalt  }
0x53: {  	_ =	shalt  }
0x54: {  	_ =	shalt  }
0x55: {  	_ =	shalt  }
0x56: {  	_ =	shalt  }
0x57: {  	_ =	shalt  }
0x58: {  	_ =	shalt  }
0x59: {  	_ =	shalt  }
0x5a: {  	_ =	shalt  }
0x5b: {  	_ =	shalt  }
0x5c: {  	_ =	shalt  }
0x5d: {  	_ =	shalt  }
0x5e: {  	_ =	shalt  }
0x5f: {  	_ =	shalt  }
0x60: {  	_ =	shalt  }
0x61: {  	_ =	shalt  }
0x62: {  	_ =	shalt  }
0x63: {  	_ =	shalt  }
0x64: {  	_ =	shalt  }
0x65: {  	_ =	shalt  }
0x66: {  	_ =	shalt  }
0x67: {  	_ =	shalt  }
0x68: {  	_ =	shalt  }
0x69: {  	_ =	shalt  }
0x6a: {  	_ =	shalt  }
0x6b: {  	_ =	shalt  }
0x6c: {  	_ =	shalt  }
0x6d: {  	_ =	shalt  }
0x6e: {  	_ =	shalt  }
0x6f: {  	_ =	shalt  }
0x70: {  	_ =	shalt  }
0x71: {  	_ =	shalt  }
0x72: {  	_ =	shalt  }
0x73: {  	_ =	shalt  }
0x74: {  	_ =	shalt  }
0x75: {  	_ =	shalt  }
0x76: {  	_ =	shalt  }
0x77: {  	_ =	shalt  }
0x78: {  	_ =	shalt  }
0x79: {  	_ =	shalt  }
0x7a: {  	_ =	shalt  }
0x7b: {  	_ =	shalt  }
0x7c: {  	_ =	shalt  }
0x7d: {  	_ =	shalt  }
0x7e: {  	_ =	shalt  }
0x7f: {  	_ =	shalt  }
0x80: {  	_ =	shalt  }
0x81: {  	_ =	shalt  }
0x82: {  	_ =	shalt  }
0x83: {  	_ =	shalt  }
0x84: {  	_ =	shalt  }
0x85: {  	_ =	shalt  }
0x86: {  	_ =	shalt  }
0x87: {  	_ =	shalt  }
.Lfunc_end0:
.L_simem_size_0:
called_computation.5_lowered:
.L_overlay_start_0:
0x88: {  	s2 =	sld [smem:$0x3FD9]  }
0x89: {  	s3 =	sld [smem:$0x3FFE];
	_ =	sdelay $0x1  }
0x8a: {  	s1 =	srdreg.scid  }
0x8b: {  	s0 =	sand.u32 $0x1, s1  }
0x8c: {  	s16 =	sshll.u32 s0, $0xA;
	s2 =	sadd.s32 s3, s2  }
0x8d: {  	s2 =	sadd.s32 s2, s16  }
0x8e: {  	[smem:$0x3FB4] =	sst s2  }
0x8f: {  	_ = 	snop  }
0x90: {  	(tm) =	ssettm $0x1  }
0x91: {  	s17 =	sld [smem:$0x3FFB];
	_ =	sdelay $0x3  }
0x92: {  	_ =	strace s17  }
0x93: {  	s2 =	sld [smem:$0x3FFC];
	_ =	sdelay $0x3  }
0x94: {  	_ =	strace s2  }
0x95: {  	s2 =	sld [smem:$0x3FFD];
	_ =	sdelay $0x3  }
0x96: {  	_ =	strace s2  }
0x97: {  	_ =	strace $0x8FFFFFFF  }
0x98: {  	s18 =	sld [smem:$0x3FDB];
	_ =	sdelay $0x1  }
0x99: {  	s19 =	simm.s32 $_scs_section_size  }
0x9a: {  	s4 =	simm.s32 $_size__tile_overlayer_lowered;
	s5 =	simm.s32 $_tile_overlayer_lowered  }
0x9b: {  	s22 =	simm.s32 $0x1BFF;
	s21 =	sshll.u32 s5, $0x1;
	s2 =	sadd.s32 s19, s18  }
0x9c: {  	s6 =	simm.s32 $0x0;
	s20 =	sshll.u32 s4, $0x1;
	s4 =	sadd.s32 s21, s2  }
0x9d: {  	[timem:s6], [sflag:s22] =	dma.local [hbm:s4], s20  }
0x9e: {  	_ =	swait.ge [sflag:s22], s20  }
0x9f: {  	s3 =	ssub.s32 $0x0, s20;
	[sflag:s22] =	ssyncset.done $0x0  }
0xa0: {  	[sflag:s22] =	ssyncadd.s32 s3;
	_ =	sdelay $0x1  }
0xa1: {  	s23 =	simm.s32 $0x1B8B  }
0xa2: {  	_ =	swait.ge [sflag:s23], $0x1  }
0xa3: {  	[sflag:s23] =	ssyncset.done $0x0  }
0xa4: {  	s25 =	simm.s32 $0x1B8E;
	s24 =	sld [smem:$0x3FFE];
	[sflag:s23] =	ssyncadd.s32 $0xFFFFFFFF  }
0xa5: {  	s26 =	simm.s32 $execute0_lowered;
	[smem:$0x3FD2] =	sst s25  }
0xa6: {  	s4 =	sshll.u32 s26, $0x1;
	_ =	strace $0x80000052;
	[dreg:$0x1] =	wrdreg $0xFFFFFFFF  }
0xa7: {  	s28 =	simm.s32 $_size_execute0_lowered;
	s2 =	sadd.s32 s2, s4;
	[dreg:$0x0] =	wrdreg $0x0  }
0xa8: {  	s4 =	sshll.u32 s28, $0x1;
	[dreg:$0x2] =	wrdreg s2  }
0xa9: {  	[dreg:$0x3] =	wrdreg s4  }
0xaa: {  	[dreg:$0x4] =	wrdreg $0xC0  }
0xab: {  	_ =	task [dreg:s6], $0x5FFFF  }
0xac: {  	[dreg:$0x1] =	wrdreg $0xFFFFFFFF  }
0xad: {  	[dreg:$0x0] =	wrdreg $0x60  }
0xae: {  	[dreg:$0x2] =	wrdreg s24  }
0xaf: {  	[dreg:$0x3] =	wrdreg $0x88000  }
0xb0: {  	[dreg:$0x4] =	wrdreg $0x9  }
0xb1: {  	_ =	task.clear_ibuf [dreg:s6], $0x5FFFF;
	_ =	strace $0x90000052  }
0xb2: {  	s29 =	simm.s32 $0x9;
	_ =	strace $0x80000054  }
0xb3: {  	_ =	swait.ge [sflag:s29], $0x1  }
0xb4: {  	[sflag:s29] =	ssyncadd.s32 $0xFFFFFFFF  }
0xb5: {  	_ =	strace $0x90000054  }
0xb6: {  	_ =	sfence  }
0xb7: {  	s30 =	sld [smem:$0x0];
	_ =	sdelay $0x2  }
0xb8: {  	s31 =	sshll.u32 s1, $0xD;
	s1 =	sshrl.u32 s1, $0x2  }
0xb9: {  	s3 =	sand.u32 $0x4000, s31;
	s1 =	sadd.s32 s1, s30  }
0xba: {  	s0 =	sor.u32 s3, s0;
	s1 =	sshll.u32 s1, $0x11  }
0xbb: {  	s0 =	sor.u32 s1, s0  }
0xbc: {  	s0 =	sadd.s32 $0x8F2B, s0  }
0xbd: {  	[sflag:s0] =	ssyncadd.remote.s32 $0x1  }
0xbe: {  	_ =	sfence.sel $0xFFFF  }
0xbf: {  	[dreg:$0x0] =	wrdreg $0xFFFFFFFF;
	(pc) =	sbr.abs _section_cstart, $3  }
0xc0: {  	[dreg:$0x1] =	wrdreg $0xFFFFFFFF  }
0xc1: {  	_ =	task.clear_ibuf [dreg:s6], $0x2FFFF;
	_ =	strace $0x9FFFFFFF  }
0xc2: {  	(tm) =	ssettm $0x7FFFFFFF  }
0xc3: {  	_ =	shalt  }
tec
execute0_lowered:
.L_overlay_start_1:
0x0: {  	(tag) =	ssettag $0x1  }
0x1: {  	s1 =	srdreg.scid;
	s6 =	rddreg [dreg:$0x0]  }
0x2: {  	s0 =	stileid.u32;
	s2 =	rddreg [dreg:$0x1]  }
0x3: {  	s3 =	simm.s32 $0x0;
	s13 =	simm.s32 $0x400;
	s14 =	simm.s32 $0x4800  }
0x4: {  	s15 =	simm.s32 $0x1;
	s16 =	simm.s32 $0x0;
	s5 =	smul.u32 $0x25800, s0  }
0x5: {  	s4 =	sand.u32 $0x1, s1;
	s1 =	rddreg [dreg:$0x2];
	s25 =	smul.u32 $0xC800, s0  }
0x6: {  	[smem:$0x7FF] =	sst s3;
	s9 =	smul.u32 $0x4B000, s0;
	s30 =	sshll.u32 s0, $0x6  }
0x7: {  	s7 =	smul.u32 $0x12C00, s4;
	_ =	strace $0x80000053;
	s10 =	ssub.s32 $0x2, s4  }
0x8: {  	s12 =	smul.u32 $0x25800, s4;
	s26 =	sshrl.u32 s25, $0x3;
	s11 =	sshrl.u32 s10, $0x1  }
0x9: {  	s29 =	sadd.s32 s25, s2;
	s5 =	sadd.s32 s7, s5;
	s28 =	ssub.s32 s10, s11  }
.Ltmp0:
0xa: {  	s10 =	simm.s32 $0x4;
	s5 =	sshrl.u32 s5, $0x3;
	(pc) =	sbr.rel .LBB2_1-.Ltmp0, $4  }
0xb: {  	s11 =	simm.s32 $0x2;
	s8 =	sadd.s32 s5, s6;
	s5 =	sadd.s32 s26, s6  }
0xc: {  	s6 =	sadd.s32 s9, s6;
	s9 =	sshrl.u32 s29, $0x3;
	s4 =	sadd.s32 $0x12EA00, s5  }
0xd: {  	s31 =	sadd.s32 s12, s6;
	s5 =	sor.u32 $0x1C04, s30;
	s6 =	smax.u32 s28, $0x1  }
0xe: {  	s8 =	sadd.s32 $0x3BAA00, s8;
	s12 =	simm.s32 $0x3;
	s7 =	sadd.s32 $0x405A00, s31  }
.LBB2_5:
0xf: {  	s16 =	sadd.s32 $0x1, s16  }
0x10: {  	_ =	swait.ge [sflag:s11], $0x4000;
	p0 =	sne.s32 s16, s6  }
.Ltmp1:
0x11: {  	[sflag:s11] =	ssyncset.done $0x0;
	(pc) =	sbr.rel @!p0 .LBB2_6-.Ltmp1, $4  }
0x12: {  	[sflag:s11] =	ssyncadd.s32 $0xFFFFC000  }
0x13: {  	_ =	swait.ge [sflag:s12], $0x4000  }
0x14: {  	[sflag:s12] =	ssyncset.done $0x0  }
0x15: {  	[sflag:s12] =	ssyncadd.s32 $0xFFFFC000  }
.LBB2_1:
0x16: {  	[spmem:s9], [sflag:s5] =	dma.local [hbm:s4], $0x1900  }
.Ltmp2:
0x17: {  	_ =	swait.ge [sflag:s10], $0x1900;
	(pc) =	sbr.rel .LBB2_2-.Ltmp2, $4  }
0x18: {  	[sflag:s10] =	ssyncset.done $0x0  }
0x19: {  	[sflag:s10] =	ssyncadd.s32 $0xFFFFE700  }
0x1a: {  	[bflag:$0x0] =	sbarrier.arrive $0xFFFF  }
0x1b: {  	s17 =	smov.u32 s8;
	s18 =	smov.u32 s7;
	s19 =	simm.s32 $0x0  }
.LBB2_4:
0x1c: {  	s19 =	sadd.s32 $0x1, s19  }
0x1d: {  	p0 =	sne.s32 s19, $0x4B  }
.Ltmp3:
0x1e: {  	_ = 	snop;
	(pc) =	sbr.rel @!p0 .LBB2_5-.Ltmp3, $2  }
0x1f: {  	_ =	sdelay $0x2  }
0x20: {  	s18 =	sadd.s32 $0x800, s18;
	s17 =	sadd.s32 $0x80, s17  }
.LBB2_2:
0x21: {  	s20 =	sand.u32 $0x1, s19  }
0x22: {  	p0 =	seq.s32 s20, $0x1  }
0x23: {  	p1 =	slt.u32 @!p0 s19, $0x2  }
0x24: {  	p1 =	por p1, p0  }
0x25: {  	s21 =	simm.s32 @!p1 $0x2  }
0x26: {  	_ =	swait.ge @!p1 [sflag:s21], $0x4000  }
0x27: {  	[sflag:s21] =	ssyncset.done @!p1 $0x0  }
0x28: {  	s22 =	simm.s32 @!p0 $0x4;
	[sflag:s21] =	ssyncadd.s32 @!p1 $0xFFFFC000;
	s21 =	simm.s32 @!p0 $0x0  }
0x29: {  	[tilespmem:s21], [sflag:$0x4] =	stream.linear.gather @!p0 [hbm4b:s17+s21], $0x400, $0x38;
	[tilespmem:$0x15000] =	vst v63  }
0x2a: {  	_ =	swait.ge @!p0 [sflag:s22], $0x400  }
0x2b: {  	[sflag:s22] =	ssyncset.done @!p0 $0x0  }
0x2c: {  	s23 =	simm.s32 @!p0 $0x800;
	[sflag:s22] =	ssyncadd.s32 @!p0 $0xFFFFFC00;
	s22 =	simm.s32 @!p0 $0x400  }
0x2d: {  	[tilespmem:s23], [sflag:$0x1] =	stream.indirect.gather @!p0 [spmem:s2], $0x10, s21, s22, $0xb8;
	[tilespmem:$0x15000] =	vst v63  }
0x2e: {  	s22 =	simm.s32 @!p0 $0x1  }
0x2f: {  	_ =	swait.ge @!p0 [sflag:s22], $0x4000  }
0x30: {  	[sflag:s22] =	ssyncset.done @!p0 $0x0  }
0x31: {  	p1 =	seq.s32 @!p0 s20, $0x0;
	[sflag:s22] =	ssyncadd.s32 @!p0 $0xFFFFC000  }
0x32: {  	[hbm4b:s18+s21] =	stream.linear.scatter @!p0 [tilespmem:s23], [sflag:$0x2], $0x4000, $0x38;
	[tilespmem:$0x15000] =	vst v63  }
0x33: {  	p0 =	por p0, !p1  }
.Ltmp4:
0x34: {  	_ = 	snop;
	(pc) =	sbr.rel @!p0 .LBB2_4-.Ltmp4, $1  }
0x35: {  	_ =	sdelay $0x3  }
0x36: {  	p0 =	slt.u32 s19, $0x2  }
0x37: {  	s20 =	simm.s32 @!p0 $0x3  }
0x38: {  	_ =	swait.ge @!p0 [sflag:s20], $0x4000  }
0x39: {  	[sflag:s20] =	ssyncset.done @!p0 $0x0  }
0x3a: {  	[sflag:s20] =	ssyncadd.s32 @!p0 $0xFFFFC000  }
0x3b: {  	[tilespmem:s13], [sflag:$0x4] =	stream.linear.gather [hbm4b:s17+s3], $0x400, $0x38;
	[tilespmem:$0x15000] =	vst v63  }
0x3c: {  	_ =	swait.ge [sflag:s10], $0x400  }
0x3d: {  	[sflag:s10] =	ssyncset.done $0x0  }
0x3e: {  	[sflag:s10] =	ssyncadd.s32 $0xFFFFFC00  }
0x3f: {  	[tilespmem:s14], [sflag:$0x1] =	stream.indirect.gather [spmem:s2], $0x10, s13, s13, $0xb8;
	[tilespmem:$0x15000] =	vst v63  }
.Ltmp5:
0x40: {  	_ = 	snop;
	(pc) =	sbr.rel .LBB2_4-.Ltmp5, $4  }
0x41: {  	_ =	swait.ge [sflag:s15], $0x4000  }
0x42: {  	[sflag:s15] =	ssyncset.done $0x0  }
0x43: {  	[sflag:s15] =	ssyncadd.s32 $0xFFFFC000  }
0x44: {  	[hbm4b:s18+s3] =	stream.linear.scatter [tilespmem:s14], [sflag:$0x3], $0x4000, $0x38;
	[tilespmem:$0x15000] =	vst v63  }
.LBB2_6:
0x45: {  	_ =	sfence.sel $0x180000  }
0x46: {  	[bflag:$0x0] =	sbarrier.arrive $0xFFFF  }
0x47: {  	p0 =	sne.s32 s0, $0x0;
	_ =	strace $0x90000053  }
0x48: {  	s0 =	sadd.s32 @!p0 $0x100000, s1;
	[bflag:$0x2] =	sbarrier.arrive $0xFFFF  }
0x49: {  	[sflag:s0] =	ssyncadd.tile.s32 @!p0 $0x1;
	_ =	shalt  }
.Lfunc_end2:
_tile_overlayer_lowered:
.L_overlay_start_2:
0x4a: {  	(tag) =	ssettag $0x2  }
0x4b: {  	s0 =	rddreg [dreg:$0x0];
	s2 =	stileid.u32  }
0x4c: {  	s1 =	rddreg [dreg:$0x1];
	p0 =	sne.s32 s2, $0x0  }
0x4d: {  	s3 =	rddreg [dreg:$0x2];
	[bflag:$0x3] =	sbarrier.arrive $0xFFFF;
	s2 =	simm.s32 @!p0 $0x1C04  }
0x4e: {  	[timem:s3], [sflag:s2] =	dma.local @!p0 [hbm:s0], s1  }
0x4f: {  	s0 =	simm.s32 @!p0 $0x4  }
0x50: {  	_ =	swait.ge @!p0 [sflag:s0], s1  }
0x51: {  	s1 =	ssub.s32 @!p0 $0x0, s1;
	[sflag:s0] =	ssyncset.done @!p0 $0x0  }
0x52: {  	[sflag:s0] =	ssyncadd.s32 @!p0 s1  }
0x53: {  	[bflag:$0x3] =	sbarrier.arrive $0xFFFF  }
0x54: {  	_ =	shalt  }

// kernel: body.29.cloned.1.call-start
scs
__scs_entry_jumppad:
0x0: {  	(pc) =	sbr.rel $0x88, $3  }
0x1: {  	(tag) =	ssettag $0x0;
	lr =	simm.s32 $0x1  }
0x2: {  	[smem:$0x3F8D] =	sst lr;
	_ =	strace $0xD0000000  }
0x3: {  	_ = 	snop  }
0x4: {  	_ = 	snop  }
0x5: {  	_ = 	snop  }
0x6: {  	_ = 	snop  }
0x7: {  	_ = 	snop  }
__scs_overlays_trampoline_lowered:
0x8: {  	[smem:$0x3F9C] =	sst s0  }
0x9: {  	[smem:$0x3F9D] =	sst s1  }
0xa: {  	[smem:$0x3F9E] =	sst s2  }
0xb: {  	[smem:$0x3F9F] =	sst s3  }
0xc: {  	[smem:$0x3FA0] =	sst s4  }
0xd: {  	[smem:$0x3FA1] =	sst s5  }
0xe: {  	[smem:$0x3FA2] =	sst s6  }
0xf: {  	[smem:$0x3FA3] =	sst s7  }
0x10: {  	[smem:$0x3FA4] =	sst s8  }
0x11: {  	[smem:$0x3FA5] =	sst s9;
	s0 =	simm.s32 @!p0 $0x0  }
0x12: {  	s1 =	sld [smem:$0x3F8B];
	s0 =	simm.s32 @p0 $0x1  }
0x13: {  	[smem:$0x3FA6] =	sst s0;
	s0 =	simm.s32 @!p1 $0x0  }
0x14: {  	s2 =	sld [smem:$0x3F8A];
	s0 =	simm.s32 @p1 $0x1  }
0x15: {  	[smem:$0x3FA7] =	sst s0;
	s0 =	simm.s32 @!p2 $0x0  }
0x16: {  	s3 =	sld [smem:$0x3FDB];
	s0 =	simm.s32 @p2 $0x1  }
0x17: {  	s4 =	simm.s32 $0x1BF5;
	[smem:$0x3FA9] =	sst s0  }
0x18: {  	s0 =	sld [smem:$0x3F8C];
	_ =	swait.ge [sflag:s4], $0x0  }
0x19: {  	s7 =	sld [smem:$0x3F8D]  }
0x1a: {  	s8 =	sadd.s32 $0xFFFFE003, lr  }
0x1b: {  	s9 =	sadd.s32 $0xFFFFFEF7, lr;
	s5 =	simm.s32 $0xFFFFFFFF;
	p2 =	slt.u32 s8, $0xFFFFF086  }
0x1c: {  	p1 =	slt.u32 s9, $0xF7A;
	s5 =	simm.s32 @!p2 $0x0  }
0x1d: {  	s5 =	simm.s32 @p1 $0x1;
	p0 =	seq.s32 s7, s2  }
0x1e: {  	s7 =	smul.u32 @!p0 $0xF7A, s2;
	p2 =	seq.s32 @!p0 s5, $0x0  }
0x1f: {  	s9 =	smul.u32 $0xF7A, s1;
	s8 =	simm.s32 @!p0 $0x1BF5;
	p2 =	por !p2, p0  }
0x20: {  	[sflag:s8] =	ssyncset.s32 @!p0 $0xFFFFF086;
	s6 =	sadd.s32 @!p0 s3, s7;
	s7 =	simm.s32 @!p0 $0x108  }
0x21: {  	s3 =	sadd.s32 s3, s9;
	s6 =	sadd.s32 @!p0 $0x88, s6;
	s7 =	simm.s32 @p2 $0x1082  }
0x22: {  	[simem:s7], [sflag:s8] =	dma.local @!p0 [hbm:s6], $0xF7A  }
0x23: {  	s9 =	sor.u32 $0xD0000000, s2;
	s6 =	simm.s32 $0x108;
	_ =	swait.ge @!p0 [sflag:s8], $0x0  }
0x24: {  	s3 =	sadd.s32 $0x88, s3;
	s6 =	simm.s32 @!p1 $0x1082;
	[sflag:s4] =	ssyncset.s32 $0xFFFFF086  }
0x25: {  	[simem:s6], [sflag:s4] =	dma.local [hbm:s3], $0xF7A  }
0x26: {  	[smem:$0x3F8D] =	sst s1;
	(tag) =	ssettag s2;
	_ =	strace s9  }
0x27: {  	s1 =	sld [smem:$0x3F9D]  }
0x28: {  	s2 =	sld [smem:$0x3F9E]  }
0x29: {  	s4 =	sld [smem:$0x3FA0]  }
0x2a: {  	p0 =	seq.s32 s5, $0x0;
	s5 =	sld [smem:$0x3FA1]  }
0x2b: {  	s6 =	sld [smem:$0x3FA2]  }
0x2c: {  	s7 =	sld [smem:$0x3FA3]  }
0x2d: {  	s3 =	simm.s32 $0x108;
	s8 =	sld [smem:$0x3FA4]  }
0x2e: {  	s3 =	simm.s32 @!p0 $0x1082;
	s9 =	sld [smem:$0x3FA5]  }
0x2f: {  	lr =	sadd.s32 s0, s3;
	s0 =	sld [smem:$0x3F9C]  }
0x30: {  	s3 =	sld [smem:$0x3F9F]  }
0x31: {  	[smem:$0x3FA8] =	sst s10  }
0x32: {  	s10 =	sld [smem:$0x3FA6];
	_ =	sdelay $0x3  }
0x33: {  	p0 =	seq.s32 s10, $0x1;
	s10 =	sld [smem:$0x3FA8];
	_ =	sdelay $0x3  }
0x34: {  	[smem:$0x3FA8] =	sst s10  }
0x35: {  	s10 =	sld [smem:$0x3FA7];
	_ =	sdelay $0x3  }
0x36: {  	p1 =	seq.s32 s10, $0x1;
	s10 =	sld [smem:$0x3FA8];
	_ =	sdelay $0x3  }
0x37: {  	[smem:$0x3FA8] =	sst s10  }
0x38: {  	s10 =	sld [smem:$0x3FA9]  }
0x39: {  	_ = 	snop;
	(pc) =	sbr.ind lr, $3  }
0x3a: {  	_ = 	snop  }
0x3b: {  	_ = 	snop  }
0x3c: {  	p2 =	seq.s32 s10, $0x1;
	s10 =	sld [smem:$0x3FA8]  }
0x3d: {  	_ =	shalt  }
0x3e: {  	_ =	shalt  }
0x3f: {  	_ =	shalt  }
0x40: {  	_ =	shalt  }
0x41: {  	_ =	shalt  }
0x42: {  	_ =	shalt  }
0x43: {  	_ =	shalt  }
0x44: {  	_ =	shalt  }
0x45: {  	_ =	shalt  }
0x46: {  	_ =	shalt  }
0x47: {  	_ =	shalt  }
0x48: {  	_ =	shalt  }
0x49: {  	_ =	shalt  }
0x4a: {  	_ =	shalt  }
0x4b: {  	_ =	shalt  }
0x4c: {  	_ =	shalt  }
0x4d: {  	_ =	shalt  }
0x4e: {  	_ =	shalt  }
0x4f: {  	_ =	shalt  }
0x50: {  	_ =	shalt  }
0x51: {  	_ =	shalt  }
0x52: {  	_ =	shalt  }
0x53: {  	_ =	shalt  }
0x54: {  	_ =	shalt  }
0x55: {  	_ =	shalt  }
0x56: {  	_ =	shalt  }
0x57: {  	_ =	shalt  }
0x58: {  	_ =	shalt  }
0x59: {  	_ =	shalt  }
0x5a: {  	_ =	shalt  }
0x5b: {  	_ =	shalt  }
0x5c: {  	_ =	shalt  }
0x5d: {  	_ =	shalt  }
0x5e: {  	_ =	shalt  }
0x5f: {  	_ =	shalt  }
0x60: {  	_ =	shalt  }
0x61: {  	_ =	shalt  }
0x62: {  	_ =	shalt  }
0x63: {  	_ =	shalt  }
0x64: {  	_ =	shalt  }
0x65: {  	_ =	shalt  }
0x66: {  	_ =	shalt  }
0x67: {  	_ =	shalt  }
0x68: {  	_ =	shalt  }
0x69: {  	_ =	shalt  }
0x6a: {  	_ =	shalt  }
0x6b: {  	_ =	shalt  }
0x6c: {  	_ =	shalt  }
0x6d: {  	_ =	shalt  }
0x6e: {  	_ =	shalt  }
0x6f: {  	_ =	shalt  }
0x70: {  	_ =	shalt  }
0x71: {  	_ =	shalt  }
0x72: {  	_ =	shalt  }
0x73: {  	_ =	shalt  }
0x74: {  	_ =	shalt  }
0x75: {  	_ =	shalt  }
0x76: {  	_ =	shalt  }
0x77: {  	_ =	shalt  }
0x78: {  	_ =	shalt  }
0x79: {  	_ =	shalt  }
0x7a: {  	_ =	shalt  }
0x7b: {  	_ =	shalt  }
0x7c: {  	_ =	shalt  }
0x7d: {  	_ =	shalt  }
0x7e: {  	_ =	shalt  }
0x7f: {  	_ =	shalt  }
0x80: {  	_ =	shalt  }
0x81: {  	_ =	shalt  }
0x82: {  	_ =	shalt  }
0x83: {  	_ =	shalt  }
0x84: {  	_ =	shalt  }
0x85: {  	_ =	shalt  }
0x86: {  	_ =	shalt  }
0x87: {  	_ =	shalt  }
.Lfunc_end0:
.L_simem_size_0:
called_computation.6_lowered:
.L_overlay_start_0:
0x88: {  	s2 =	sld [smem:$0x3FD9]  }
0x89: {  	s3 =	sld [smem:$0x3FFE];
	_ =	sdelay $0x1  }
0x8a: {  	s1 =	srdreg.scid  }
0x8b: {  	s0 =	sand.u32 $0x1, s1  }
0x8c: {  	s16 =	sshll.u32 s0, $0xA;
	s2 =	sadd.s32 s3, s2  }
0x8d: {  	s2 =	sadd.s32 s2, s16  }
0x8e: {  	[smem:$0x3FB4] =	sst s2  }
0x8f: {  	_ = 	snop  }
0x90: {  	(tm) =	ssettm $0x1  }
0x91: {  	s17 =	sld [smem:$0x3FFB];
	_ =	sdelay $0x3  }
0x92: {  	_ =	strace s17  }
0x93: {  	s2 =	sld [smem:$0x3FFC];
	_ =	sdelay $0x3  }
0x94: {  	_ =	strace s2  }
0x95: {  	s2 =	sld [smem:$0x3FFD];
	_ =	sdelay $0x3  }
0x96: {  	_ =	strace s2  }
0x97: {  	_ =	strace $0x8FFFFFFF  }
0x98: {  	s18 =	sld [smem:$0x3FDB];
	_ =	sdelay $0x1  }
0x99: {  	s19 =	simm.s32 $_scs_section_size  }
0x9a: {  	s4 =	simm.s32 $_size__tile_overlayer_lowered;
	s5 =	simm.s32 $_tile_overlayer_lowered  }
0x9b: {  	s22 =	simm.s32 $0x1BFF;
	s21 =	sshll.u32 s5, $0x1;
	s2 =	sadd.s32 s19, s18  }
0x9c: {  	s6 =	simm.s32 $0x0;
	s20 =	sshll.u32 s4, $0x1;
	s4 =	sadd.s32 s21, s2  }
0x9d: {  	[timem:s6], [sflag:s22] =	dma.local [hbm:s4], s20  }
0x9e: {  	_ =	swait.ge [sflag:s22], s20  }
0x9f: {  	s3 =	ssub.s32 $0x0, s20;
	[sflag:s22] =	ssyncset.done $0x0  }
0xa0: {  	[sflag:s22] =	ssyncadd.s32 s3;
	_ =	sdelay $0x1  }
0xa1: {  	s23 =	simm.s32 $0x1B8B  }
0xa2: {  	_ =	swait.ge [sflag:s23], $0x1  }
0xa3: {  	[sflag:s23] =	ssyncset.done $0x0  }
0xa4: {  	s25 =	simm.s32 $0x1B8E;
	s24 =	sld [smem:$0x3FFE];
	[sflag:s23] =	ssyncadd.s32 $0xFFFFFFFF  }
0xa5: {  	s26 =	simm.s32 $execute0_lowered;
	[smem:$0x3FD2] =	sst s25  }
0xa6: {  	s4 =	sshll.u32 s26, $0x1;
	_ =	strace $0x80000058;
	[dreg:$0x1] =	wrdreg $0xFFFFFFFF  }
0xa7: {  	s28 =	simm.s32 $_size_execute0_lowered;
	s2 =	sadd.s32 s2, s4;
	[dreg:$0x0] =	wrdreg $0x0  }
0xa8: {  	s4 =	sshll.u32 s28, $0x1;
	[dreg:$0x2] =	wrdreg s2  }
0xa9: {  	[dreg:$0x3] =	wrdreg s4  }
0xaa: {  	[dreg:$0x4] =	wrdreg $0xC0  }
0xab: {  	_ =	task [dreg:s6], $0x5FFFF  }
0xac: {  	[dreg:$0x1] =	wrdreg $0xFFFFFFFF  }
0xad: {  	[dreg:$0x0] =	wrdreg $0x60  }
0xae: {  	[dreg:$0x2] =	wrdreg s24  }
0xaf: {  	[dreg:$0x3] =	wrdreg $0x88000  }
0xb0: {  	[dreg:$0x4] =	wrdreg $0x9  }
0xb1: {  	_ =	task.clear_ibuf [dreg:s6], $0x5FFFF;
	_ =	strace $0x90000058  }
0xb2: {  	s29 =	simm.s32 $0x9;
	_ =	strace $0x8000005A  }
0xb3: {  	_ =	swait.ge [sflag:s29], $0x1  }
0xb4: {  	[sflag:s29] =	ssyncadd.s32 $0xFFFFFFFF  }
0xb5: {  	_ =	strace $0x9000005A  }
0xb6: {  	_ =	sfence  }
0xb7: {  	s30 =	sld [smem:$0x0];
	_ =	sdelay $0x2  }
0xb8: {  	s31 =	sshll.u32 s1, $0xD;
	s1 =	sshrl.u32 s1, $0x2  }
0xb9: {  	s3 =	sand.u32 $0x4000, s31;
	s1 =	sadd.s32 s1, s30  }
0xba: {  	s0 =	sor.u32 s3, s0;
	s1 =	sshll.u32 s1, $0x11  }
0xbb: {  	s0 =	sor.u32 s1, s0  }
0xbc: {  	s0 =	sadd.s32 $0x8F2B, s0  }
0xbd: {  	[sflag:s0] =	ssyncadd.remote.s32 $0x1  }
0xbe: {  	_ =	sfence.sel $0xFFFF  }
0xbf: {  	[dreg:$0x0] =	wrdreg $0xFFFFFFFF;
	(pc) =	sbr.abs _section_cstart, $3  }
0xc0: {  	[dreg:$0x1] =	wrdreg $0xFFFFFFFF  }
0xc1: {  	_ =	task.clear_ibuf [dreg:s6], $0x2FFFF;
	_ =	strace $0x9FFFFFFF  }
0xc2: {  	(tm) =	ssettm $0x7FFFFFFF  }
0xc3: {  	_ =	shalt  }
tec
execute0_lowered:
.L_overlay_start_1:
0x0: {  	(tag) =	ssettag $0x1  }
0x1: {  	s1 =	srdreg.scid;
	s4 =	rddreg [dreg:$0x0]  }
0x2: {  	s0 =	stileid.u32;
	s2 =	rddreg [dreg:$0x1];
	s3 =	simm.s32 $0x0  }
0x3: {  	s12 =	simm.s32 $0x3;
	s13 =	simm.s32 $0x400;
	s14 =	simm.s32 $0x4800  }
0x4: {  	s15 =	simm.s32 $0x1;
	s16 =	simm.s32 $0x0;
	s6 =	smul.u32 $0x25800, s0  }
0x5: {  	s5 =	sand.u32 $0x1, s1;
	s1 =	rddreg [dreg:$0x2];
	s26 =	smul.u32 $0x19000, s0  }
0x6: {  	[smem:$0x7FF] =	sst s3;
	s9 =	smul.u32 $0x4B000, s0;
	s30 =	sshll.u32 s0, $0x6  }
0x7: {  	s7 =	smul.u32 $0x12C00, s5;
	_ =	strace $0x80000059;
	s10 =	ssub.s32 $0x2, s5  }
0x8: {  	s5 =	smul.u32 $0x25800, s5;
	s28 =	sshrl.u32 s26, $0x4;
	s11 =	sshrl.u32 s10, $0x1  }
0x9: {  	s9 =	sadd.s32 s9, s4;
	s6 =	sadd.s32 s7, s6;
	s7 =	sshrl.u32 s26, $0x1  }
.Ltmp0:
0xa: {  	s10 =	ssub.s32 s10, s11;
	s31 =	sadd.s32 s5, s9;
	(pc) =	sbr.rel .LBB2_1-.Ltmp0, $4  }
0xb: {  	s5 =	sor.u32 $0x1C04, s30;
	s11 =	simm.s32 $0x2;
	s6 =	sshrl.u32 s6, $0x3  }
0xc: {  	s29 =	sadd.s32 s7, s2;
	s8 =	sadd.s32 s6, s4;
	s6 =	sadd.s32 s28, s4  }
0xd: {  	s7 =	sadd.s32 $0x482A00, s31;
	s9 =	sshrl.u32 s29, $0x3;
	s4 =	sadd.s32 $0x2D9A00, s6  }
0xe: {  	s6 =	smax.u32 s10, $0x1;
	s8 =	sadd.s32 $0x28EA00, s8;
	s10 =	simm.s32 $0x4  }
.LBB2_5:
0xf: {  	s16 =	sadd.s32 $0x1, s16  }
0x10: {  	_ =	swait.ge [sflag:s11], $0x4000;
	p0 =	sne.s32 s16, s6  }
.Ltmp1:
0x11: {  	[sflag:s11] =	ssyncset.done $0x0;
	(pc) =	sbr.rel @!p0 .LBB2_6-.Ltmp1, $4  }
0x12: {  	[sflag:s11] =	ssyncadd.s32 $0xFFFFC000  }
0x13: {  	_ =	swait.ge [sflag:s12], $0x4000  }
0x14: {  	[sflag:s12] =	ssyncset.done $0x0  }
0x15: {  	[sflag:s12] =	ssyncadd.s32 $0xFFFFC000  }
.LBB2_1:
0x16: {  	[spmem:s9], [sflag:s5] =	dma.local [hbm:s4], $0x1900  }
.Ltmp2:
0x17: {  	_ =	swait.ge [sflag:s10], $0x1900;
	(pc) =	sbr.rel .LBB2_2-.Ltmp2, $4  }
0x18: {  	[sflag:s10] =	ssyncset.done $0x0  }
0x19: {  	[sflag:s10] =	ssyncadd.s32 $0xFFFFE700  }
0x1a: {  	[bflag:$0x0] =	sbarrier.arrive $0xFFFF  }
0x1b: {  	s17 =	smov.u32 s8;
	s18 =	smov.u32 s7;
	s19 =	simm.s32 $0x0  }
.LBB2_4:
0x1c: {  	s19 =	sadd.s32 $0x1, s19  }
0x1d: {  	p0 =	sne.s32 s19, $0x4B  }
.Ltmp3:
0x1e: {  	_ = 	snop;
	(pc) =	sbr.rel @!p0 .LBB2_5-.Ltmp3, $2  }
0x1f: {  	_ =	sdelay $0x2  }
0x20: {  	s18 =	sadd.s32 $0x800, s18;
	s17 =	sadd.s32 $0x80, s17  }
.LBB2_2:
0x21: {  	s20 =	sand.u32 $0x1, s19  }
0x22: {  	p0 =	seq.s32 s20, $0x1  }
0x23: {  	p1 =	slt.u32 @!p0 s19, $0x2  }
0x24: {  	p1 =	por p1, p0  }
0x25: {  	s21 =	simm.s32 @!p1 $0x2  }
0x26: {  	_ =	swait.ge @!p1 [sflag:s21], $0x4000  }
0x27: {  	[sflag:s21] =	ssyncset.done @!p1 $0x0  }
0x28: {  	s22 =	simm.s32 @!p0 $0x4;
	[sflag:s21] =	ssyncadd.s32 @!p1 $0xFFFFC000;
	s21 =	simm.s32 @!p0 $0x0  }
0x29: {  	[tilespmem:s21], [sflag:$0x4] =	stream.linear.gather @!p0 [hbm4b:s17+s21], $0x400, $0x38;
	[tilespmem:$0x15000] =	vst v63  }
0x2a: {  	_ =	swait.ge @!p0 [sflag:s22], $0x400  }
0x2b: {  	[sflag:s22] =	ssyncset.done @!p0 $0x0  }
0x2c: {  	s23 =	simm.s32 @!p0 $0x800;
	[sflag:s22] =	ssyncadd.s32 @!p0 $0xFFFFFC00;
	s22 =	simm.s32 @!p0 $0x400  }
0x2d: {  	[tilespmem:s23], [sflag:$0x1] =	stream.indirect.gather @!p0 [spmem:s2], $0x10, s21, s22, $0xb8;
	[tilespmem:$0x15000] =	vst v63  }
0x2e: {  	s22 =	simm.s32 @!p0 $0x1  }
0x2f: {  	_ =	swait.ge @!p0 [sflag:s22], $0x4000  }
0x30: {  	[sflag:s22] =	ssyncset.done @!p0 $0x0  }
0x31: {  	p1 =	seq.s32 @!p0 s20, $0x0;
	[sflag:s22] =	ssyncadd.s32 @!p0 $0xFFFFC000  }
0x32: {  	[hbm4b:s18+s21] =	stream.linear.scatter @!p0 [tilespmem:s23], [sflag:$0x2], $0x4000, $0x38;
	[tilespmem:$0x15000] =	vst v63  }
0x33: {  	p0 =	por p0, !p1  }
.Ltmp4:
0x34: {  	_ = 	snop;
	(pc) =	sbr.rel @!p0 .LBB2_4-.Ltmp4, $1  }
0x35: {  	_ =	sdelay $0x3  }
0x36: {  	p0 =	slt.u32 s19, $0x2  }
0x37: {  	s20 =	simm.s32 @!p0 $0x3  }
0x38: {  	_ =	swait.ge @!p0 [sflag:s20], $0x4000  }
0x39: {  	[sflag:s20] =	ssyncset.done @!p0 $0x0  }
0x3a: {  	[sflag:s20] =	ssyncadd.s32 @!p0 $0xFFFFC000  }
0x3b: {  	[tilespmem:s13], [sflag:$0x4] =	stream.linear.gather [hbm4b:s17+s3], $0x400, $0x38;
	[tilespmem:$0x15000] =	vst v63  }
0x3c: {  	_ =	swait.ge [sflag:s10], $0x400  }
0x3d: {  	[sflag:s10] =	ssyncset.done $0x0  }
0x3e: {  	[sflag:s10] =	ssyncadd.s32 $0xFFFFFC00  }
0x3f: {  	[tilespmem:s14], [sflag:$0x1] =	stream.indirect.gather [spmem:s2], $0x10, s13, s13, $0xb8;
	[tilespmem:$0x15000] =	vst v63  }
.Ltmp5:
0x40: {  	_ = 	snop;
	(pc) =	sbr.rel .LBB2_4-.Ltmp5, $4  }
0x41: {  	_ =	swait.ge [sflag:s15], $0x4000  }
0x42: {  	[sflag:s15] =	ssyncset.done $0x0  }
0x43: {  	[sflag:s15] =	ssyncadd.s32 $0xFFFFC000  }
0x44: {  	[hbm4b:s18+s3] =	stream.linear.scatter [tilespmem:s14], [sflag:$0x3], $0x4000, $0x38;
	[tilespmem:$0x15000] =	vst v63  }
.LBB2_6:
0x45: {  	_ =	sfence.sel $0x180000  }
0x46: {  	[bflag:$0x0] =	sbarrier.arrive $0xFFFF  }
0x47: {  	p0 =	sne.s32 s0, $0x0;
	_ =	strace $0x90000059  }
0x48: {  	s0 =	sadd.s32 @!p0 $0x100000, s1;
	[bflag:$0x2] =	sbarrier.arrive $0xFFFF  }
0x49: {  	[sflag:s0] =	ssyncadd.tile.s32 @!p0 $0x1;
	_ =	shalt  }
.Lfunc_end2:
_tile_overlayer_lowered:
.L_overlay_start_2:
0x4a: {  	(tag) =	ssettag $0x2  }
0x4b: {  	s0 =	rddreg [dreg:$0x0];
	s2 =	stileid.u32  }
0x4c: {  	s1 =	rddreg [dreg:$0x1];
	p0 =	sne.s32 s2, $0x0  }
0x4d: {  	s3 =	rddreg [dreg:$0x2];
	[bflag:$0x3] =	sbarrier.arrive $0xFFFF;
	s2 =	simm.s32 @!p0 $0x1C04  }
0x4e: {  	[timem:s3], [sflag:s2] =	dma.local @!p0 [hbm:s0], s1  }
0x4f: {  	s0 =	simm.s32 @!p0 $0x4  }
0x50: {  	_ =	swait.ge @!p0 [sflag:s0], s1  }
0x51: {  	s1 =	ssub.s32 @!p0 $0x0, s1;
	[sflag:s0] =	ssyncset.done @!p0 $0x0  }
0x52: {  	[sflag:s0] =	ssyncadd.s32 @!p0 s1  }
0x53: {  	[bflag:$0x3] =	sbarrier.arrive $0xFFFF  }
0x54: {  	_ =	shalt  }

// kernel: gather_offload_async_start.1
scs
__scs_entry_jumppad:
0x0: {  	(pc) =	sbr.rel $0x88, $3  }
0x1: {  	(tag) =	ssettag $0x0;
	lr =	simm.s32 $0x1  }
0x2: {  	[smem:$0x3F8D] =	sst lr;
	_ =	strace $0xD0000000  }
0x3: {  	_ = 	snop  }
0x4: {  	_ = 	snop  }
0x5: {  	_ = 	snop  }
0x6: {  	_ = 	snop  }
0x7: {  	_ = 	snop  }
__scs_overlays_trampoline_lowered:
0x8: {  	[smem:$0x3F9C] =	sst s0  }
0x9: {  	[smem:$0x3F9D] =	sst s1  }
0xa: {  	[smem:$0x3F9E] =	sst s2  }
0xb: {  	[smem:$0x3F9F] =	sst s3  }
0xc: {  	[smem:$0x3FA0] =	sst s4  }
0xd: {  	[smem:$0x3FA1] =	sst s5  }
0xe: {  	[smem:$0x3FA2] =	sst s6  }
0xf: {  	[smem:$0x3FA3] =	sst s7  }
0x10: {  	[smem:$0x3FA4] =	sst s8  }
0x11: {  	[smem:$0x3FA5] =	sst s9;
	s0 =	simm.s32 @!p0 $0x0  }
0x12: {  	s1 =	sld [smem:$0x3F8B];
	s0 =	simm.s32 @p0 $0x1  }
0x13: {  	[smem:$0x3FA6] =	sst s0;
	s0 =	simm.s32 @!p1 $0x0  }
0x14: {  	s2 =	sld [smem:$0x3F8A];
	s0 =	simm.s32 @p1 $0x1  }
0x15: {  	[smem:$0x3FA7] =	sst s0;
	s0 =	simm.s32 @!p2 $0x0  }
0x16: {  	s3 =	sld [smem:$0x3FDB];
	s0 =	simm.s32 @p2 $0x1  }
0x17: {  	s4 =	simm.s32 $0x1BF5;
	[smem:$0x3FA9] =	sst s0  }
0x18: {  	s0 =	sld [smem:$0x3F8C];
	_ =	swait.ge [sflag:s4], $0x0  }
0x19: {  	s7 =	sld [smem:$0x3F8D]  }
0x1a: {  	s8 =	sadd.s32 $0xFFFFE003, lr  }
0x1b: {  	s9 =	sadd.s32 $0xFFFFFEF7, lr;
	s5 =	simm.s32 $0xFFFFFFFF;
	p2 =	slt.u32 s8, $0xFFFFF086  }
0x1c: {  	p1 =	slt.u32 s9, $0xF7A;
	s5 =	simm.s32 @!p2 $0x0  }
0x1d: {  	s5 =	simm.s32 @p1 $0x1;
	p0 =	seq.s32 s7, s2  }
0x1e: {  	s7 =	smul.u32 @!p0 $0xF7A, s2;
	p2 =	seq.s32 @!p0 s5, $0x0  }
0x1f: {  	s9 =	smul.u32 $0xF7A, s1;
	s8 =	simm.s32 @!p0 $0x1BF5;
	p2 =	por !p2, p0  }
0x20: {  	[sflag:s8] =	ssyncset.s32 @!p0 $0xFFFFF086;
	s6 =	sadd.s32 @!p0 s3, s7;
	s7 =	simm.s32 @!p0 $0x108  }
0x21: {  	s3 =	sadd.s32 s3, s9;
	s6 =	sadd.s32 @!p0 $0x88, s6;
	s7 =	simm.s32 @p2 $0x1082  }
0x22: {  	[simem:s7], [sflag:s8] =	dma.local @!p0 [hbm:s6], $0xF7A  }
0x23: {  	s9 =	sor.u32 $0xD0000000, s2;
	s6 =	simm.s32 $0x108;
	_ =	swait.ge @!p0 [sflag:s8], $0x0  }
0x24: {  	s3 =	sadd.s32 $0x88, s3;
	s6 =	simm.s32 @!p1 $0x1082;
	[sflag:s4] =	ssyncset.s32 $0xFFFFF086  }
0x25: {  	[simem:s6], [sflag:s4] =	dma.local [hbm:s3], $0xF7A  }
0x26: {  	[smem:$0x3F8D] =	sst s1;
	(tag) =	ssettag s2;
	_ =	strace s9  }
0x27: {  	s1 =	sld [smem:$0x3F9D]  }
0x28: {  	s2 =	sld [smem:$0x3F9E]  }
0x29: {  	s4 =	sld [smem:$0x3FA0]  }
0x2a: {  	p0 =	seq.s32 s5, $0x0;
	s5 =	sld [smem:$0x3FA1]  }
0x2b: {  	s6 =	sld [smem:$0x3FA2]  }
0x2c: {  	s7 =	sld [smem:$0x3FA3]  }
0x2d: {  	s3 =	simm.s32 $0x108;
	s8 =	sld [smem:$0x3FA4]  }
0x2e: {  	s3 =	simm.s32 @!p0 $0x1082;
	s9 =	sld [smem:$0x3FA5]  }
0x2f: {  	lr =	sadd.s32 s0, s3;
	s0 =	sld [smem:$0x3F9C]  }
0x30: {  	s3 =	sld [smem:$0x3F9F]  }
0x31: {  	[smem:$0x3FA8] =	sst s10  }
0x32: {  	s10 =	sld [smem:$0x3FA6];
	_ =	sdelay $0x3  }
0x33: {  	p0 =	seq.s32 s10, $0x1;
	s10 =	sld [smem:$0x3FA8];
	_ =	sdelay $0x3  }
0x34: {  	[smem:$0x3FA8] =	sst s10  }
0x35: {  	s10 =	sld [smem:$0x3FA7];
	_ =	sdelay $0x3  }
0x36: {  	p1 =	seq.s32 s10, $0x1;
	s10 =	sld [smem:$0x3FA8];
	_ =	sdelay $0x3  }
0x37: {  	[smem:$0x3FA8] =	sst s10  }
0x38: {  	s10 =	sld [smem:$0x3FA9]  }
0x39: {  	_ = 	snop;
	(pc) =	sbr.ind lr, $3  }
0x3a: {  	_ = 	snop  }
0x3b: {  	_ = 	snop  }
0x3c: {  	p2 =	seq.s32 s10, $0x1;
	s10 =	sld [smem:$0x3FA8]  }
0x3d: {  	_ =	shalt  }
0x3e: {  	_ =	shalt  }
0x3f: {  	_ =	shalt  }
0x40: {  	_ =	shalt  }
0x41: {  	_ =	shalt  }
0x42: {  	_ =	shalt  }
0x43: {  	_ =	shalt  }
0x44: {  	_ =	shalt  }
0x45: {  	_ =	shalt  }
0x46: {  	_ =	shalt  }
0x47: {  	_ =	shalt  }
0x48: {  	_ =	shalt  }
0x49: {  	_ =	shalt  }
0x4a: {  	_ =	shalt  }
0x4b: {  	_ =	shalt  }
0x4c: {  	_ =	shalt  }
0x4d: {  	_ =	shalt  }
0x4e: {  	_ =	shalt  }
0x4f: {  	_ =	shalt  }
0x50: {  	_ =	shalt  }
0x51: {  	_ =	shalt  }
0x52: {  	_ =	shalt  }
0x53: {  	_ =	shalt  }
0x54: {  	_ =	shalt  }
0x55: {  	_ =	shalt  }
0x56: {  	_ =	shalt  }
0x57: {  	_ =	shalt  }
0x58: {  	_ =	shalt  }
0x59: {  	_ =	shalt  }
0x5a: {  	_ =	shalt  }
0x5b: {  	_ =	shalt  }
0x5c: {  	_ =	shalt  }
0x5d: {  	_ =	shalt  }
0x5e: {  	_ =	shalt  }
0x5f: {  	_ =	shalt  }
0x60: {  	_ =	shalt  }
0x61: {  	_ =	shalt  }
0x62: {  	_ =	shalt  }
0x63: {  	_ =	shalt  }
0x64: {  	_ =	shalt  }
0x65: {  	_ =	shalt  }
0x66: {  	_ =	shalt  }
0x67: {  	_ =	shalt  }
0x68: {  	_ =	shalt  }
0x69: {  	_ =	shalt  }
0x6a: {  	_ =	shalt  }
0x6b: {  	_ =	shalt  }
0x6c: {  	_ =	shalt  }
0x6d: {  	_ =	shalt  }
0x6e: {  	_ =	shalt  }
0x6f: {  	_ =	shalt  }
0x70: {  	_ =	shalt  }
0x71: {  	_ =	shalt  }
0x72: {  	_ =	shalt  }
0x73: {  	_ =	shalt  }
0x74: {  	_ =	shalt  }
0x75: {  	_ =	shalt  }
0x76: {  	_ =	shalt  }
0x77: {  	_ =	shalt  }
0x78: {  	_ =	shalt  }
0x79: {  	_ =	shalt  }
0x7a: {  	_ =	shalt  }
0x7b: {  	_ =	shalt  }
0x7c: {  	_ =	shalt  }
0x7d: {  	_ =	shalt  }
0x7e: {  	_ =	shalt  }
0x7f: {  	_ =	shalt  }
0x80: {  	_ =	shalt  }
0x81: {  	_ =	shalt  }
0x82: {  	_ =	shalt  }
0x83: {  	_ =	shalt  }
0x84: {  	_ =	shalt  }
0x85: {  	_ =	shalt  }
0x86: {  	_ =	shalt  }
0x87: {  	_ =	shalt  }
.Lfunc_end0:
.L_simem_size_0:
called_computation.4_lowered:
.L_overlay_start_0:
0x88: {  	s2 =	sld [smem:$0x3FD9]  }
0x89: {  	s3 =	sld [smem:$0x3FFE];
	_ =	sdelay $0x1  }
0x8a: {  	s1 =	srdreg.scid  }
0x8b: {  	s0 =	sand.u32 $0x1, s1  }
0x8c: {  	s16 =	sshll.u32 s0, $0xA;
	s2 =	sadd.s32 s3, s2  }
0x8d: {  	s2 =	sadd.s32 s2, s16  }
0x8e: {  	[smem:$0x3FB4] =	sst s2  }
0x8f: {  	_ = 	snop  }
0x90: {  	(tm) =	ssettm $0x1  }
0x91: {  	s17 =	sld [smem:$0x3FFB];
	_ =	sdelay $0x3  }
0x92: {  	_ =	strace s17  }
0x93: {  	s2 =	sld [smem:$0x3FFC];
	_ =	sdelay $0x3  }
0x94: {  	_ =	strace s2  }
0x95: {  	s2 =	sld [smem:$0x3FFD];
	_ =	sdelay $0x3  }
0x96: {  	_ =	strace s2  }
0x97: {  	_ =	strace $0x8FFFFFFF  }
0x98: {  	s18 =	sld [smem:$0x3FDB];
	_ =	sdelay $0x1  }
0x99: {  	s19 =	simm.s32 $_scs_section_size  }
0x9a: {  	s4 =	simm.s32 $_size__tile_overlayer_lowered;
	s5 =	simm.s32 $_tile_overlayer_lowered  }
0x9b: {  	s22 =	simm.s32 $0x1BFF;
	s21 =	sshll.u32 s5, $0x1;
	s2 =	sadd.s32 s19, s18  }
0x9c: {  	s6 =	simm.s32 $0x0;
	s20 =	sshll.u32 s4, $0x1;
	s4 =	sadd.s32 s21, s2  }
0x9d: {  	[timem:s6], [sflag:s22] =	dma.local [hbm:s4], s20  }
0x9e: {  	_ =	swait.ge [sflag:s22], s20  }
0x9f: {  	s3 =	ssub.s32 $0x0, s20;
	[sflag:s22] =	ssyncset.done $0x0  }
0xa0: {  	[sflag:s22] =	ssyncadd.s32 s3;
	_ =	sdelay $0x1  }
0xa1: {  	s23 =	simm.s32 $0x1B8B  }
0xa2: {  	_ =	swait.ge [sflag:s23], $0x1  }
0xa3: {  	[sflag:s23] =	ssyncset.done $0x0  }
0xa4: {  	s25 =	simm.s32 $0x1B8E;
	s24 =	sld [smem:$0x3FFE];
	[sflag:s23] =	ssyncadd.s32 $0xFFFFFFFF  }
0xa5: {  	s26 =	simm.s32 $execute0_lowered;
	[smem:$0x3FD2] =	sst s25  }
0xa6: {  	s4 =	sshll.u32 s26, $0x1;
	_ =	strace $0x8000004C;
	[dreg:$0x1] =	wrdreg $0xFFFFFFFF  }
0xa7: {  	s28 =	simm.s32 $_size_execute0_lowered;
	s2 =	sadd.s32 s2, s4;
	[dreg:$0x0] =	wrdreg $0x0  }
0xa8: {  	s4 =	sshll.u32 s28, $0x1;
	[dreg:$0x2] =	wrdreg s2  }
0xa9: {  	[dreg:$0x3] =	wrdreg s4  }
0xaa: {  	[dreg:$0x4] =	wrdreg $0xC0  }
0xab: {  	_ =	task [dreg:s6], $0x5FFFF  }
0xac: {  	[dreg:$0x1] =	wrdreg $0xFFFFFFFF  }
0xad: {  	[dreg:$0x0] =	wrdreg $0x60  }
0xae: {  	[dreg:$0x2] =	wrdreg s24  }
0xaf: {  	[dreg:$0x3] =	wrdreg $0x9  }
0xb0: {  	_ =	task.clear_ibuf [dreg:s6], $0x4FFFF;
	_ =	strace $0x9000004C  }
0xb1: {  	s29 =	simm.s32 $0x9;
	_ =	strace $0x8000004E  }
0xb2: {  	_ =	swait.ge [sflag:s29], $0x1  }
0xb3: {  	[sflag:s29] =	ssyncadd.s32 $0xFFFFFFFF  }
0xb4: {  	_ =	strace $0x9000004E  }
0xb5: {  	_ =	sfence  }
0xb6: {  	s30 =	sld [smem:$0x0];
	_ =	sdelay $0x2  }
0xb7: {  	s31 =	sshll.u32 s1, $0xD;
	s1 =	sshrl.u32 s1, $0x2  }
0xb8: {  	s3 =	sand.u32 $0x4000, s31;
	s1 =	sadd.s32 s1, s30  }
0xb9: {  	s0 =	sor.u32 s3, s0;
	s1 =	sshll.u32 s1, $0x11  }
0xba: {  	s0 =	sor.u32 s1, s0  }
0xbb: {  	s0 =	sadd.s32 $0x8F2B, s0  }
0xbc: {  	[sflag:s0] =	ssyncadd.remote.s32 $0x1  }
0xbd: {  	_ =	sfence.sel $0xFFFF  }
0xbe: {  	[dreg:$0x0] =	wrdreg $0xFFFFFFFF;
	(pc) =	sbr.abs _section_cstart, $3  }
0xbf: {  	[dreg:$0x1] =	wrdreg $0xFFFFFFFF  }
0xc0: {  	_ =	task.clear_ibuf [dreg:s6], $0x2FFFF;
	_ =	strace $0x9FFFFFFF  }
0xc1: {  	(tm) =	ssettm $0x7FFFFFFF  }
tec
execute0_lowered:
.L_overlay_start_1:
0x0: {  	(tag) =	ssettag $0x1  }
0x1: {  	s8 =	rddreg [dreg:$0x0];
	s1 =	stileid.u32  }
0x2: {  	s2 =	srdreg.scid;
	s0 =	rddreg [dreg:$0x1]  }
0x3: {  	_ =	strace $0x8000004D;
	s5 =	simm.s32 $0x1;
	s9 =	simm.s32 $0x1  }
0x4: {  	s10 =	simm.s32 $0x3;
	s2 =	sand.u32 $0x1, s2;
	s3 =	sshll.u32 s1, $0x1  }
0x5: {  	s13 =	simm.s32 $0x0;
	s12 =	simm.s32 $0x0;
	s6 =	sor.u32 s3, s2  }
0x6: {  	[sflag:s5] =	ssyncpa.u1 $0x0;
	s2 =	sadd.s32 $0x1C600, s8;
	s4 =	smul.u32 $0x4E20, s6  }
0x7: {  	s3 =	sadd.s32 $0x4D800, s8;
	p0 =	slt.u32 s6, $0x9;
	s6 =	simm.s32 $0x9C400  }
.Ltmp0:
0x8: {  	s6 =	simm.s32 @!p0 $0x0;
	s7 =	ssub.s32 $0xC3500, s4;
	(pc) =	sbr.rel .LBB2_1-.Ltmp0, $4  }
0x9: {  	s9 =	simm.s32 @!p0 $0x0;
	p0 =	sne.s32 s7, s6;
	s7 =	simm.s32 $0x1  }
0xa: {  	s8 =	sadd.s32 $0x34E00, s8;
	s6 =	simm.s32 $0x2;
	s7 =	simm.s32 @!p0 $0x0  }
0xb: {  	s11 =	smov.u32 s4;
	[sflag:s6] =	ssyncpa.u1 $0x0;
	s7 =	sadd.s32 s9, s7  }
0xc: {  	vm0 =	vmmov $0xffff;
	[sflag:s10] =	ssyncpa.u1 $0x0;
	s10 =	simm.s32 $0x0;
	s9 =	sadd.s32 $0x1, s7  }
.LBB2_4:
0xd: {  	v2 =	vnsel vm1, $0x0, v2  }
0xe: {  	vm1 =	vgt.s32 v0, $0x0;
	v2 =	vmin.u32 v2, $0xC34FF  }
0xf: {  	v0 =	vnsel vm1, $0x0, v0  }
0x10: {  	v0 =	vmin.u32 v0, $0xC34FF  }
0x11: {  	[tilespmem:s18], [sflag:$0x1] =	stream.indirect_vreg.gather [hbm4b:s2+s10], $0x1, v1, vm0, $0x4038;
	[tilespmem:$0x13880] =	vst v63  }
0x12: {  	(ifvalue) =	ssetifvalue $0x7FFFFFFF  }
0x13: {  	[tilespmem:s15], [sflag:$0x1] =	stream.indirect_vreg.gather [hbm4b:s2+s10], $0x1, v2, vm0, $0x4038;
	[tilespmem:$0x13880] =	vst v63  }
0x14: {  	s29 =	sadd.s32 $0x10, s15;
	(ifvalue) =	ssetifvalue $0x7FFFFFFF  }
0x15: {  	[tilespmem:s29], [sflag:$0x1] =	stream.indirect_vreg.gather [hbm4b:s2+s10], $0x1, v0, vm0, $0x4038;
	[tilespmem:$0x13880] =	vst v63  }
0x16: {  	_ =	swait.ge [sflag:s5], $0x4E20  }
0x17: {  	s30 =	sshrl.u32 s13, $0x3;
	[sflag:s5] =	ssyncset.done $0x0  }
0x18: {  	s31 =	sand.u32 $0x7, s13;
	s15 =	sadd.s32 s8, s30;
	[sflag:s5] =	ssyncadd.s32 $0xFFFFB1E0  }
0x19: {  	[hbm4b:s15+s31] =	stream.linear.scatter [tilespmem:s14], [sflag:$0x3], $0x4E20, $0x38;
	[tilespmem:$0x13880] =	vst v63  }
.LBB2_5:
0x1a: {  	s15 =	sadd.s32 $0x9C400, s11  }
0x1b: {  	p1 =	sgt.s32 s15, $0xC34FF  }
0x1c: {  	s15 =	smov.u32 @p1 s4;
	p1 =	sne.s32 s12, s9  }
.Ltmp1:
0x1d: {  	p0 =	slt.u32 s12, $0x2;
	(pc) =	sbr.rel @!p1 .LBB2_6-.Ltmp1, $4  }
0x1e: {  	s14 =	simm.s32 @!p0 $0x3  }
0x1f: {  	_ =	swait.ge @!p0 [sflag:s14], $0x4E20  }
0x20: {  	s16 =	sadd.s32 $0x1, s12;
	s13 =	smov.u32 s11;
	[sflag:s14] =	ssyncset.done @!p0 $0x0  }
0x21: {  	s12 =	smov.u32 s16;
	s11 =	smov.u32 s15;
	[sflag:s14] =	ssyncadd.s32 @!p0 $0xFFFFB1E0  }
.LBB2_1:
0x22: {  	p0 =	sge.u32 s12, s7  }
0x23: {  	s14 =	sxor.u32 @!p0 $0x1, s12  }
0x24: {  	s14 =	smul.u32 @!p0 $0x13880, s14  }
0x25: {  	s31 =	sadd.s32 $0xFFFFFFFF, s12;
	s15 =	sshrl.u32 @!p0 s11, $0x3  }
0x26: {  	s16 =	sand.u32 @!p0 $0x7, s11;
	s15 =	sadd.s32 @!p0 s3, s15;
	s14 =	sshra.s32 @!p0 s14, $0x2  }
0x27: {  	[tilespmem:s14], [sflag:$0x2] =	stream.linear.gather @!p0 [hbm4b:s15+s16], $0x4E20, $0x38;
	[tilespmem:$0x13880] =	vst v63  }
0x28: {  	p0 =	sge.u32 s31, s7  }
.Ltmp2:
0x29: {  	_ = 	snop;
	(pc) =	sbr.rel @p0 .LBB2_5-.Ltmp2, $1  }
0x2a: {  	_ =	sdelay $0x3  }
0x2b: {  	s14 =	sand.u32 $0x1, s12  }
0x2c: {  	_ =	swait.ge [sflag:s6], $0x4E20;
	p0 =	seq.s32 s14, $0x1;
	s14 =	simm.s32 $0x4E20  }
0x2d: {  	[sflag:s6] =	ssyncset.done $0x0;
	s14 =	simm.s32 @!p0 $0x0  }
0x2e: {  	[sflag:s6] =	ssyncadd.s32 $0xFFFFB1E0;
	(ifvalue) =	ssetifvalue $0x7FFFFFFF;
	v0 =	vld.msk [tilespmem:s14+$0x0 ss:$0x1], $0xffff;
	_ =	sdelay $0x4  }
0x2f: {  	s15 =	sadd.s32 $0x10, s14;
	vm1 =	vgt.s32 v0, $0x0  }
0x30: {  	v2 =	vld.msk [tilespmem:s15+$0x0 ss:$0x1], $0xffff;
	v1 =	vnsel vm1, $0x0, v0  }
0x31: {  	v1 =	vmin.u32 v1, $0xC34FF;
	_ =	sdelay $0x2  }
0x32: {  	s17 =	simm.s32 $0x20;
	s14 =	sadd.s32 $0x9C40, s14;
	s16 =	sadd.s32 $0x10, s15  }
0x33: {  	s15 =	sadd.s32 $0x10, s14;
	s18 =	smov.u32 s14;
	v0 =	vld.msk [tilespmem:s16+$0x0 ss:$0x1], $0xffff;
	vm1 =	vgt.s32 v2, $0x0;
	(ifvalue) =	ssetifvalue $0x7FFFFFFF  }
.LBB2_3:
0x34: {  	[tilespmem:s18], [sflag:$0x1] =	stream.indirect_vreg.gather [hbm4b:s2+s10], $0x1, v1, vm0, $0x4038;
	[tilespmem:$0x13880] =	vst v63  }
0x35: {  	s17 =	sadd.s32 $0x10, s17  }
0x36: {  	v2 =	vnsel vm1, $0x0, v2;
	p0 =	slt.u32 s17, $0x4E10  }
.Ltmp3:
0x37: {  	s18 =	smov.u32 s15;
	v1 =	vmin.u32 v2, $0xC34FF;
	(pc) =	sbr.rel @p0 .LBB2_3-.Ltmp3, $3  }
0x38: {  	_ =	sdelay $0x1  }
0x39: {  	s16 =	sadd.s32 $0x10, s16  }
0x3a: {  	vm1 =	vgt.s32 v0, $0x0;
	s15 =	sadd.s32 $0x10, s15;
	v2 =	vmov v0;
	(ifvalue) =	ssetifvalue $0x7FFFFFFF;
	v0 =	vld.msk [tilespmem:s16+$0x0 ss:$0x1], $0xffff  }
.Ltmp4:
0x3b: {  	_ = 	snop;
	(pc) =	sbr.rel .LBB2_4-.Ltmp4, $1  }
0x3c: {  	_ =	sdelay $0x3  }
.LBB2_6:
0x3d: {  	_ =	sfence.sel $0x180000  }
0x3e: {  	s2 =	simm.s32 $0x2;
	[bflag:$0x0] =	sbarrier.arrive $0xFFFF  }
0x3f: {  	s30 =	simm.s32 $0x3;
	[sflag:s2] =	ssyncpa.u1 $0x1  }
0x40: {  	s31 =	simm.s32 $0x1;
	[sflag:s30] =	ssyncpa.u1 $0x1  }
0x41: {  	[sflag:s31] =	ssyncpa.u1 $0x1  }
0x42: {  	p0 =	sne.s32 s1, $0x0;
	_ =	strace $0x9000004D  }
0x43: {  	s0 =	sadd.s32 @!p0 $0x100000, s0;
	[bflag:$0x2] =	sbarrier.arrive $0xFFFF  }
0x44: {  	[sflag:s0] =	ssyncadd.tile.s32 @!p0 $0x1;
	_ =	shalt  }
.Lfunc_end2:
_tile_overlayer_lowered:
.L_overlay_start_2:
0x45: {  	(tag) =	ssettag $0x2  }
0x46: {  	s0 =	rddreg [dreg:$0x0];
	s2 =	stileid.u32  }
0x47: {  	s1 =	rddreg [dreg:$0x1];
	p0 =	sne.s32 s2, $0x0  }
0x48: {  	s3 =	rddreg [dreg:$0x2];
	[bflag:$0x3] =	sbarrier.arrive $0xFFFF;
	s2 =	simm.s32 @!p0 $0x1C01  }
0x49: {  	[timem:s3], [sflag:s2] =	dma.local @!p0 [hbm:s0], s1  }
0x4a: {  	s0 =	simm.s32 @!p0 $0x1  }
0x4b: {  	_ =	swait.ge @!p0 [sflag:s0], s1  }
0x4c: {  	s1 =	ssub.s32 @!p0 $0x0, s1;
	[sflag:s0] =	ssyncset.done @!p0 $0x0  }
0x4d: {  	[sflag:s0] =	ssyncadd.s32 @!p0 s1  }
0x4e: {  	[bflag:$0x3] =	sbarrier.arrive $0xFFFF  }
0x4f: {  	_ =	shalt  }

// kernel: gather_offload_async_start
scs
__scs_entry_jumppad:
0x0: {  	(pc) =	sbr.rel $0x88, $3  }
0x1: {  	(tag) =	ssettag $0x0;
	lr =	simm.s32 $0x1  }
0x2: {  	[smem:$0x3F8D] =	sst lr;
	_ =	strace $0xD0000000  }
0x3: {  	_ = 	snop  }
0x4: {  	_ = 	snop  }
0x5: {  	_ = 	snop  }
0x6: {  	_ = 	snop  }
0x7: {  	_ = 	snop  }
__scs_overlays_trampoline_lowered:
0x8: {  	[smem:$0x3F9C] =	sst s0  }
0x9: {  	[smem:$0x3F9D] =	sst s1  }
0xa: {  	[smem:$0x3F9E] =	sst s2  }
0xb: {  	[smem:$0x3F9F] =	sst s3  }
0xc: {  	[smem:$0x3FA0] =	sst s4  }
0xd: {  	[smem:$0x3FA1] =	sst s5  }
0xe: {  	[smem:$0x3FA2] =	sst s6  }
0xf: {  	[smem:$0x3FA3] =	sst s7  }
0x10: {  	[smem:$0x3FA4] =	sst s8  }
0x11: {  	[smem:$0x3FA5] =	sst s9;
	s0 =	simm.s32 @!p0 $0x0  }
0x12: {  	s1 =	sld [smem:$0x3F8B];
	s0 =	simm.s32 @p0 $0x1  }
0x13: {  	[smem:$0x3FA6] =	sst s0;
	s0 =	simm.s32 @!p1 $0x0  }
0x14: {  	s2 =	sld [smem:$0x3F8A];
	s0 =	simm.s32 @p1 $0x1  }
0x15: {  	[smem:$0x3FA7] =	sst s0;
	s0 =	simm.s32 @!p2 $0x0  }
0x16: {  	s3 =	sld [smem:$0x3FDB];
	s0 =	simm.s32 @p2 $0x1  }
0x17: {  	s4 =	simm.s32 $0x1BF5;
	[smem:$0x3FA9] =	sst s0  }
0x18: {  	s0 =	sld [smem:$0x3F8C];
	_ =	swait.ge [sflag:s4], $0x0  }
0x19: {  	s7 =	sld [smem:$0x3F8D]  }
0x1a: {  	s8 =	sadd.s32 $0xFFFFE003, lr  }
0x1b: {  	s9 =	sadd.s32 $0xFFFFFEF7, lr;
	s5 =	simm.s32 $0xFFFFFFFF;
	p2 =	slt.u32 s8, $0xFFFFF086  }
0x1c: {  	p1 =	slt.u32 s9, $0xF7A;
	s5 =	simm.s32 @!p2 $0x0  }
0x1d: {  	s5 =	simm.s32 @p1 $0x1;
	p0 =	seq.s32 s7, s2  }
0x1e: {  	s7 =	smul.u32 @!p0 $0xF7A, s2;
	p2 =	seq.s32 @!p0 s5, $0x0  }
0x1f: {  	s9 =	smul.u32 $0xF7A, s1;
	s8 =	simm.s32 @!p0 $0x1BF5;
	p2 =	por !p2, p0  }
0x20: {  	[sflag:s8] =	ssyncset.s32 @!p0 $0xFFFFF086;
	s6 =	sadd.s32 @!p0 s3, s7;
	s7 =	simm.s32 @!p0 $0x108  }
0x21: {  	s3 =	sadd.s32 s3, s9;
	s6 =	sadd.s32 @!p0 $0x88, s6;
	s7 =	simm.s32 @p2 $0x1082  }
0x22: {  	[simem:s7], [sflag:s8] =	dma.local @!p0 [hbm:s6], $0xF7A  }
0x23: {  	s9 =	sor.u32 $0xD0000000, s2;
	s6 =	simm.s32 $0x108;
	_ =	swait.ge @!p0 [sflag:s8], $0x0  }
0x24: {  	s3 =	sadd.s32 $0x88, s3;
	s6 =	simm.s32 @!p1 $0x1082;
	[sflag:s4] =	ssyncset.s32 $0xFFFFF086  }
0x25: {  	[simem:s6], [sflag:s4] =	dma.local [hbm:s3], $0xF7A  }
0x26: {  	[smem:$0x3F8D] =	sst s1;
	(tag) =	ssettag s2;
	_ =	strace s9  }
0x27: {  	s1 =	sld [smem:$0x3F9D]  }
0x28: {  	s2 =	sld [smem:$0x3F9E]  }
0x29: {  	s4 =	sld [smem:$0x3FA0]  }
0x2a: {  	p0 =	seq.s32 s5, $0x0;
	s5 =	sld [smem:$0x3FA1]  }
0x2b: {  	s6 =	sld [smem:$0x3FA2]  }
0x2c: {  	s7 =	sld [smem:$0x3FA3]  }
0x2d: {  	s3 =	simm.s32 $0x108;
	s8 =	sld [smem:$0x3FA4]  }
0x2e: {  	s3 =	simm.s32 @!p0 $0x1082;
	s9 =	sld [smem:$0x3FA5]  }
0x2f: {  	lr =	sadd.s32 s0, s3;
	s0 =	sld [smem:$0x3F9C]  }
0x30: {  	s3 =	sld [smem:$0x3F9F]  }
0x31: {  	[smem:$0x3FA8] =	sst s10  }
0x32: {  	s10 =	sld [smem:$0x3FA6];
	_ =	sdelay $0x3  }
0x33: {  	p0 =	seq.s32 s10, $0x1;
	s10 =	sld [smem:$0x3FA8];
	_ =	sdelay $0x3  }
0x34: {  	[smem:$0x3FA8] =	sst s10  }
0x35: {  	s10 =	sld [smem:$0x3FA7];
	_ =	sdelay $0x3  }
0x36: {  	p1 =	seq.s32 s10, $0x1;
	s10 =	sld [smem:$0x3FA8];
	_ =	sdelay $0x3  }
0x37: {  	[smem:$0x3FA8] =	sst s10  }
0x38: {  	s10 =	sld [smem:$0x3FA9]  }
0x39: {  	_ = 	snop;
	(pc) =	sbr.ind lr, $3  }
0x3a: {  	_ = 	snop  }
0x3b: {  	_ = 	snop  }
0x3c: {  	p2 =	seq.s32 s10, $0x1;
	s10 =	sld [smem:$0x3FA8]  }
0x3d: {  	_ =	shalt  }
0x3e: {  	_ =	shalt  }
0x3f: {  	_ =	shalt  }
0x40: {  	_ =	shalt  }
0x41: {  	_ =	shalt  }
0x42: {  	_ =	shalt  }
0x43: {  	_ =	shalt  }
0x44: {  	_ =	shalt  }
0x45: {  	_ =	shalt  }
0x46: {  	_ =	shalt  }
0x47: {  	_ =	shalt  }
0x48: {  	_ =	shalt  }
0x49: {  	_ =	shalt  }
0x4a: {  	_ =	shalt  }
0x4b: {  	_ =	shalt  }
0x4c: {  	_ =	shalt  }
0x4d: {  	_ =	shalt  }
0x4e: {  	_ =	shalt  }
0x4f: {  	_ =	shalt  }
0x50: {  	_ =	shalt  }
0x51: {  	_ =	shalt  }
0x52: {  	_ =	shalt  }
0x53: {  	_ =	shalt  }
0x54: {  	_ =	shalt  }
0x55: {  	_ =	shalt  }
0x56: {  	_ =	shalt  }
0x57: {  	_ =	shalt  }
0x58: {  	_ =	shalt  }
0x59: {  	_ =	shalt  }
0x5a: {  	_ =	shalt  }
0x5b: {  	_ =	shalt  }
0x5c: {  	_ =	shalt  }
0x5d: {  	_ =	shalt  }
0x5e: {  	_ =	shalt  }
0x5f: {  	_ =	shalt  }
0x60: {  	_ =	shalt  }
0x61: {  	_ =	shalt  }
0x62: {  	_ =	shalt  }
0x63: {  	_ =	shalt  }
0x64: {  	_ =	shalt  }
0x65: {  	_ =	shalt  }
0x66: {  	_ =	shalt  }
0x67: {  	_ =	shalt  }
0x68: {  	_ =	shalt  }
0x69: {  	_ =	shalt  }
0x6a: {  	_ =	shalt  }
0x6b: {  	_ =	shalt  }
0x6c: {  	_ =	shalt  }
0x6d: {  	_ =	shalt  }
0x6e: {  	_ =	shalt  }
0x6f: {  	_ =	shalt  }
0x70: {  	_ =	shalt  }
0x71: {  	_ =	shalt  }
0x72: {  	_ =	shalt  }
0x73: {  	_ =	shalt  }
0x74: {  	_ =	shalt  }
0x75: {  	_ =	shalt  }
0x76: {  	_ =	shalt  }
0x77: {  	_ =	shalt  }
0x78: {  	_ =	shalt  }
0x79: {  	_ =	shalt  }
0x7a: {  	_ =	shalt  }
0x7b: {  	_ =	shalt  }
0x7c: {  	_ =	shalt  }
0x7d: {  	_ =	shalt  }
0x7e: {  	_ =	shalt  }
0x7f: {  	_ =	shalt  }
0x80: {  	_ =	shalt  }
0x81: {  	_ =	shalt  }
0x82: {  	_ =	shalt  }
0x83: {  	_ =	shalt  }
0x84: {  	_ =	shalt  }
0x85: {  	_ =	shalt  }
0x86: {  	_ =	shalt  }
0x87: {  	_ =	shalt  }
.Lfunc_end0:
.L_simem_size_0:
called_computation.3_lowered:
.L_overlay_start_0:
0x88: {  	s2 =	sld [smem:$0x3FD9]  }
0x89: {  	s3 =	sld [smem:$0x3FFE];
	_ =	sdelay $0x1  }
0x8a: {  	s1 =	srdreg.scid  }
0x8b: {  	s0 =	sand.u32 $0x1, s1  }
0x8c: {  	s16 =	sshll.u32 s0, $0xA;
	s2 =	sadd.s32 s3, s2  }
0x8d: {  	s2 =	sadd.s32 s2, s16  }
0x8e: {  	[smem:$0x3FB4] =	sst s2  }
0x8f: {  	_ = 	snop  }
0x90: {  	(tm) =	ssettm $0x1  }
0x91: {  	s17 =	sld [smem:$0x3FFB];
	_ =	sdelay $0x3  }
0x92: {  	_ =	strace s17  }
0x93: {  	s2 =	sld [smem:$0x3FFC];
	_ =	sdelay $0x3  }
0x94: {  	_ =	strace s2  }
0x95: {  	s2 =	sld [smem:$0x3FFD];
	_ =	sdelay $0x3  }
0x96: {  	_ =	strace s2  }
0x97: {  	_ =	strace $0x8FFFFFFF  }
0x98: {  	s18 =	sld [smem:$0x3FDB];
	_ =	sdelay $0x1  }
0x99: {  	s19 =	simm.s32 $_scs_section_size  }
0x9a: {  	s4 =	simm.s32 $_size__tile_overlayer_lowered;
	s5 =	simm.s32 $_tile_overlayer_lowered  }
0x9b: {  	s22 =	simm.s32 $0x1BFF;
	s21 =	sshll.u32 s5, $0x1;
	s2 =	sadd.s32 s19, s18  }
0x9c: {  	s6 =	simm.s32 $0x0;
	s20 =	sshll.u32 s4, $0x1;
	s4 =	sadd.s32 s21, s2  }
0x9d: {  	[timem:s6], [sflag:s22] =	dma.local [hbm:s4], s20  }
0x9e: {  	_ =	swait.ge [sflag:s22], s20  }
0x9f: {  	s3 =	ssub.s32 $0x0, s20;
	[sflag:s22] =	ssyncset.done $0x0  }
0xa0: {  	[sflag:s22] =	ssyncadd.s32 s3;
	_ =	sdelay $0x1  }
0xa1: {  	s23 =	simm.s32 $0x1B8B  }
0xa2: {  	_ =	swait.ge [sflag:s23], $0x1  }
0xa3: {  	[sflag:s23] =	ssyncset.done $0x0  }
0xa4: {  	s25 =	simm.s32 $0x1B8E;
	s24 =	sld [smem:$0x3FFE];
	[sflag:s23] =	ssyncadd.s32 $0xFFFFFFFF  }
0xa5: {  	s26 =	simm.s32 $execute0_lowered;
	[smem:$0x3FD2] =	sst s25  }
0xa6: {  	s4 =	sshll.u32 s26, $0x1;
	_ =	strace $0x80000049;
	[dreg:$0x1] =	wrdreg $0xFFFFFFFF  }
0xa7: {  	s28 =	simm.s32 $_size_execute0_lowered;
	s2 =	sadd.s32 s2, s4;
	[dreg:$0x0] =	wrdreg $0x0  }
0xa8: {  	s4 =	sshll.u32 s28, $0x1;
	[dreg:$0x2] =	wrdreg s2  }
0xa9: {  	[dreg:$0x3] =	wrdreg s4  }
0xaa: {  	[dreg:$0x4] =	wrdreg $0xC0  }
0xab: {  	_ =	task [dreg:s6], $0x5FFFF  }
0xac: {  	[dreg:$0x1] =	wrdreg $0xFFFFFFFF  }
0xad: {  	[dreg:$0x0] =	wrdreg $0x60  }
0xae: {  	[dreg:$0x2] =	wrdreg s24  }
0xaf: {  	[dreg:$0x3] =	wrdreg $0x9  }
0xb0: {  	_ =	task.clear_ibuf [dreg:s6], $0x4FFFF;
	_ =	strace $0x90000049  }
0xb1: {  	s29 =	simm.s32 $0x9;
	_ =	strace $0x8000004B  }
0xb2: {  	_ =	swait.ge [sflag:s29], $0x1  }
0xb3: {  	[sflag:s29] =	ssyncadd.s32 $0xFFFFFFFF  }
0xb4: {  	_ =	strace $0x9000004B  }
0xb5: {  	_ =	sfence  }
0xb6: {  	s30 =	sld [smem:$0x0];
	_ =	sdelay $0x2  }
0xb7: {  	s31 =	sshll.u32 s1, $0xD;
	s1 =	sshrl.u32 s1, $0x2  }
0xb8: {  	s3 =	sand.u32 $0x4000, s31;
	s1 =	sadd.s32 s1, s30  }
0xb9: {  	s0 =	sor.u32 s3, s0;
	s1 =	sshll.u32 s1, $0x11  }
0xba: {  	s0 =	sor.u32 s1, s0  }
0xbb: {  	s0 =	sadd.s32 $0x8F2B, s0  }
0xbc: {  	[sflag:s0] =	ssyncadd.remote.s32 $0x1  }
0xbd: {  	_ =	sfence.sel $0xFFFF  }
0xbe: {  	[dreg:$0x0] =	wrdreg $0xFFFFFFFF;
	(pc) =	sbr.abs _section_cstart, $3  }
0xbf: {  	[dreg:$0x1] =	wrdreg $0xFFFFFFFF  }
0xc0: {  	_ =	task.clear_ibuf [dreg:s6], $0x2FFFF;
	_ =	strace $0x9FFFFFFF  }
0xc1: {  	(tm) =	ssettm $0x7FFFFFFF  }
tec
execute0_lowered:
.L_overlay_start_1:
0x0: {  	(tag) =	ssettag $0x1  }
0x1: {  	s8 =	rddreg [dreg:$0x0];
	s1 =	stileid.u32  }
0x2: {  	s2 =	srdreg.scid;
	s0 =	rddreg [dreg:$0x1]  }
0x3: {  	_ =	strace $0x8000004A;
	s5 =	simm.s32 $0x1;
	s9 =	simm.s32 $0x1  }
0x4: {  	s10 =	simm.s32 $0x3;
	s2 =	sand.u32 $0x1, s2;
	s3 =	sshll.u32 s1, $0x1  }
0x5: {  	s13 =	simm.s32 $0x0;
	s12 =	simm.s32 $0x0;
	s6 =	sor.u32 s3, s2  }
0x6: {  	[sflag:s5] =	ssyncpa.u1 $0x0;
	s2 =	sadd.s32 $0x34E00, s8;
	s4 =	smul.u32 $0x4E20, s6  }
0x7: {  	s3 =	sadd.s32 $0x4D800, s8;
	p0 =	slt.u32 s6, $0x9;
	s6 =	simm.s32 $0x9C400  }
.Ltmp0:
0x8: {  	s6 =	simm.s32 @!p0 $0x0;
	s7 =	ssub.s32 $0xC3500, s4;
	(pc) =	sbr.rel .LBB2_1-.Ltmp0, $4  }
0x9: {  	s9 =	simm.s32 @!p0 $0x0;
	p0 =	sne.s32 s7, s6;
	s7 =	simm.s32 $0x1  }
0xa: {  	s8 =	sadd.s32 $0x14A200, s8;
	s6 =	simm.s32 $0x2;
	s7 =	simm.s32 @!p0 $0x0  }
0xb: {  	s11 =	smov.u32 s4;
	[sflag:s6] =	ssyncpa.u1 $0x0;
	s7 =	sadd.s32 s9, s7  }
0xc: {  	vm0 =	vmmov $0xffff;
	[sflag:s10] =	ssyncpa.u1 $0x0;
	s10 =	simm.s32 $0x0;
	s9 =	sadd.s32 $0x1, s7  }
.LBB2_4:
0xd: {  	v2 =	vnsel vm1, $0x0, v2  }
0xe: {  	vm1 =	vgt.s32 v0, $0x0;
	v2 =	vmin.u32 v2, $0xC34FF  }
0xf: {  	v0 =	vnsel vm1, $0x0, v0  }
0x10: {  	v0 =	vmin.u32 v0, $0xC34FF  }
0x11: {  	[tilespmem:s18], [sflag:$0x1] =	stream.indirect_vreg.gather [hbm4b:s2+s10], $0x1, v1, vm0, $0x4038;
	[tilespmem:$0x13880] =	vst v63  }
0x12: {  	(ifvalue) =	ssetifvalue $0x7FFFFFFF  }
0x13: {  	[tilespmem:s15], [sflag:$0x1] =	stream.indirect_vreg.gather [hbm4b:s2+s10], $0x1, v2, vm0, $0x4038;
	[tilespmem:$0x13880] =	vst v63  }
0x14: {  	s29 =	sadd.s32 $0x10, s15;
	(ifvalue) =	ssetifvalue $0x7FFFFFFF  }
0x15: {  	[tilespmem:s29], [sflag:$0x1] =	stream.indirect_vreg.gather [hbm4b:s2+s10], $0x1, v0, vm0, $0x4038;
	[tilespmem:$0x13880] =	vst v63  }
0x16: {  	_ =	swait.ge [sflag:s5], $0x4E20  }
0x17: {  	s30 =	sshrl.u32 s13, $0x3;
	[sflag:s5] =	ssyncset.done $0x0  }
0x18: {  	s31 =	sand.u32 $0x7, s13;
	s15 =	sadd.s32 s8, s30;
	[sflag:s5] =	ssyncadd.s32 $0xFFFFB1E0  }
0x19: {  	[hbm4b:s15+s31] =	stream.linear.scatter [tilespmem:s14], [sflag:$0x3], $0x4E20, $0x38;
	[tilespmem:$0x13880] =	vst v63  }
.LBB2_5:
0x1a: {  	s15 =	sadd.s32 $0x9C400, s11  }
0x1b: {  	p1 =	sgt.s32 s15, $0xC34FF  }
0x1c: {  	s15 =	smov.u32 @p1 s4;
	p1 =	sne.s32 s12, s9  }
.Ltmp1:
0x1d: {  	p0 =	slt.u32 s12, $0x2;
	(pc) =	sbr.rel @!p1 .LBB2_6-.Ltmp1, $4  }
0x1e: {  	s14 =	simm.s32 @!p0 $0x3  }
0x1f: {  	_ =	swait.ge @!p0 [sflag:s14], $0x4E20  }
0x20: {  	s16 =	sadd.s32 $0x1, s12;
	s13 =	smov.u32 s11;
	[sflag:s14] =	ssyncset.done @!p0 $0x0  }
0x21: {  	s12 =	smov.u32 s16;
	s11 =	smov.u32 s15;
	[sflag:s14] =	ssyncadd.s32 @!p0 $0xFFFFB1E0  }
.LBB2_1:
0x22: {  	p0 =	sge.u32 s12, s7  }
0x23: {  	s14 =	sxor.u32 @!p0 $0x1, s12  }
0x24: {  	s14 =	smul.u32 @!p0 $0x13880, s14  }
0x25: {  	s31 =	sadd.s32 $0xFFFFFFFF, s12;
	s15 =	sshrl.u32 @!p0 s11, $0x3  }
0x26: {  	s16 =	sand.u32 @!p0 $0x7, s11;
	s15 =	sadd.s32 @!p0 s3, s15;
	s14 =	sshra.s32 @!p0 s14, $0x2  }
0x27: {  	[tilespmem:s14], [sflag:$0x2] =	stream.linear.gather @!p0 [hbm4b:s15+s16], $0x4E20, $0x38;
	[tilespmem:$0x13880] =	vst v63  }
0x28: {  	p0 =	sge.u32 s31, s7  }
.Ltmp2:
0x29: {  	_ = 	snop;
	(pc) =	sbr.rel @p0 .LBB2_5-.Ltmp2, $1  }
0x2a: {  	_ =	sdelay $0x3  }
0x2b: {  	s14 =	sand.u32 $0x1, s12  }
0x2c: {  	_ =	swait.ge [sflag:s6], $0x4E20;
	p0 =	seq.s32 s14, $0x1;
	s14 =	simm.s32 $0x4E20  }
0x2d: {  	[sflag:s6] =	ssyncset.done $0x0;
	s14 =	simm.s32 @!p0 $0x0  }
0x2e: {  	[sflag:s6] =	ssyncadd.s32 $0xFFFFB1E0;
	(ifvalue) =	ssetifvalue $0x7FFFFFFF;
	v0 =	vld.msk [tilespmem:s14+$0x0 ss:$0x1], $0xffff;
	_ =	sdelay $0x4  }
0x2f: {  	s15 =	sadd.s32 $0x10, s14;
	vm1 =	vgt.s32 v0, $0x0  }
0x30: {  	v2 =	vld.msk [tilespmem:s15+$0x0 ss:$0x1], $0xffff;
	v1 =	vnsel vm1, $0x0, v0  }
0x31: {  	v1 =	vmin.u32 v1, $0xC34FF;
	_ =	sdelay $0x2  }
0x32: {  	s17 =	simm.s32 $0x20;
	s14 =	sadd.s32 $0x9C40, s14;
	s16 =	sadd.s32 $0x10, s15  }
0x33: {  	s15 =	sadd.s32 $0x10, s14;
	s18 =	smov.u32 s14;
	v0 =	vld.msk [tilespmem:s16+$0x0 ss:$0x1], $0xffff;
	vm1 =	vgt.s32 v2, $0x0;
	(ifvalue) =	ssetifvalue $0x7FFFFFFF  }
.LBB2_3:
0x34: {  	[tilespmem:s18], [sflag:$0x1] =	stream.indirect_vreg.gather [hbm4b:s2+s10], $0x1, v1, vm0, $0x4038;
	[tilespmem:$0x13880] =	vst v63  }
0x35: {  	s17 =	sadd.s32 $0x10, s17  }
0x36: {  	v2 =	vnsel vm1, $0x0, v2;
	p0 =	slt.u32 s17, $0x4E10  }
.Ltmp3:
0x37: {  	s18 =	smov.u32 s15;
	v1 =	vmin.u32 v2, $0xC34FF;
	(pc) =	sbr.rel @p0 .LBB2_3-.Ltmp3, $3  }
0x38: {  	_ =	sdelay $0x1  }
0x39: {  	s16 =	sadd.s32 $0x10, s16  }
0x3a: {  	vm1 =	vgt.s32 v0, $0x0;
	s15 =	sadd.s32 $0x10, s15;
	v2 =	vmov v0;
	(ifvalue) =	ssetifvalue $0x7FFFFFFF;
	v0 =	vld.msk [tilespmem:s16+$0x0 ss:$0x1], $0xffff  }
.Ltmp4:
0x3b: {  	_ = 	snop;
	(pc) =	sbr.rel .LBB2_4-.Ltmp4, $1  }
0x3c: {  	_ =	sdelay $0x3  }
.LBB2_6:
0x3d: {  	_ =	sfence.sel $0x180000  }
0x3e: {  	s2 =	simm.s32 $0x2;
	[bflag:$0x0] =	sbarrier.arrive $0xFFFF  }
0x3f: {  	s30 =	simm.s32 $0x3;
	[sflag:s2] =	ssyncpa.u1 $0x1  }
0x40: {  	s31 =	simm.s32 $0x1;
	[sflag:s30] =	ssyncpa.u1 $0x1  }
0x41: {  	[sflag:s31] =	ssyncpa.u1 $0x1  }
0x42: {  	p0 =	sne.s32 s1, $0x0;
	_ =	strace $0x9000004A  }
0x43: {  	s0 =	sadd.s32 @!p0 $0x100000, s0;
	[bflag:$0x2] =	sbarrier.arrive $0xFFFF  }
0x44: {  	[sflag:s0] =	ssyncadd.tile.s32 @!p0 $0x1;
	_ =	shalt  }
.Lfunc_end2:
_tile_overlayer_lowered:
.L_overlay_start_2:
0x45: {  	(tag) =	ssettag $0x2  }
0x46: {  	s0 =	rddreg [dreg:$0x0];
	s2 =	stileid.u32  }
0x47: {  	s1 =	rddreg [dreg:$0x1];
	p0 =	sne.s32 s2, $0x0  }
0x48: {  	s3 =	rddreg [dreg:$0x2];
	[bflag:$0x3] =	sbarrier.arrive $0xFFFF;
	s2 =	simm.s32 @!p0 $0x1C01  }
0x49: {  	[timem:s3], [sflag:s2] =	dma.local @!p0 [hbm:s0], s1  }
0x4a: {  	s0 =	simm.s32 @!p0 $0x1  }
0x4b: {  	_ =	swait.ge @!p0 [sflag:s0], s1  }
0x4c: {  	s1 =	ssub.s32 @!p0 $0x0, s1;
	[sflag:s0] =	ssyncset.done @!p0 $0x0  }
0x4d: {  	[sflag:s0] =	ssyncadd.s32 @!p0 s1  }
0x4e: {  	[bflag:$0x3] =	sbarrier.arrive $0xFFFF  }
0x4f: {  	_ =	shalt  }

// kernel: scatter_offload_async_start.2
scs
__scs_entry_jumppad:
0x0: {  	(pc) =	sbr.rel $0x88, $3  }
0x1: {  	(tag) =	ssettag $0x0;
	lr =	simm.s32 $0x1  }
0x2: {  	[smem:$0x3F8D] =	sst lr;
	_ =	strace $0xD0000000  }
0x3: {  	_ = 	snop  }
0x4: {  	_ = 	snop  }
0x5: {  	_ = 	snop  }
0x6: {  	_ = 	snop  }
0x7: {  	_ = 	snop  }
__scs_overlays_trampoline_lowered:
0x8: {  	[smem:$0x3F9C] =	sst s0  }
0x9: {  	[smem:$0x3F9D] =	sst s1  }
0xa: {  	[smem:$0x3F9E] =	sst s2  }
0xb: {  	[smem:$0x3F9F] =	sst s3  }
0xc: {  	[smem:$0x3FA0] =	sst s4  }
0xd: {  	[smem:$0x3FA1] =	sst s5  }
0xe: {  	[smem:$0x3FA2] =	sst s6  }
0xf: {  	[smem:$0x3FA3] =	sst s7  }
0x10: {  	[smem:$0x3FA4] =	sst s8  }
0x11: {  	[smem:$0x3FA5] =	sst s9;
	s0 =	simm.s32 @!p0 $0x0  }
0x12: {  	s1 =	sld [smem:$0x3F8B];
	s0 =	simm.s32 @p0 $0x1  }
0x13: {  	[smem:$0x3FA6] =	sst s0;
	s0 =	simm.s32 @!p1 $0x0  }
0x14: {  	s2 =	sld [smem:$0x3F8A];
	s0 =	simm.s32 @p1 $0x1  }
0x15: {  	[smem:$0x3FA7] =	sst s0;
	s0 =	simm.s32 @!p2 $0x0  }
0x16: {  	s3 =	sld [smem:$0x3FDB];
	s0 =	simm.s32 @p2 $0x1  }
0x17: {  	s4 =	simm.s32 $0x1BF5;
	[smem:$0x3FA9] =	sst s0  }
0x18: {  	s0 =	sld [smem:$0x3F8C];
	_ =	swait.ge [sflag:s4], $0x0  }
0x19: {  	s7 =	sld [smem:$0x3F8D]  }
0x1a: {  	s8 =	sadd.s32 $0xFFFFE003, lr  }
0x1b: {  	s9 =	sadd.s32 $0xFFFFFEF7, lr;
	s5 =	simm.s32 $0xFFFFFFFF;
	p2 =	slt.u32 s8, $0xFFFFF086  }
0x1c: {  	p1 =	slt.u32 s9, $0xF7A;
	s5 =	simm.s32 @!p2 $0x0  }
0x1d: {  	s5 =	simm.s32 @p1 $0x1;
	p0 =	seq.s32 s7, s2  }
0x1e: {  	s7 =	smul.u32 @!p0 $0xF7A, s2;
	p2 =	seq.s32 @!p0 s5, $0x0  }
0x1f: {  	s9 =	smul.u32 $0xF7A, s1;
	s8 =	simm.s32 @!p0 $0x1BF5;
	p2 =	por !p2, p0  }
0x20: {  	[sflag:s8] =	ssyncset.s32 @!p0 $0xFFFFF086;
	s6 =	sadd.s32 @!p0 s3, s7;
	s7 =	simm.s32 @!p0 $0x108  }
0x21: {  	s3 =	sadd.s32 s3, s9;
	s6 =	sadd.s32 @!p0 $0x88, s6;
	s7 =	simm.s32 @p2 $0x1082  }
0x22: {  	[simem:s7], [sflag:s8] =	dma.local @!p0 [hbm:s6], $0xF7A  }
0x23: {  	s9 =	sor.u32 $0xD0000000, s2;
	s6 =	simm.s32 $0x108;
	_ =	swait.ge @!p0 [sflag:s8], $0x0  }
0x24: {  	s3 =	sadd.s32 $0x88, s3;
	s6 =	simm.s32 @!p1 $0x1082;
	[sflag:s4] =	ssyncset.s32 $0xFFFFF086  }
0x25: {  	[simem:s6], [sflag:s4] =	dma.local [hbm:s3], $0xF7A  }
0x26: {  	[smem:$0x3F8D] =	sst s1;
	(tag) =	ssettag s2;
	_ =	strace s9  }
0x27: {  	s1 =	sld [smem:$0x3F9D]  }
0x28: {  	s2 =	sld [smem:$0x3F9E]  }
0x29: {  	s4 =	sld [smem:$0x3FA0]  }
0x2a: {  	p0 =	seq.s32 s5, $0x0;
	s5 =	sld [smem:$0x3FA1]  }
0x2b: {  	s6 =	sld [smem:$0x3FA2]  }
0x2c: {  	s7 =	sld [smem:$0x3FA3]  }
0x2d: {  	s3 =	simm.s32 $0x108;
	s8 =	sld [smem:$0x3FA4]  }
0x2e: {  	s3 =	simm.s32 @!p0 $0x1082;
	s9 =	sld [smem:$0x3FA5]  }
0x2f: {  	lr =	sadd.s32 s0, s3;
	s0 =	sld [smem:$0x3F9C]  }
0x30: {  	s3 =	sld [smem:$0x3F9F]  }
0x31: {  	[smem:$0x3FA8] =	sst s10  }
0x32: {  	s10 =	sld [smem:$0x3FA6];
	_ =	sdelay $0x3  }
0x33: {  	p0 =	seq.s32 s10, $0x1;
	s10 =	sld [smem:$0x3FA8];
	_ =	sdelay $0x3  }
0x34: {  	[smem:$0x3FA8] =	sst s10  }
0x35: {  	s10 =	sld [smem:$0x3FA7];
	_ =	sdelay $0x3  }
0x36: {  	p1 =	seq.s32 s10, $0x1;
	s10 =	sld [smem:$0x3FA8];
	_ =	sdelay $0x3  }
0x37: {  	[smem:$0x3FA8] =	sst s10  }
0x38: {  	s10 =	sld [smem:$0x3FA9]  }
0x39: {  	_ = 	snop;
	(pc) =	sbr.ind lr, $3  }
0x3a: {  	_ = 	snop  }
0x3b: {  	_ = 	snop  }
0x3c: {  	p2 =	seq.s32 s10, $0x1;
	s10 =	sld [smem:$0x3FA8]  }
0x3d: {  	_ =	shalt  }
0x3e: {  	_ =	shalt  }
0x3f: {  	_ =	shalt  }
0x40: {  	_ =	shalt  }
0x41: {  	_ =	shalt  }
0x42: {  	_ =	shalt  }
0x43: {  	_ =	shalt  }
0x44: {  	_ =	shalt  }
0x45: {  	_ =	shalt  }
0x46: {  	_ =	shalt  }
0x47: {  	_ =	shalt  }
0x48: {  	_ =	shalt  }
0x49: {  	_ =	shalt  }
0x4a: {  	_ =	shalt  }
0x4b: {  	_ =	shalt  }
0x4c: {  	_ =	shalt  }
0x4d: {  	_ =	shalt  }
0x4e: {  	_ =	shalt  }
0x4f: {  	_ =	shalt  }
0x50: {  	_ =	shalt  }
0x51: {  	_ =	shalt  }
0x52: {  	_ =	shalt  }
0x53: {  	_ =	shalt  }
0x54: {  	_ =	shalt  }
0x55: {  	_ =	shalt  }
0x56: {  	_ =	shalt  }
0x57: {  	_ =	shalt  }
0x58: {  	_ =	shalt  }
0x59: {  	_ =	shalt  }
0x5a: {  	_ =	shalt  }
0x5b: {  	_ =	shalt  }
0x5c: {  	_ =	shalt  }
0x5d: {  	_ =	shalt  }
0x5e: {  	_ =	shalt  }
0x5f: {  	_ =	shalt  }
0x60: {  	_ =	shalt  }
0x61: {  	_ =	shalt  }
0x62: {  	_ =	shalt  }
0x63: {  	_ =	shalt  }
0x64: {  	_ =	shalt  }
0x65: {  	_ =	shalt  }
0x66: {  	_ =	shalt  }
0x67: {  	_ =	shalt  }
0x68: {  	_ =	shalt  }
0x69: {  	_ =	shalt  }
0x6a: {  	_ =	shalt  }
0x6b: {  	_ =	shalt  }
0x6c: {  	_ =	shalt  }
0x6d: {  	_ =	shalt  }
0x6e: {  	_ =	shalt  }
0x6f: {  	_ =	shalt  }
0x70: {  	_ =	shalt  }
0x71: {  	_ =	shalt  }
0x72: {  	_ =	shalt  }
0x73: {  	_ =	shalt  }
0x74: {  	_ =	shalt  }
0x75: {  	_ =	shalt  }
0x76: {  	_ =	shalt  }
0x77: {  	_ =	shalt  }
0x78: {  	_ =	shalt  }
0x79: {  	_ =	shalt  }
0x7a: {  	_ =	shalt  }
0x7b: {  	_ =	shalt  }
0x7c: {  	_ =	shalt  }
0x7d: {  	_ =	shalt  }
0x7e: {  	_ =	shalt  }
0x7f: {  	_ =	shalt  }
0x80: {  	_ =	shalt  }
0x81: {  	_ =	shalt  }
0x82: {  	_ =	shalt  }
0x83: {  	_ =	shalt  }
0x84: {  	_ =	shalt  }
0x85: {  	_ =	shalt  }
0x86: {  	_ =	shalt  }
0x87: {  	_ =	shalt  }
.Lfunc_end0:
.L_simem_size_0:
called_computation.2_lowered:
.L_overlay_start_0:
0x88: {  	s0 =	sld [smem:$0x3FD9]  }
0x89: {  	s1 =	sld [smem:$0x3FFE];
	_ =	sdelay $0x3  }
0x8a: {  	s0 =	sadd.s32 s1, s0  }
0x8b: {  	[smem:$0x3FB4] =	sst s0  }
0x8c: {  	_ = 	snop  }
0x8d: {  	(tm) =	ssettm $0x1  }
0x8e: {  	s15 =	sld [smem:$0x3FFB];
	_ =	sdelay $0x3  }
0x8f: {  	_ =	strace s15  }
0x90: {  	s0 =	sld [smem:$0x3FFC];
	_ =	sdelay $0x3  }
0x91: {  	_ =	strace s0  }
0x92: {  	s0 =	sld [smem:$0x3FFD];
	_ =	sdelay $0x3  }
0x93: {  	_ =	strace s0  }
0x94: {  	_ =	strace $0x8FFFFFFF  }
0x95: {  	s16 =	sld [smem:$0x3FDB];
	_ =	sdelay $0x1  }
0x96: {  	s17 =	simm.s32 $_scs_section_size  }
0x97: {  	s2 =	simm.s32 $_size__tile_overlayer_lowered;
	s3 =	simm.s32 $_tile_overlayer_lowered  }
0x98: {  	s20 =	simm.s32 $0x1BFF;
	s19 =	sshll.u32 s3, $0x1;
	s0 =	sadd.s32 s17, s16  }
0x99: {  	s4 =	simm.s32 $0x0;
	s18 =	sshll.u32 s2, $0x1;
	s2 =	sadd.s32 s19, s0  }
0x9a: {  	[timem:s4], [sflag:s20] =	dma.local [hbm:s2], s18  }
0x9b: {  	_ =	swait.ge [sflag:s20], s18  }
0x9c: {  	s1 =	ssub.s32 $0x0, s18;
	[sflag:s20] =	ssyncset.done $0x0  }
0x9d: {  	[sflag:s20] =	ssyncadd.s32 s1;
	_ =	sdelay $0x1  }
0x9e: {  	s21 =	simm.s32 $0x1B8B  }
0x9f: {  	_ =	swait.ge [sflag:s21], $0x1  }
0xa0: {  	[sflag:s21] =	ssyncset.done $0x0  }
0xa1: {  	s23 =	simm.s32 $0x1B8E;
	s22 =	sld [smem:$0x3FFE];
	[sflag:s21] =	ssyncadd.s32 $0xFFFFFFFF  }
0xa2: {  	s24 =	simm.s32 $execute0_lowered;
	[smem:$0x3FD2] =	sst s23  }
0xa3: {  	s2 =	sshll.u32 s24, $0x1;
	_ =	strace $0x80000046;
	[dreg:$0x1] =	wrdreg $0xFFFFFFFF  }
0xa4: {  	s25 =	simm.s32 $_size_execute0_lowered;
	s0 =	sadd.s32 s0, s2;
	[dreg:$0x0] =	wrdreg $0x0  }
0xa5: {  	s2 =	sshll.u32 s25, $0x1;
	[dreg:$0x2] =	wrdreg s0  }
0xa6: {  	[dreg:$0x3] =	wrdreg s2  }
0xa7: {  	[dreg:$0x4] =	wrdreg $0xC0  }
0xa8: {  	_ =	task [dreg:s4], $0x5FFFF  }
0xa9: {  	[dreg:$0x1] =	wrdreg $0xFFFFFFFF  }
0xaa: {  	[dreg:$0x0] =	wrdreg $0x60  }
0xab: {  	[dreg:$0x2] =	wrdreg s22  }
0xac: {  	[dreg:$0x3] =	wrdreg $0x9  }
0xad: {  	_ =	task.clear_ibuf [dreg:s4], $0x4FFFF;
	_ =	strace $0x90000046  }
0xae: {  	s26 =	simm.s32 $0x9;
	_ =	strace $0x80000048  }
0xaf: {  	_ =	swait.ge [sflag:s26], $0x1  }
0xb0: {  	[sflag:s26] =	ssyncadd.s32 $0xFFFFFFFF  }
0xb1: {  	_ =	strace $0x90000048  }
0xb2: {  	_ =	sfence  }
0xb3: {  	s28 =	sld [smem:$0x0];
	_ =	sdelay $0x1  }
0xb4: {  	s29 =	srdreg.scid  }
0xb5: {  	s30 =	sshll.u32 s29, $0xD;
	s31 =	sshrl.u32 s29, $0x2  }
0xb6: {  	s1 =	sand.u32 $0x1, s29;
	s2 =	sand.u32 $0x4000, s30;
	s0 =	sadd.s32 s31, s28  }
0xb7: {  	s1 =	sor.u32 s2, s1;
	s0 =	sshll.u32 s0, $0x11  }
0xb8: {  	s0 =	sor.u32 s0, s1  }
0xb9: {  	s0 =	sadd.s32 $0x8F2B, s0  }
0xba: {  	[sflag:s0] =	ssyncadd.remote.s32 $0x1  }
0xbb: {  	_ =	sfence.sel $0xFFFF  }
0xbc: {  	[dreg:$0x0] =	wrdreg $0xFFFFFFFF;
	(pc) =	sbr.abs _section_cstart, $3  }
0xbd: {  	[dreg:$0x1] =	wrdreg $0xFFFFFFFF  }
0xbe: {  	_ =	task.clear_ibuf [dreg:s4], $0x2FFFF;
	_ =	strace $0x9FFFFFFF  }
0xbf: {  	(tm) =	ssettm $0x7FFFFFFF  }
tec
execute0_lowered:
.L_overlay_start_1:
0x0: {  	(tag) =	ssettag $0x1  }
0x1: {  	s7 =	rddreg [dreg:$0x0]  }
0x2: {  	s0 =	rddreg [dreg:$0x1];
	_ =	strace $0x80000047  }
0x3: {  	s3 =	stileid.u32;
	s4 =	simm.s32 $0x3E;
	s1 =	sadd.s32 $0x148800, s7  }
0x4: {  	p0 =	sne.s32 s3, $0x0;
	[sflag:s4] =	ssyncpa.u1 $0x0;
	s29 =	smul.u32 $0x6, s3  }
0x5: {  	s30 =	smin.u32 s3, $0x4;
	s2 =	simm.s32 @!p0 $0x1C3E;
	s5 =	simm.s32 @!p0 $0x0  }
0x6: {  	[spmem:s5], [sflag:s2] =	dma.local @!p0 [hbm:s1], $0x1900  }
0x7: {  	s2 =	sadd.s32 s30, s29  }
0x8: {  	p1 =	slt.u32 s3, $0x4;
	s3 =	simm.s32 $0xDAC0;
	s2 =	smul.u32 $0x1F40, s2  }
0x9: {  	s3 =	simm.s32 @!p1 $0xBB80  }
0xa: {  	s3 =	sadd.s32 s3, s2  }
0xb: {  	s3 =	smin.u32 s3, $0xC3500  }
0xc: {  	s8 =	ssub.s32 s3, s2  }
0xd: {  	p1 =	sgt.s32 s8, $0x0  }
0xe: {  	s8 =	simm.s32 @!p1 $0x0  }
0xf: {  	s5 =	simm.s32 @!p0 $0x3E;
	s31 =	smulhi.u32 $0x10624DD3, s8  }
0x10: {  	_ =	swait.ge @!p0 [sflag:s5], $0x1900  }
0x11: {  	s6 =	simm.s32 $0x2;
	[sflag:s5] =	ssyncset.done @!p0 $0x0;
	s9 =	sshrl.u32 s31, $0x9  }
0x12: {  	s11 =	simm.s32 $0x0;
	[sflag:s5] =	ssyncadd.s32 @!p0 $0xFFFFE700;
	s10 =	smul.u32 $0x1F40, s9  }
.Ltmp0:
0x13: {  	s5 =	sadd.s32 $0x3E00, s7;
	[bflag:$0x0] =	sbarrier.arrive $0xFFFF;
	(pc) =	sbr.rel .LBB2_1-.Ltmp0, $4  }
0x14: {  	s7 =	sadd.s32 $0x14A200, s7;
	[sflag:s4] =	ssyncpa.u1 $0x1;
	s4 =	simm.s32 $0x1  }
0x15: {  	[sflag:s4] =	ssyncpa.u1 $0x0;
	p1 =	sne.s32 s8, s10;
	s8 =	simm.s32 $0x1  }
0x16: {  	(ifvalue) =	ssetifvalue $0xC800;
	[sflag:s6] =	ssyncpa.u1 $0x0;
	s8 =	simm.s32 @!p1 $0x0  }
0x17: {  	vm0 =	vmmov $0xffff;
	s10 =	smov.u32 s2;
	s8 =	sadd.s32 s8, s9;
	s9 =	simm.s32 $0x0  }
.LBB2_5:
0x18: {  	p2 =	sne.s32 s11, s8  }
.Ltmp1:
0x19: {  	_ = 	snop;
	(pc) =	sbr.rel @!p2 .LBB2_6-.Ltmp1, $4  }
0x1a: {  	_ = 	snop  }
0x1b: {  	s12 =	sadd.s32 $0x1F40, s10  }
0x1c: {  	s10 =	smov.u32 s2;
	s13 =	sadd.s32 $0x1, s11;
	p1 =	slt.s32 s12, s3  }
0x1d: {  	s11 =	smov.u32 s13;
	s10 =	smov.u32 @p1 s12  }
.LBB2_1:
0x1e: {  	p1 =	sge.u32 s11, s8  }
0x1f: {  	s12 =	sxor.u32 @!p1 $0xFFFFFFFF, s11  }
0x20: {  	s12 =	sand.u32 @!p1 $0x1, s12  }
0x21: {  	s12 =	smul.u32 @!p1 $0x1F40, s12  }
0x22: {  	s13 =	sshrl.u32 @!p1 s10, $0x3  }
0x23: {  	s16 =	sand.u32 @!p1 $0x7, s10;
	s14 =	sadd.s32 @!p1 s5, s13;
	s15 =	sadd.s32 @!p1 $0xC80, s12  }
0x24: {  	[tilespmem:s15], [sflag:$0x2] =	stream.linear.gather @!p1 [hbm4b:s14+s16], $0x1F40, $0x38;
	[tilespmem:$0x8980] =	vst v63  }
0x25: {  	s13 =	sadd.s32 @!p1 s7, s13;
	s12 =	sadd.s32 @!p1 $0x4B00, s12  }
0x26: {  	[tilespmem:s12], [sflag:$0x2] =	stream.linear.gather @!p1 [hbm4b:s13+s16], $0x1F40, $0x38;
	[tilespmem:$0x8980] =	vst v63  }
0x27: {  	p1 =	seq.s32 s11, $0x0  }
.Ltmp2:
0x28: {  	_ = 	snop;
	(pc) =	sbr.rel @p1 .LBB2_5-.Ltmp2, $1  }
0x29: {  	_ =	sdelay $0x3  }
0x2a: {  	s12 =	sand.u32 $0x1, s11  }
0x2b: {  	_ =	swait.ge [sflag:s6], $0x3E80;
	p1 =	seq.s32 s12, $0x1;
	s12 =	simm.s32 $0x1F40  }
0x2c: {  	[sflag:s6] =	ssyncset.done $0x0;
	s12 =	simm.s32 @!p1 $0x0  }
0x2d: {  	[sflag:s6] =	ssyncadd.s32 $0xFFFFC180;
	s14 =	sadd.s32 $0xC80, s12  }
0x2e: {  	v0 =	vld.msk [tilespmem:s14+$0x0 ss:$0x1], $0xffff;
	_ =	sdelay $0x4  }
0x2f: {  	v0 =	vmin.u32 v0, $0xC800;
	_ =	sdelay $0x3  }
0x30: {  	s13 =	simm.s32 $0x0;
	s12 =	sadd.s32 $0x4B00, s12;
	s14 =	sadd.s32 $0x10, s14  }
0x31: {  	[spmem:s9] =	stream.indirect_vreg.scatter.add.s32 [tilespmem:s12], [sflag:$0x1], $0x1, v0, vm0, $0x4038;
	[tilespmem:$0x8980] =	vst v63  }
.LBB2_3:
0x32: {  	v0 =	vld.msk [tilespmem:s14+$0x0 ss:$0x1], $0xffff;
	s13 =	sadd.s32 $0x10, s13  }
0x33: {  	p1 =	slt.u32 s13, $0x1F30;
	_ =	sdelay $0x4  }
0x34: {  	v0 =	vmin.u32 v0, $0xC800  }
.Ltmp3:
0x35: {  	(pc) =	sbr.rel @p1 .LBB2_3-.Ltmp3, $3  }
0x36: {  	_ =	sdelay $0x1  }
0x37: {  	s14 =	sadd.s32 $0x10, s14;
	s12 =	sadd.s32 $0x10, s12  }
0x38: {  	[spmem:s9] =	stream.indirect_vreg.scatter.add.s32 [tilespmem:s12], [sflag:$0x1], $0x1, v0, vm0, $0x4038;
	[tilespmem:$0x8980] =	vst v63  }
.Ltmp4:
0x39: {  	(pc) =	sbr.rel .LBB2_5-.Ltmp4, $4  }
0x3a: {  	_ = 	snop  }
0x3b: {  	_ =	swait.ge [sflag:s4], $0x1F40  }
0x3c: {  	[sflag:s4] =	ssyncset.done $0x0  }
0x3d: {  	[sflag:s4] =	ssyncadd.s32 $0xFFFFE0C0  }
.LBB2_6:
0x3e: {  	_ =	sfence.sel $0x180000  }
0x3f: {  	s2 =	simm.s32 $0x2;
	[bflag:$0x0] =	sbarrier.arrive $0xFFFF  }
0x40: {  	s30 =	simm.s32 $0x1;
	[sflag:s2] =	ssyncpa.u1 $0x1  }
0x41: {  	[sflag:s30] =	ssyncpa.u1 $0x1  }
0x42: {  	_ =	sfence.stream.spmem  }
0x43: {  	s31 =	simm.s32 $0x3D;
	[bflag:$0x0] =	sbarrier.arrive $0xFFFF  }
0x44: {  	s2 =	simm.s32 @p0 $0x3D;
	[sflag:s31] =	ssyncpa.u1 $0x0  }
0x45: {  	[sflag:s2] =	ssyncpa.u1 @p0 $0x1  }
0x46: {  	[bflag:$0x0] =	sbarrier.arrive @p0 $0xFFFF  }
0x47: {  	_ =	strace @p0 $0x90000047  }
0x48: {  	s3 =	simm.s32 @!p0 $0x1C3D;
	s2 =	simm.s32 @!p0 $0x0;
	[bflag:$0x2] =	sbarrier.arrive @p0 $0xFFFF  }
0x49: {  	[hbm:s1], [sflag:s3] =	dma.local @!p0 [spmem:s2], $0x1900  }
0x4a: {  	s1 =	simm.s32 @!p0 $0x3D  }
0x4b: {  	_ =	swait.ge @!p0 [sflag:s1], $0x1900  }
0x4c: {  	[sflag:s1] =	ssyncset.done @!p0 $0x0  }
0x4d: {  	[sflag:s1] =	ssyncadd.s32 @!p0 $0xFFFFE700  }
0x4e: {  	[sflag:s1] =	ssyncpa.u1 @!p0 $0x1  }
0x4f: {  	[bflag:$0x0] =	sbarrier.arrive @!p0 $0xFFFF  }
0x50: {  	_ =	strace @!p0 $0x90000047  }
0x51: {  	s0 =	sadd.s32 @!p0 $0x100000, s0;
	[bflag:$0x2] =	sbarrier.arrive @!p0 $0xFFFF  }
0x52: {  	[sflag:s0] =	ssyncadd.tile.s32 @!p0 $0x1;
	_ =	shalt  }
.Lfunc_end2:
_tile_overlayer_lowered:
.L_overlay_start_2:
0x53: {  	(tag) =	ssettag $0x2  }
0x54: {  	s0 =	rddreg [dreg:$0x0];
	s2 =	stileid.u32  }
0x55: {  	s1 =	rddreg [dreg:$0x1];
	p0 =	sne.s32 s2, $0x0  }
0x56: {  	s3 =	rddreg [dreg:$0x2];
	[bflag:$0x3] =	sbarrier.arrive $0xFFFF;
	s2 =	simm.s32 @!p0 $0x1C01  }
0x57: {  	[timem:s3], [sflag:s2] =	dma.local @!p0 [hbm:s0], s1  }
0x58: {  	s0 =	simm.s32 @!p0 $0x1  }
0x59: {  	_ =	swait.ge @!p0 [sflag:s0], s1  }
0x5a: {  	s1 =	ssub.s32 @!p0 $0x0, s1;
	[sflag:s0] =	ssyncset.done @!p0 $0x0  }
0x5b: {  	[sflag:s0] =	ssyncadd.s32 @!p0 s1  }
0x5c: {  	[bflag:$0x3] =	sbarrier.arrive $0xFFFF  }
0x5d: {  	_ =	shalt  }

// kernel: scatter_offload_async_start.7
scs
__scs_entry_jumppad:
0x0: {  	(pc) =	sbr.rel $0x88, $3  }
0x1: {  	(tag) =	ssettag $0x0;
	lr =	simm.s32 $0x1  }
0x2: {  	[smem:$0x3F8D] =	sst lr;
	_ =	strace $0xD0000000  }
0x3: {  	_ = 	snop  }
0x4: {  	_ = 	snop  }
0x5: {  	_ = 	snop  }
0x6: {  	_ = 	snop  }
0x7: {  	_ = 	snop  }
__scs_overlays_trampoline_lowered:
0x8: {  	[smem:$0x3F9C] =	sst s0  }
0x9: {  	[smem:$0x3F9D] =	sst s1  }
0xa: {  	[smem:$0x3F9E] =	sst s2  }
0xb: {  	[smem:$0x3F9F] =	sst s3  }
0xc: {  	[smem:$0x3FA0] =	sst s4  }
0xd: {  	[smem:$0x3FA1] =	sst s5  }
0xe: {  	[smem:$0x3FA2] =	sst s6  }
0xf: {  	[smem:$0x3FA3] =	sst s7  }
0x10: {  	[smem:$0x3FA4] =	sst s8  }
0x11: {  	[smem:$0x3FA5] =	sst s9;
	s0 =	simm.s32 @!p0 $0x0  }
0x12: {  	s1 =	sld [smem:$0x3F8B];
	s0 =	simm.s32 @p0 $0x1  }
0x13: {  	[smem:$0x3FA6] =	sst s0;
	s0 =	simm.s32 @!p1 $0x0  }
0x14: {  	s2 =	sld [smem:$0x3F8A];
	s0 =	simm.s32 @p1 $0x1  }
0x15: {  	[smem:$0x3FA7] =	sst s0;
	s0 =	simm.s32 @!p2 $0x0  }
0x16: {  	s3 =	sld [smem:$0x3FDB];
	s0 =	simm.s32 @p2 $0x1  }
0x17: {  	s4 =	simm.s32 $0x1BF5;
	[smem:$0x3FA9] =	sst s0  }
0x18: {  	s0 =	sld [smem:$0x3F8C];
	_ =	swait.ge [sflag:s4], $0x0  }
0x19: {  	s7 =	sld [smem:$0x3F8D]  }
0x1a: {  	s8 =	sadd.s32 $0xFFFFE003, lr  }
0x1b: {  	s9 =	sadd.s32 $0xFFFFFEF7, lr;
	s5 =	simm.s32 $0xFFFFFFFF;
	p2 =	slt.u32 s8, $0xFFFFF086  }
0x1c: {  	p1 =	slt.u32 s9, $0xF7A;
	s5 =	simm.s32 @!p2 $0x0  }
0x1d: {  	s5 =	simm.s32 @p1 $0x1;
	p0 =	seq.s32 s7, s2  }
0x1e: {  	s7 =	smul.u32 @!p0 $0xF7A, s2;
	p2 =	seq.s32 @!p0 s5, $0x0  }
0x1f: {  	s9 =	smul.u32 $0xF7A, s1;
	s8 =	simm.s32 @!p0 $0x1BF5;
	p2 =	por !p2, p0  }
0x20: {  	[sflag:s8] =	ssyncset.s32 @!p0 $0xFFFFF086;
	s6 =	sadd.s32 @!p0 s3, s7;
	s7 =	simm.s32 @!p0 $0x108  }
0x21: {  	s3 =	sadd.s32 s3, s9;
	s6 =	sadd.s32 @!p0 $0x88, s6;
	s7 =	simm.s32 @p2 $0x1082  }
0x22: {  	[simem:s7], [sflag:s8] =	dma.local @!p0 [hbm:s6], $0xF7A  }
0x23: {  	s9 =	sor.u32 $0xD0000000, s2;
	s6 =	simm.s32 $0x108;
	_ =	swait.ge @!p0 [sflag:s8], $0x0  }
0x24: {  	s3 =	sadd.s32 $0x88, s3;
	s6 =	simm.s32 @!p1 $0x1082;
	[sflag:s4] =	ssyncset.s32 $0xFFFFF086  }
0x25: {  	[simem:s6], [sflag:s4] =	dma.local [hbm:s3], $0xF7A  }
0x26: {  	[smem:$0x3F8D] =	sst s1;
	(tag) =	ssettag s2;
	_ =	strace s9  }
0x27: {  	s1 =	sld [smem:$0x3F9D]  }
0x28: {  	s2 =	sld [smem:$0x3F9E]  }
0x29: {  	s4 =	sld [smem:$0x3FA0]  }
0x2a: {  	p0 =	seq.s32 s5, $0x0;
	s5 =	sld [smem:$0x3FA1]  }
0x2b: {  	s6 =	sld [smem:$0x3FA2]  }
0x2c: {  	s7 =	sld [smem:$0x3FA3]  }
0x2d: {  	s3 =	simm.s32 $0x108;
	s8 =	sld [smem:$0x3FA4]  }
0x2e: {  	s3 =	simm.s32 @!p0 $0x1082;
	s9 =	sld [smem:$0x3FA5]  }
0x2f: {  	lr =	sadd.s32 s0, s3;
	s0 =	sld [smem:$0x3F9C]  }
0x30: {  	s3 =	sld [smem:$0x3F9F]  }
0x31: {  	[smem:$0x3FA8] =	sst s10  }
0x32: {  	s10 =	sld [smem:$0x3FA6];
	_ =	sdelay $0x3  }
0x33: {  	p0 =	seq.s32 s10, $0x1;
	s10 =	sld [smem:$0x3FA8];
	_ =	sdelay $0x3  }
0x34: {  	[smem:$0x3FA8] =	sst s10  }
0x35: {  	s10 =	sld [smem:$0x3FA7];
	_ =	sdelay $0x3  }
0x36: {  	p1 =	seq.s32 s10, $0x1;
	s10 =	sld [smem:$0x3FA8];
	_ =	sdelay $0x3  }
0x37: {  	[smem:$0x3FA8] =	sst s10  }
0x38: {  	s10 =	sld [smem:$0x3FA9]  }
0x39: {  	_ = 	snop;
	(pc) =	sbr.ind lr, $3  }
0x3a: {  	_ = 	snop  }
0x3b: {  	_ = 	snop  }
0x3c: {  	p2 =	seq.s32 s10, $0x1;
	s10 =	sld [smem:$0x3FA8]  }
0x3d: {  	_ =	shalt  }
0x3e: {  	_ =	shalt  }
0x3f: {  	_ =	shalt  }
0x40: {  	_ =	shalt  }
0x41: {  	_ =	shalt  }
0x42: {  	_ =	shalt  }
0x43: {  	_ =	shalt  }
0x44: {  	_ =	shalt  }
0x45: {  	_ =	shalt  }
0x46: {  	_ =	shalt  }
0x47: {  	_ =	shalt  }
0x48: {  	_ =	shalt  }
0x49: {  	_ =	shalt  }
0x4a: {  	_ =	shalt  }
0x4b: {  	_ =	shalt  }
0x4c: {  	_ =	shalt  }
0x4d: {  	_ =	shalt  }
0x4e: {  	_ =	shalt  }
0x4f: {  	_ =	shalt  }
0x50: {  	_ =	shalt  }
0x51: {  	_ =	shalt  }
0x52: {  	_ =	shalt  }
0x53: {  	_ =	shalt  }
0x54: {  	_ =	shalt  }
0x55: {  	_ =	shalt  }
0x56: {  	_ =	shalt  }
0x57: {  	_ =	shalt  }
0x58: {  	_ =	shalt  }
0x59: {  	_ =	shalt  }
0x5a: {  	_ =	shalt  }
0x5b: {  	_ =	shalt  }
0x5c: {  	_ =	shalt  }
0x5d: {  	_ =	shalt  }
0x5e: {  	_ =	shalt  }
0x5f: {  	_ =	shalt  }
0x60: {  	_ =	shalt  }
0x61: {  	_ =	shalt  }
0x62: {  	_ =	shalt  }
0x63: {  	_ =	shalt  }
0x64: {  	_ =	shalt  }
0x65: {  	_ =	shalt  }
0x66: {  	_ =	shalt  }
0x67: {  	_ =	shalt  }
0x68: {  	_ =	shalt  }
0x69: {  	_ =	shalt  }
0x6a: {  	_ =	shalt  }
0x6b: {  	_ =	shalt  }
0x6c: {  	_ =	shalt  }
0x6d: {  	_ =	shalt  }
0x6e: {  	_ =	shalt  }
0x6f: {  	_ =	shalt  }
0x70: {  	_ =	shalt  }
0x71: {  	_ =	shalt  }
0x72: {  	_ =	shalt  }
0x73: {  	_ =	shalt  }
0x74: {  	_ =	shalt  }
0x75: {  	_ =	shalt  }
0x76: {  	_ =	shalt  }
0x77: {  	_ =	shalt  }
0x78: {  	_ =	shalt  }
0x79: {  	_ =	shalt  }
0x7a: {  	_ =	shalt  }
0x7b: {  	_ =	shalt  }
0x7c: {  	_ =	shalt  }
0x7d: {  	_ =	shalt  }
0x7e: {  	_ =	shalt  }
0x7f: {  	_ =	shalt  }
0x80: {  	_ =	shalt  }
0x81: {  	_ =	shalt  }
0x82: {  	_ =	shalt  }
0x83: {  	_ =	shalt  }
0x84: {  	_ =	shalt  }
0x85: {  	_ =	shalt  }
0x86: {  	_ =	shalt  }
0x87: {  	_ =	shalt  }
.Lfunc_end0:
.L_simem_size_0:
called_computation_lowered:
.L_overlay_start_0:
0x88: {  	s2 =	sld [smem:$0x3FD9]  }
0x89: {  	s3 =	sld [smem:$0x3FFE];
	_ =	sdelay $0x1  }
0x8a: {  	s1 =	srdreg.scid  }
0x8b: {  	s0 =	sand.u32 $0x1, s1  }
0x8c: {  	s16 =	sshll.u32 s0, $0xA;
	s2 =	sadd.s32 s3, s2  }
0x8d: {  	s2 =	sadd.s32 s2, s16  }
0x8e: {  	[smem:$0x3FB4] =	sst s2  }
0x8f: {  	_ = 	snop  }
0x90: {  	(tm) =	ssettm $0x1  }
0x91: {  	s17 =	sld [smem:$0x3FFB];
	_ =	sdelay $0x3  }
0x92: {  	_ =	strace s17  }
0x93: {  	s2 =	sld [smem:$0x3FFC];
	_ =	sdelay $0x3  }
0x94: {  	_ =	strace s2  }
0x95: {  	s2 =	sld [smem:$0x3FFD];
	_ =	sdelay $0x3  }
0x96: {  	_ =	strace s2  }
0x97: {  	_ =	strace $0x8FFFFFFF  }
0x98: {  	s18 =	sld [smem:$0x3FDB];
	_ =	sdelay $0x1  }
0x99: {  	s19 =	simm.s32 $_scs_section_size  }
0x9a: {  	s4 =	simm.s32 $_size__tile_overlayer_lowered;
	s5 =	simm.s32 $_tile_overlayer_lowered  }
0x9b: {  	s22 =	simm.s32 $0x1BFF;
	s21 =	sshll.u32 s5, $0x1;
	s2 =	sadd.s32 s19, s18  }
0x9c: {  	s6 =	simm.s32 $0x0;
	s20 =	sshll.u32 s4, $0x1;
	s4 =	sadd.s32 s21, s2  }
0x9d: {  	[timem:s6], [sflag:s22] =	dma.local [hbm:s4], s20  }
0x9e: {  	_ =	swait.ge [sflag:s22], s20  }
0x9f: {  	s3 =	ssub.s32 $0x0, s20;
	[sflag:s22] =	ssyncset.done $0x0  }
0xa0: {  	[sflag:s22] =	ssyncadd.s32 s3;
	_ =	sdelay $0x1  }
0xa1: {  	s23 =	simm.s32 $0x1B8B  }
0xa2: {  	_ =	swait.ge [sflag:s23], $0x1  }
0xa3: {  	[sflag:s23] =	ssyncset.done $0x0  }
0xa4: {  	s25 =	simm.s32 $0x1B8E;
	s24 =	sld [smem:$0x3FFE];
	[sflag:s23] =	ssyncadd.s32 $0xFFFFFFFF  }
0xa5: {  	s26 =	simm.s32 $execute0_lowered;
	[smem:$0x3FD2] =	sst s25  }
0xa6: {  	s4 =	sshll.u32 s26, $0x1;
	_ =	strace $0x8000004F;
	[dreg:$0x1] =	wrdreg $0xFFFFFFFF  }
0xa7: {  	s28 =	simm.s32 $_size_execute0_lowered;
	s2 =	sadd.s32 s2, s4;
	[dreg:$0x0] =	wrdreg $0x0  }
0xa8: {  	s4 =	sshll.u32 s28, $0x1;
	[dreg:$0x2] =	wrdreg s2  }
0xa9: {  	[dreg:$0x3] =	wrdreg s4  }
0xaa: {  	[dreg:$0x4] =	wrdreg $0xC0  }
0xab: {  	_ =	task [dreg:s6], $0x5FFFF  }
0xac: {  	[dreg:$0x1] =	wrdreg $0xFFFFFFFF  }
0xad: {  	[dreg:$0x0] =	wrdreg $0x60  }
0xae: {  	[dreg:$0x2] =	wrdreg s24  }
0xaf: {  	[dreg:$0x3] =	wrdreg s1  }
0xb0: {  	[dreg:$0x4] =	wrdreg $0x9  }
0xb1: {  	_ =	task.clear_ibuf [dreg:s6], $0x5FFFF;
	_ =	strace $0x9000004F  }
0xb2: {  	s29 =	simm.s32 $0x9;
	_ =	strace $0x80000051  }
0xb3: {  	_ =	swait.ge [sflag:s29], $0x1  }
0xb4: {  	[sflag:s29] =	ssyncadd.s32 $0xFFFFFFFF  }
0xb5: {  	_ =	strace $0x90000051  }
0xb6: {  	_ =	sfence  }
0xb7: {  	s30 =	sld [smem:$0x0];
	_ =	sdelay $0x2  }
0xb8: {  	s31 =	sshll.u32 s1, $0xD;
	s1 =	sshrl.u32 s1, $0x2  }
0xb9: {  	s3 =	sand.u32 $0x4000, s31;
	s1 =	sadd.s32 s1, s30  }
0xba: {  	s0 =	sor.u32 s3, s0;
	s1 =	sshll.u32 s1, $0x11  }
0xbb: {  	s0 =	sor.u32 s1, s0  }
0xbc: {  	s0 =	sadd.s32 $0x8F2B, s0  }
0xbd: {  	[sflag:s0] =	ssyncadd.remote.s32 $0x1  }
0xbe: {  	_ =	sfence.sel $0xFFFF  }
0xbf: {  	[dreg:$0x0] =	wrdreg $0xFFFFFFFF;
	(pc) =	sbr.abs _section_cstart, $3  }
0xc0: {  	[dreg:$0x1] =	wrdreg $0xFFFFFFFF  }
0xc1: {  	_ =	task.clear_ibuf [dreg:s6], $0x2FFFF;
	_ =	strace $0x9FFFFFFF  }
0xc2: {  	(tm) =	ssettm $0x7FFFFFFF  }
0xc3: {  	_ =	shalt  }
tec
execute0_lowered:
.L_overlay_start_1:
0x0: {  	(tag) =	ssettag $0x1  }
0x1: {  	s6 =	rddreg [dreg:$0x0]  }
0x2: {  	s1 =	rddreg [dreg:$0x1]  }
0x3: {  	s0 =	rddreg [dreg:$0x2];
	_ =	strace $0x80000050  }
0x4: {  	s9 =	simm.s32 $0x12C000;
	s4 =	simm.s32 $0x3E;
	s1 =	sand.u32 $0x1, s1  }
0x5: {  	s3 =	stileid.u32;
	[sflag:s4] =	ssyncpa.u1 $0x0;
	p0 =	seq.s32 s1, $0x1  }
0x6: {  	s28 =	smul.u32 $0x6, s3;
	s9 =	simm.s32 @!p0 $0x0;
	p0 =	sne.s32 s3, $0x0  }
0x7: {  	s29 =	smin.u32 s3, $0x4;
	s1 =	sadd.s32 $0x3BAA00, s6;
	s2 =	sshrl.u32 @!p0 s9, $0x3  }
0x8: {  	s5 =	simm.s32 @!p0 $0x0;
	s1 =	sadd.s32 @!p0 s2, s1;
	s2 =	simm.s32 @!p0 $0x1C3E  }
0x9: {  	[spmem:s5], [sflag:s2] =	dma.local @!p0 [hbm:s1], $0x25800  }
0xa: {  	s2 =	sadd.s32 s29, s28  }
0xb: {  	p1 =	slt.u32 s3, $0x4;
	s3 =	simm.s32 $0xDAC0;
	s2 =	smul.u32 $0x1F40, s2  }
0xc: {  	s3 =	simm.s32 @!p1 $0xBB80  }
0xd: {  	s3 =	sadd.s32 s3, s2  }
0xe: {  	s3 =	smin.u32 s3, $0xC3500  }
0xf: {  	s8 =	ssub.s32 s3, s2  }
0x10: {  	p1 =	sgt.s32 s8, $0x0  }
0x11: {  	s8 =	simm.s32 @!p1 $0x0  }
0x12: {  	s5 =	simm.s32 @!p0 $0x3E;
	s30 =	smulhi.u32 $0x10624DD3, s8  }
0x13: {  	s7 =	simm.s32 $0x2;
	_ =	swait.ge @!p0 [sflag:s5], $0x25800  }
0x14: {  	s31 =	sadd.s32 $0x12C000, s9;
	[sflag:s5] =	ssyncset.done @!p0 $0x0;
	s10 =	sshrl.u32 s30, $0x9  }
0x15: {  	v0 =	vmov s9;
	s9 =	simm.s32 $0x0;
	[sflag:s5] =	ssyncadd.s32 @!p0 $0xFFFDA800;
	s11 =	smul.u32 $0x1F40, s10  }
.Ltmp0:
0x16: {  	s5 =	sadd.s32 $0x34E00, s6;
	[bflag:$0x0] =	sbarrier.arrive $0xFFFF;
	(pc) =	sbr.rel .LBB2_1-.Ltmp0, $4  }
0x17: {  	s6 =	sadd.s32 $0x1C600, s6;
	[sflag:s4] =	ssyncpa.u1 $0x1;
	s4 =	simm.s32 $0x1  }
0x18: {  	[sflag:s4] =	ssyncpa.u1 $0x0;
	p1 =	sne.s32 s8, s11;
	s8 =	simm.s32 $0x1  }
0x19: {  	(ifvalue) =	ssetifvalue $0x12C000;
	[sflag:s7] =	ssyncpa.u1 $0x0;
	s8 =	simm.s32 @!p1 $0x0  }
0x1a: {  	vm0 =	vmmov $0xffff;
	v1 =	vmov s31;
	s11 =	simm.s32 $0x0;
	s8 =	sadd.s32 s8, s10;
	s10 =	smov.u32 s2  }
.LBB2_5:
0x1b: {  	p2 =	sne.s32 s11, s8  }
.Ltmp1:
0x1c: {  	_ = 	snop;
	(pc) =	sbr.rel @!p2 .LBB2_6-.Ltmp1, $4  }
0x1d: {  	_ = 	snop  }
0x1e: {  	s12 =	sadd.s32 $0x1F40, s10  }
0x1f: {  	s10 =	smov.u32 s2;
	s13 =	sadd.s32 $0x1, s11;
	p1 =	slt.s32 s12, s3  }
0x20: {  	s11 =	smov.u32 s13;
	s10 =	smov.u32 @p1 s12  }
.LBB2_1:
0x21: {  	p1 =	sge.u32 s11, s8  }
0x22: {  	s12 =	sxor.u32 @!p1 $0xFFFFFFFF, s11  }
0x23: {  	s12 =	sand.u32 @!p1 $0x1, s12  }
0x24: {  	s12 =	smul.u32 @!p1 $0x1F40, s12  }
0x25: {  	s13 =	sshrl.u32 @!p1 s10, $0x3  }
0x26: {  	s16 =	sand.u32 @!p1 $0x7, s10;
	s14 =	sadd.s32 @!p1 s5, s13;
	s15 =	sadd.s32 @!p1 $0x12C00, s12  }
0x27: {  	[tilespmem:s15], [sflag:$0x2] =	stream.linear.gather @!p1 [hbm4b:s14+s16], $0x1F40, $0x38;
	[tilespmem:$0x1A900] =	vst v63  }
0x28: {  	s13 =	sadd.s32 @!p1 s6, s13;
	s12 =	sadd.s32 @!p1 $0x16A80, s12  }
0x29: {  	[tilespmem:s12], [sflag:$0x2] =	stream.linear.gather @!p1 [hbm4b:s13+s16], $0x1F40, $0x38;
	[tilespmem:$0x1A900] =	vst v63  }
0x2a: {  	p1 =	seq.s32 s11, $0x0  }
.Ltmp2:
0x2b: {  	_ = 	snop;
	(pc) =	sbr.rel @p1 .LBB2_5-.Ltmp2, $1  }
0x2c: {  	_ =	sdelay $0x3  }
0x2d: {  	s12 =	sand.u32 $0x1, s11  }
0x2e: {  	_ =	swait.ge [sflag:s7], $0x3E80;
	p1 =	seq.s32 s12, $0x1;
	s12 =	simm.s32 $0x1F40  }
0x2f: {  	[sflag:s7] =	ssyncset.done $0x0;
	s12 =	simm.s32 @!p1 $0x0  }
0x30: {  	[sflag:s7] =	ssyncadd.s32 $0xFFFFC180;
	s14 =	sadd.s32 $0x12C00, s12  }
0x31: {  	v2 =	vld.msk [tilespmem:s14+$0x0 ss:$0x1], $0xffff;
	_ =	sdelay $0x4  }
0x32: {  	vm1 =	vge.s32 v2, v0;
	vm2 =	vlt.s32 v2, v1  }
0x33: {  	v2 =	vsub.s32 v2, v0;
	vm1 =	vmand vm1, vm2  }
0x34: {  	v2 =	vnsel vm1, $0x12C000, v2;
	_ =	sdelay $0x3  }
0x35: {  	s13 =	simm.s32 $0x0;
	s12 =	sadd.s32 $0x16A80, s12;
	s14 =	sadd.s32 $0x10, s14  }
0x36: {  	[spmem:s9] =	stream.indirect_vreg.scatter.add.s32 [tilespmem:s12], [sflag:$0x1], $0x1, v2, vm0, $0x4038;
	[tilespmem:$0x1A900] =	vst v63  }
.LBB2_3:
0x37: {  	v2 =	vld.msk [tilespmem:s14+$0x0 ss:$0x1], $0xffff;
	s13 =	sadd.s32 $0x10, s13  }
0x38: {  	p1 =	slt.u32 s13, $0x1F30;
	_ =	sdelay $0x4  }
0x39: {  	vm1 =	vge.s32 v2, v0;
	vm2 =	vlt.s32 v2, v1  }
0x3a: {  	v2 =	vsub.s32 v2, v0;
	vm1 =	vmand vm1, vm2  }
0x3b: {  	v2 =	vnsel vm1, $0x12C000, v2  }
.Ltmp3:
0x3c: {  	(pc) =	sbr.rel @p1 .LBB2_3-.Ltmp3, $3  }
0x3d: {  	_ =	sdelay $0x1  }
0x3e: {  	s14 =	sadd.s32 $0x10, s14;
	s12 =	sadd.s32 $0x10, s12  }
0x3f: {  	[spmem:s9] =	stream.indirect_vreg.scatter.add.s32 [tilespmem:s12], [sflag:$0x1], $0x1, v2, vm0, $0x4038;
	[tilespmem:$0x1A900] =	vst v63  }
.Ltmp4:
0x40: {  	(pc) =	sbr.rel .LBB2_5-.Ltmp4, $4  }
0x41: {  	_ = 	snop  }
0x42: {  	_ =	swait.ge [sflag:s4], $0x1F40  }
0x43: {  	[sflag:s4] =	ssyncset.done $0x0  }
0x44: {  	[sflag:s4] =	ssyncadd.s32 $0xFFFFE0C0  }
.LBB2_6:
0x45: {  	_ =	sfence.sel $0x180000  }
0x46: {  	s2 =	simm.s32 $0x2;
	[bflag:$0x0] =	sbarrier.arrive $0xFFFF  }
0x47: {  	s30 =	simm.s32 $0x1;
	[sflag:s2] =	ssyncpa.u1 $0x1  }
0x48: {  	[sflag:s30] =	ssyncpa.u1 $0x1  }
0x49: {  	_ =	sfence.stream.spmem  }
0x4a: {  	s31 =	simm.s32 $0x3D;
	[bflag:$0x0] =	sbarrier.arrive $0xFFFF  }
0x4b: {  	s2 =	simm.s32 @p0 $0x3D;
	[sflag:s31] =	ssyncpa.u1 $0x0  }
0x4c: {  	[sflag:s2] =	ssyncpa.u1 @p0 $0x1  }
0x4d: {  	[bflag:$0x0] =	sbarrier.arrive @p0 $0xFFFF  }
0x4e: {  	_ =	strace @p0 $0x90000050  }
0x4f: {  	s3 =	simm.s32 @!p0 $0x1C3D;
	s2 =	simm.s32 @!p0 $0x0;
	[bflag:$0x2] =	sbarrier.arrive @p0 $0xFFFF  }
0x50: {  	[hbm:s1], [sflag:s3] =	dma.local @!p0 [spmem:s2], $0x25800  }
0x51: {  	s1 =	simm.s32 @!p0 $0x3D  }
0x52: {  	_ =	swait.ge @!p0 [sflag:s1], $0x25800  }
0x53: {  	[sflag:s1] =	ssyncset.done @!p0 $0x0  }
0x54: {  	[sflag:s1] =	ssyncadd.s32 @!p0 $0xFFFDA800  }
0x55: {  	[sflag:s1] =	ssyncpa.u1 @!p0 $0x1  }
0x56: {  	[bflag:$0x0] =	sbarrier.arrive @!p0 $0xFFFF  }
0x57: {  	_ =	strace @!p0 $0x90000050  }
0x58: {  	s0 =	sadd.s32 @!p0 $0x100000, s0;
	[bflag:$0x2] =	sbarrier.arrive @!p0 $0xFFFF  }
0x59: {  	[sflag:s0] =	ssyncadd.tile.s32 @!p0 $0x1;
	_ =	shalt  }
.Lfunc_end2:
_tile_overlayer_lowered:
.L_overlay_start_2:
0x5a: {  	(tag) =	ssettag $0x2  }
0x5b: {  	s0 =	rddreg [dreg:$0x0];
	s2 =	stileid.u32  }
0x5c: {  	s1 =	rddreg [dreg:$0x1];
	p0 =	sne.s32 s2, $0x0  }
0x5d: {  	s3 =	rddreg [dreg:$0x2];
	[bflag:$0x3] =	sbarrier.arrive $0xFFFF;
	s2 =	simm.s32 @!p0 $0x1C01  }
0x5e: {  	[timem:s3], [sflag:s2] =	dma.local @!p0 [hbm:s0], s1  }
0x5f: {  	s0 =	simm.s32 @!p0 $0x1  }
0x60: {  	_ =	swait.ge @!p0 [sflag:s0], s1  }
0x61: {  	s1 =	ssub.s32 @!p0 $0x0, s1;
	[sflag:s0] =	ssyncset.done @!p0 $0x0  }
0x62: {  	[sflag:s0] =	ssyncadd.s32 @!p0 s1  }
0x63: {  	[bflag:$0x3] =	sbarrier.arrive $0xFFFF  }
0x64: {  	_ =	shalt  }

// kernel: scatter_offload_async_start.8
scs
__scs_entry_jumppad:
0x0: {  	(pc) =	sbr.rel $0x88, $3  }
0x1: {  	(tag) =	ssettag $0x0;
	lr =	simm.s32 $0x1  }
0x2: {  	[smem:$0x3F8D] =	sst lr;
	_ =	strace $0xD0000000  }
0x3: {  	_ = 	snop  }
0x4: {  	_ = 	snop  }
0x5: {  	_ = 	snop  }
0x6: {  	_ = 	snop  }
0x7: {  	_ = 	snop  }
__scs_overlays_trampoline_lowered:
0x8: {  	[smem:$0x3F9C] =	sst s0  }
0x9: {  	[smem:$0x3F9D] =	sst s1  }
0xa: {  	[smem:$0x3F9E] =	sst s2  }
0xb: {  	[smem:$0x3F9F] =	sst s3  }
0xc: {  	[smem:$0x3FA0] =	sst s4  }
0xd: {  	[smem:$0x3FA1] =	sst s5  }
0xe: {  	[smem:$0x3FA2] =	sst s6  }
0xf: {  	[smem:$0x3FA3] =	sst s7  }
0x10: {  	[smem:$0x3FA4] =	sst s8  }
0x11: {  	[smem:$0x3FA5] =	sst s9;
	s0 =	simm.s32 @!p0 $0x0  }
0x12: {  	s1 =	sld [smem:$0x3F8B];
	s0 =	simm.s32 @p0 $0x1  }
0x13: {  	[smem:$0x3FA6] =	sst s0;
	s0 =	simm.s32 @!p1 $0x0  }
0x14: {  	s2 =	sld [smem:$0x3F8A];
	s0 =	simm.s32 @p1 $0x1  }
0x15: {  	[smem:$0x3FA7] =	sst s0;
	s0 =	simm.s32 @!p2 $0x0  }
0x16: {  	s3 =	sld [smem:$0x3FDB];
	s0 =	simm.s32 @p2 $0x1  }
0x17: {  	s4 =	simm.s32 $0x1BF5;
	[smem:$0x3FA9] =	sst s0  }
0x18: {  	s0 =	sld [smem:$0x3F8C];
	_ =	swait.ge [sflag:s4], $0x0  }
0x19: {  	s7 =	sld [smem:$0x3F8D]  }
0x1a: {  	s8 =	sadd.s32 $0xFFFFE003, lr  }
0x1b: {  	s9 =	sadd.s32 $0xFFFFFEF7, lr;
	s5 =	simm.s32 $0xFFFFFFFF;
	p2 =	slt.u32 s8, $0xFFFFF086  }
0x1c: {  	p1 =	slt.u32 s9, $0xF7A;
	s5 =	simm.s32 @!p2 $0x0  }
0x1d: {  	s5 =	simm.s32 @p1 $0x1;
	p0 =	seq.s32 s7, s2  }
0x1e: {  	s7 =	smul.u32 @!p0 $0xF7A, s2;
	p2 =	seq.s32 @!p0 s5, $0x0  }
0x1f: {  	s9 =	smul.u32 $0xF7A, s1;
	s8 =	simm.s32 @!p0 $0x1BF5;
	p2 =	por !p2, p0  }
0x20: {  	[sflag:s8] =	ssyncset.s32 @!p0 $0xFFFFF086;
	s6 =	sadd.s32 @!p0 s3, s7;
	s7 =	simm.s32 @!p0 $0x108  }
0x21: {  	s3 =	sadd.s32 s3, s9;
	s6 =	sadd.s32 @!p0 $0x88, s6;
	s7 =	simm.s32 @p2 $0x1082  }
0x22: {  	[simem:s7], [sflag:s8] =	dma.local @!p0 [hbm:s6], $0xF7A  }
0x23: {  	s9 =	sor.u32 $0xD0000000, s2;
	s6 =	simm.s32 $0x108;
	_ =	swait.ge @!p0 [sflag:s8], $0x0  }
0x24: {  	s3 =	sadd.s32 $0x88, s3;
	s6 =	simm.s32 @!p1 $0x1082;
	[sflag:s4] =	ssyncset.s32 $0xFFFFF086  }
0x25: {  	[simem:s6], [sflag:s4] =	dma.local [hbm:s3], $0xF7A  }
0x26: {  	[smem:$0x3F8D] =	sst s1;
	(tag) =	ssettag s2;
	_ =	strace s9  }
0x27: {  	s1 =	sld [smem:$0x3F9D]  }
0x28: {  	s2 =	sld [smem:$0x3F9E]  }
0x29: {  	s4 =	sld [smem:$0x3FA0]  }
0x2a: {  	p0 =	seq.s32 s5, $0x0;
	s5 =	sld [smem:$0x3FA1]  }
0x2b: {  	s6 =	sld [smem:$0x3FA2]  }
0x2c: {  	s7 =	sld [smem:$0x3FA3]  }
0x2d: {  	s3 =	simm.s32 $0x108;
	s8 =	sld [smem:$0x3FA4]  }
0x2e: {  	s3 =	simm.s32 @!p0 $0x1082;
	s9 =	sld [smem:$0x3FA5]  }
0x2f: {  	lr =	sadd.s32 s0, s3;
	s0 =	sld [smem:$0x3F9C]  }
0x30: {  	s3 =	sld [smem:$0x3F9F]  }
0x31: {  	[smem:$0x3FA8] =	sst s10  }
0x32: {  	s10 =	sld [smem:$0x3FA6];
	_ =	sdelay $0x3  }
0x33: {  	p0 =	seq.s32 s10, $0x1;
	s10 =	sld [smem:$0x3FA8];
	_ =	sdelay $0x3  }
0x34: {  	[smem:$0x3FA8] =	sst s10  }
0x35: {  	s10 =	sld [smem:$0x3FA7];
	_ =	sdelay $0x3  }
0x36: {  	p1 =	seq.s32 s10, $0x1;
	s10 =	sld [smem:$0x3FA8];
	_ =	sdelay $0x3  }
0x37: {  	[smem:$0x3FA8] =	sst s10  }
0x38: {  	s10 =	sld [smem:$0x3FA9]  }
0x39: {  	_ = 	snop;
	(pc) =	sbr.ind lr, $3  }
0x3a: {  	_ = 	snop  }
0x3b: {  	_ = 	snop  }
0x3c: {  	p2 =	seq.s32 s10, $0x1;
	s10 =	sld [smem:$0x3FA8]  }
0x3d: {  	_ =	shalt  }
0x3e: {  	_ =	shalt  }
0x3f: {  	_ =	shalt  }
0x40: {  	_ =	shalt  }
0x41: {  	_ =	shalt  }
0x42: {  	_ =	shalt  }
0x43: {  	_ =	shalt  }
0x44: {  	_ =	shalt  }
0x45: {  	_ =	shalt  }
0x46: {  	_ =	shalt  }
0x47: {  	_ =	shalt  }
0x48: {  	_ =	shalt  }
0x49: {  	_ =	shalt  }
0x4a: {  	_ =	shalt  }
0x4b: {  	_ =	shalt  }
0x4c: {  	_ =	shalt  }
0x4d: {  	_ =	shalt  }
0x4e: {  	_ =	shalt  }
0x4f: {  	_ =	shalt  }
0x50: {  	_ =	shalt  }
0x51: {  	_ =	shalt  }
0x52: {  	_ =	shalt  }
0x53: {  	_ =	shalt  }
0x54: {  	_ =	shalt  }
0x55: {  	_ =	shalt  }
0x56: {  	_ =	shalt  }
0x57: {  	_ =	shalt  }
0x58: {  	_ =	shalt  }
0x59: {  	_ =	shalt  }
0x5a: {  	_ =	shalt  }
0x5b: {  	_ =	shalt  }
0x5c: {  	_ =	shalt  }
0x5d: {  	_ =	shalt  }
0x5e: {  	_ =	shalt  }
0x5f: {  	_ =	shalt  }
0x60: {  	_ =	shalt  }
0x61: {  	_ =	shalt  }
0x62: {  	_ =	shalt  }
0x63: {  	_ =	shalt  }
0x64: {  	_ =	shalt  }
0x65: {  	_ =	shalt  }
0x66: {  	_ =	shalt  }
0x67: {  	_ =	shalt  }
0x68: {  	_ =	shalt  }
0x69: {  	_ =	shalt  }
0x6a: {  	_ =	shalt  }
0x6b: {  	_ =	shalt  }
0x6c: {  	_ =	shalt  }
0x6d: {  	_ =	shalt  }
0x6e: {  	_ =	shalt  }
0x6f: {  	_ =	shalt  }
0x70: {  	_ =	shalt  }
0x71: {  	_ =	shalt  }
0x72: {  	_ =	shalt  }
0x73: {  	_ =	shalt  }
0x74: {  	_ =	shalt  }
0x75: {  	_ =	shalt  }
0x76: {  	_ =	shalt  }
0x77: {  	_ =	shalt  }
0x78: {  	_ =	shalt  }
0x79: {  	_ =	shalt  }
0x7a: {  	_ =	shalt  }
0x7b: {  	_ =	shalt  }
0x7c: {  	_ =	shalt  }
0x7d: {  	_ =	shalt  }
0x7e: {  	_ =	shalt  }
0x7f: {  	_ =	shalt  }
0x80: {  	_ =	shalt  }
0x81: {  	_ =	shalt  }
0x82: {  	_ =	shalt  }
0x83: {  	_ =	shalt  }
0x84: {  	_ =	shalt  }
0x85: {  	_ =	shalt  }
0x86: {  	_ =	shalt  }
0x87: {  	_ =	shalt  }
.Lfunc_end0:
.L_simem_size_0:
called_computation.1_lowered:
.L_overlay_start_0:
0x88: {  	s2 =	sld [smem:$0x3FD9]  }
0x89: {  	s3 =	sld [smem:$0x3FFE];
	_ =	sdelay $0x1  }
0x8a: {  	s1 =	srdreg.scid  }
0x8b: {  	s0 =	sand.u32 $0x1, s1  }
0x8c: {  	s16 =	sshll.u32 s0, $0xA;
	s2 =	sadd.s32 s3, s2  }
0x8d: {  	s2 =	sadd.s32 s2, s16  }
0x8e: {  	[smem:$0x3FB4] =	sst s2  }
0x8f: {  	_ = 	snop  }
0x90: {  	(tm) =	ssettm $0x1  }
0x91: {  	s17 =	sld [smem:$0x3FFB];
	_ =	sdelay $0x3  }
0x92: {  	_ =	strace s17  }
0x93: {  	s2 =	sld [smem:$0x3FFC];
	_ =	sdelay $0x3  }
0x94: {  	_ =	strace s2  }
0x95: {  	s2 =	sld [smem:$0x3FFD];
	_ =	sdelay $0x3  }
0x96: {  	_ =	strace s2  }
0x97: {  	_ =	strace $0x8FFFFFFF  }
0x98: {  	s18 =	sld [smem:$0x3FDB];
	_ =	sdelay $0x1  }
0x99: {  	s19 =	simm.s32 $_scs_section_size  }
0x9a: {  	s4 =	simm.s32 $_size__tile_overlayer_lowered;
	s5 =	simm.s32 $_tile_overlayer_lowered  }
0x9b: {  	s22 =	simm.s32 $0x1BFF;
	s21 =	sshll.u32 s5, $0x1;
	s2 =	sadd.s32 s19, s18  }
0x9c: {  	s6 =	simm.s32 $0x0;
	s20 =	sshll.u32 s4, $0x1;
	s4 =	sadd.s32 s21, s2  }
0x9d: {  	[timem:s6], [sflag:s22] =	dma.local [hbm:s4], s20  }
0x9e: {  	_ =	swait.ge [sflag:s22], s20  }
0x9f: {  	s3 =	ssub.s32 $0x0, s20;
	[sflag:s22] =	ssyncset.done $0x0  }
0xa0: {  	[sflag:s22] =	ssyncadd.s32 s3;
	_ =	sdelay $0x1  }
0xa1: {  	s23 =	simm.s32 $0x1B8B  }
0xa2: {  	_ =	swait.ge [sflag:s23], $0x1  }
0xa3: {  	[sflag:s23] =	ssyncset.done $0x0  }
0xa4: {  	s25 =	simm.s32 $0x1B8E;
	s24 =	sld [smem:$0x3FFE];
	[sflag:s23] =	ssyncadd.s32 $0xFFFFFFFF  }
0xa5: {  	s26 =	simm.s32 $execute0_lowered;
	[smem:$0x3FD2] =	sst s25  }
0xa6: {  	s4 =	sshll.u32 s26, $0x1;
	_ =	strace $0x80000055;
	[dreg:$0x1] =	wrdreg $0xFFFFFFFF  }
0xa7: {  	s28 =	simm.s32 $_size_execute0_lowered;
	s2 =	sadd.s32 s2, s4;
	[dreg:$0x0] =	wrdreg $0x0  }
0xa8: {  	s4 =	sshll.u32 s28, $0x1;
	[dreg:$0x2] =	wrdreg s2  }
0xa9: {  	[dreg:$0x3] =	wrdreg s4  }
0xaa: {  	[dreg:$0x4] =	wrdreg $0xC0  }
0xab: {  	_ =	task [dreg:s6], $0x5FFFF  }
0xac: {  	[dreg:$0x1] =	wrdreg $0xFFFFFFFF  }
0xad: {  	[dreg:$0x0] =	wrdreg $0x60  }
0xae: {  	[dreg:$0x2] =	wrdreg s24  }
0xaf: {  	[dreg:$0x3] =	wrdreg s1  }
0xb0: {  	[dreg:$0x4] =	wrdreg $0x9  }
0xb1: {  	_ =	task.clear_ibuf [dreg:s6], $0x5FFFF;
	_ =	strace $0x90000055  }
0xb2: {  	s29 =	simm.s32 $0x9;
	_ =	strace $0x80000057  }
0xb3: {  	_ =	swait.ge [sflag:s29], $0x1  }
0xb4: {  	[sflag:s29] =	ssyncadd.s32 $0xFFFFFFFF  }
0xb5: {  	_ =	strace $0x90000057  }
0xb6: {  	_ =	sfence  }
0xb7: {  	s30 =	sld [smem:$0x0];
	_ =	sdelay $0x2  }
0xb8: {  	s31 =	sshll.u32 s1, $0xD;
	s1 =	sshrl.u32 s1, $0x2  }
0xb9: {  	s3 =	sand.u32 $0x4000, s31;
	s1 =	sadd.s32 s1, s30  }
0xba: {  	s0 =	sor.u32 s3, s0;
	s1 =	sshll.u32 s1, $0x11  }
0xbb: {  	s0 =	sor.u32 s1, s0  }
0xbc: {  	s0 =	sadd.s32 $0x8F2B, s0  }
0xbd: {  	[sflag:s0] =	ssyncadd.remote.s32 $0x1  }
0xbe: {  	_ =	sfence.sel $0xFFFF  }
0xbf: {  	[dreg:$0x0] =	wrdreg $0xFFFFFFFF;
	(pc) =	sbr.abs _section_cstart, $3  }
0xc0: {  	[dreg:$0x1] =	wrdreg $0xFFFFFFFF  }
0xc1: {  	_ =	task.clear_ibuf [dreg:s6], $0x2FFFF;
	_ =	strace $0x9FFFFFFF  }
0xc2: {  	(tm) =	ssettm $0x7FFFFFFF  }
0xc3: {  	_ =	shalt  }
tec
execute0_lowered:
.L_overlay_start_1:
0x0: {  	(tag) =	ssettag $0x1  }
0x1: {  	s6 =	rddreg [dreg:$0x0]  }
0x2: {  	s1 =	rddreg [dreg:$0x1]  }
0x3: {  	s0 =	rddreg [dreg:$0x2];
	_ =	strace $0x80000056  }
0x4: {  	s9 =	simm.s32 $0x12C000;
	s4 =	simm.s32 $0x3E;
	s1 =	sand.u32 $0x1, s1  }
0x5: {  	s3 =	stileid.u32;
	[sflag:s4] =	ssyncpa.u1 $0x0;
	p0 =	seq.s32 s1, $0x1  }
0x6: {  	s28 =	smul.u32 $0x6, s3;
	s9 =	simm.s32 @!p0 $0x0;
	p0 =	sne.s32 s3, $0x0  }
0x7: {  	s29 =	smin.u32 s3, $0x4;
	s1 =	sadd.s32 $0x28EA00, s6;
	s2 =	sshrl.u32 @!p0 s9, $0x3  }
0x8: {  	s5 =	simm.s32 @!p0 $0x0;
	s1 =	sadd.s32 @!p0 s2, s1;
	s2 =	simm.s32 @!p0 $0x1C3E  }
0x9: {  	[spmem:s5], [sflag:s2] =	dma.local @!p0 [hbm:s1], $0x25800  }
0xa: {  	s2 =	sadd.s32 s29, s28  }
0xb: {  	p1 =	slt.u32 s3, $0x4;
	s3 =	simm.s32 $0xDAC0;
	s2 =	smul.u32 $0x1F40, s2  }
0xc: {  	s3 =	simm.s32 @!p1 $0xBB80  }
0xd: {  	s3 =	sadd.s32 s3, s2  }
0xe: {  	s3 =	smin.u32 s3, $0xC3500  }
0xf: {  	s8 =	ssub.s32 s3, s2  }
0x10: {  	p1 =	sgt.s32 s8, $0x0  }
0x11: {  	s8 =	simm.s32 @!p1 $0x0  }
0x12: {  	s5 =	simm.s32 @!p0 $0x3E;
	s30 =	smulhi.u32 $0x10624DD3, s8  }
0x13: {  	s7 =	simm.s32 $0x2;
	_ =	swait.ge @!p0 [sflag:s5], $0x25800  }
0x14: {  	s31 =	sadd.s32 $0x12C000, s9;
	[sflag:s5] =	ssyncset.done @!p0 $0x0;
	s10 =	sshrl.u32 s30, $0x9  }
0x15: {  	v0 =	vmov s9;
	s9 =	simm.s32 $0x0;
	[sflag:s5] =	ssyncadd.s32 @!p0 $0xFFFDA800;
	s11 =	smul.u32 $0x1F40, s10  }
.Ltmp0:
0x16: {  	s5 =	sadd.s32 $0x4D800, s6;
	[bflag:$0x0] =	sbarrier.arrive $0xFFFF;
	(pc) =	sbr.rel .LBB2_1-.Ltmp0, $4  }
0x17: {  	s6 =	sadd.s32 $0x1C600, s6;
	[sflag:s4] =	ssyncpa.u1 $0x1;
	s4 =	simm.s32 $0x1  }
0x18: {  	[sflag:s4] =	ssyncpa.u1 $0x0;
	p1 =	sne.s32 s8, s11;
	s8 =	simm.s32 $0x1  }
0x19: {  	(ifvalue) =	ssetifvalue $0x12C000;
	[sflag:s7] =	ssyncpa.u1 $0x0;
	s8 =	simm.s32 @!p1 $0x0  }
0x1a: {  	vm0 =	vmmov $0xffff;
	v1 =	vmov s31;
	s11 =	simm.s32 $0x0;
	s8 =	sadd.s32 s8, s10;
	s10 =	smov.u32 s2  }
.LBB2_5:
0x1b: {  	p2 =	sne.s32 s11, s8  }
.Ltmp1:
0x1c: {  	_ = 	snop;
	(pc) =	sbr.rel @!p2 .LBB2_6-.Ltmp1, $4  }
0x1d: {  	_ = 	snop  }
0x1e: {  	s12 =	sadd.s32 $0x1F40, s10  }
0x1f: {  	s10 =	smov.u32 s2;
	s13 =	sadd.s32 $0x1, s11;
	p1 =	slt.s32 s12, s3  }
0x20: {  	s11 =	smov.u32 s13;
	s10 =	smov.u32 @p1 s12  }
.LBB2_1:
0x21: {  	p1 =	sge.u32 s11, s8  }
0x22: {  	s12 =	sxor.u32 @!p1 $0xFFFFFFFF, s11  }
0x23: {  	s12 =	sand.u32 @!p1 $0x1, s12  }
0x24: {  	s12 =	smul.u32 @!p1 $0x1F40, s12  }
0x25: {  	s13 =	sshrl.u32 @!p1 s10, $0x3  }
0x26: {  	s16 =	sand.u32 @!p1 $0x7, s10;
	s14 =	sadd.s32 @!p1 s5, s13;
	s15 =	sadd.s32 @!p1 $0x12C00, s12  }
0x27: {  	[tilespmem:s15], [sflag:$0x2] =	stream.linear.gather @!p1 [hbm4b:s14+s16], $0x1F40, $0x38;
	[tilespmem:$0x1A900] =	vst v63  }
0x28: {  	s13 =	sadd.s32 @!p1 s6, s13;
	s12 =	sadd.s32 @!p1 $0x16A80, s12  }
0x29: {  	[tilespmem:s12], [sflag:$0x2] =	stream.linear.gather @!p1 [hbm4b:s13+s16], $0x1F40, $0x38;
	[tilespmem:$0x1A900] =	vst v63  }
0x2a: {  	p1 =	seq.s32 s11, $0x0  }
.Ltmp2:
0x2b: {  	_ = 	snop;
	(pc) =	sbr.rel @p1 .LBB2_5-.Ltmp2, $1  }
0x2c: {  	_ =	sdelay $0x3  }
0x2d: {  	s12 =	sand.u32 $0x1, s11  }
0x2e: {  	_ =	swait.ge [sflag:s7], $0x3E80;
	p1 =	seq.s32 s12, $0x1;
	s12 =	simm.s32 $0x1F40  }
0x2f: {  	[sflag:s7] =	ssyncset.done $0x0;
	s12 =	simm.s32 @!p1 $0x0  }
0x30: {  	[sflag:s7] =	ssyncadd.s32 $0xFFFFC180;
	s14 =	sadd.s32 $0x12C00, s12  }
0x31: {  	v2 =	vld.msk [tilespmem:s14+$0x0 ss:$0x1], $0xffff;
	_ =	sdelay $0x4  }
0x32: {  	vm1 =	vge.s32 v2, v0;
	vm2 =	vlt.s32 v2, v1  }
0x33: {  	v2 =	vsub.s32 v2, v0;
	vm1 =	vmand vm1, vm2  }
0x34: {  	v2 =	vnsel vm1, $0x12C000, v2;
	_ =	sdelay $0x3  }
0x35: {  	s13 =	simm.s32 $0x0;
	s12 =	sadd.s32 $0x16A80, s12;
	s14 =	sadd.s32 $0x10, s14  }
0x36: {  	[spmem:s9] =	stream.indirect_vreg.scatter.add.s32 [tilespmem:s12], [sflag:$0x1], $0x1, v2, vm0, $0x4038;
	[tilespmem:$0x1A900] =	vst v63  }
.LBB2_3:
0x37: {  	v2 =	vld.msk [tilespmem:s14+$0x0 ss:$0x1], $0xffff;
	s13 =	sadd.s32 $0x10, s13  }
0x38: {  	p1 =	slt.u32 s13, $0x1F30;
	_ =	sdelay $0x4  }
0x39: {  	vm1 =	vge.s32 v2, v0;
	vm2 =	vlt.s32 v2, v1  }
0x3a: {  	v2 =	vsub.s32 v2, v0;
	vm1 =	vmand vm1, vm2  }
0x3b: {  	v2 =	vnsel vm1, $0x12C000, v2  }
.Ltmp3:
0x3c: {  	(pc) =	sbr.rel @p1 .LBB2_3-.Ltmp3, $3  }
0x3d: {  	_ =	sdelay $0x1  }
0x3e: {  	s14 =	sadd.s32 $0x10, s14;
	s12 =	sadd.s32 $0x10, s12  }
0x3f: {  	[spmem:s9] =	stream.indirect_vreg.scatter.add.s32 [tilespmem:s12], [sflag:$0x1], $0x1, v2, vm0, $0x4038;
	[tilespmem:$0x1A900] =	vst v63  }
.Ltmp4:
0x40: {  	(pc) =	sbr.rel .LBB2_5-.Ltmp4, $4  }
0x41: {  	_ = 	snop  }
0x42: {  	_ =	swait.ge [sflag:s4], $0x1F40  }
0x43: {  	[sflag:s4] =	ssyncset.done $0x0  }
0x44: {  	[sflag:s4] =	ssyncadd.s32 $0xFFFFE0C0  }
.LBB2_6:
0x45: {  	_ =	sfence.sel $0x180000  }
0x46: {  	s2 =	simm.s32 $0x2;
	[bflag:$0x0] =	sbarrier.arrive $0xFFFF  }
0x47: {  	s30 =	simm.s32 $0x1;
	[sflag:s2] =	ssyncpa.u1 $0x1  }
0x48: {  	[sflag:s30] =	ssyncpa.u1 $0x1  }
0x49: {  	_ =	sfence.stream.spmem  }
0x4a: {  	s31 =	simm.s32 $0x3D;
	[bflag:$0x0] =	sbarrier.arrive $0xFFFF  }
0x4b: {  	s2 =	simm.s32 @p0 $0x3D;
	[sflag:s31] =	ssyncpa.u1 $0x0  }
0x4c: {  	[sflag:s2] =	ssyncpa.u1 @p0 $0x1  }
0x4d: {  	[bflag:$0x0] =	sbarrier.arrive @p0 $0xFFFF  }
0x4e: {  	_ =	strace @p0 $0x90000056  }
0x4f: {  	s3 =	simm.s32 @!p0 $0x1C3D;
	s2 =	simm.s32 @!p0 $0x0;
	[bflag:$0x2] =	sbarrier.arrive @p0 $0xFFFF  }
0x50: {  	[hbm:s1], [sflag:s3] =	dma.local @!p0 [spmem:s2], $0x25800  }
0x51: {  	s1 =	simm.s32 @!p0 $0x3D  }
0x52: {  	_ =	swait.ge @!p0 [sflag:s1], $0x25800  }
0x53: {  	[sflag:s1] =	ssyncset.done @!p0 $0x0  }
0x54: {  	[sflag:s1] =	ssyncadd.s32 @!p0 $0xFFFDA800  }
0x55: {  	[sflag:s1] =	ssyncpa.u1 @!p0 $0x1  }
0x56: {  	[bflag:$0x0] =	sbarrier.arrive @!p0 $0xFFFF  }
0x57: {  	_ =	strace @!p0 $0x90000056  }
0x58: {  	s0 =	sadd.s32 @!p0 $0x100000, s0;
	[bflag:$0x2] =	sbarrier.arrive @!p0 $0xFFFF  }
0x59: {  	[sflag:s0] =	ssyncadd.tile.s32 @!p0 $0x1;
	_ =	shalt  }
.Lfunc_end2:
_tile_overlayer_lowered:
.L_overlay_start_2:
0x5a: {  	(tag) =	ssettag $0x2  }
0x5b: {  	s0 =	rddreg [dreg:$0x0];
	s2 =	stileid.u32  }
0x5c: {  	s1 =	rddreg [dreg:$0x1];
	p0 =	sne.s32 s2, $0x0  }
0x5d: {  	s3 =	rddreg [dreg:$0x2];
	[bflag:$0x3] =	sbarrier.arrive $0xFFFF;
	s2 =	simm.s32 @!p0 $0x1C01  }
0x5e: {  	[timem:s3], [sflag:s2] =	dma.local @!p0 [hbm:s0], s1  }
0x5f: {  	s0 =	simm.s32 @!p0 $0x1  }
0x60: {  	_ =	swait.ge @!p0 [sflag:s0], s1  }
0x61: {  	s1 =	ssub.s32 @!p0 $0x0, s1;
	[sflag:s0] =	ssyncset.done @!p0 $0x0  }
0x62: {  	[sflag:s0] =	ssyncadd.s32 @!p0 s1  }
0x63: {  	[bflag:$0x3] =	sbarrier.arrive $0xFFFF  }
0x64: {  	_ =	shalt  }

</sc_bundles>
